<compile_context>
chip_gen: v7x
topology: tpu7x:2x2x1
jax: 0.10.2.dev20260603
libtpu: 0.0.44.dev20260713+nightly
codegen_flags: <defaults>
</compile_context>

<pallas_src>
import jax
import jax.numpy as jnp
from jax import lax
from jax.experimental import pallas as pl
from jax.experimental.pallas import tpu as pltpu
from jax.experimental.pallas import tpu_sc as plsc

NC = 2
NS = 16
NW = NC * NS
CHUNK = 128

N = 10000
E = 320000
D = 128
G = 64

ECHUNKS = E // CHUNK
BASE = ECHUNKS // NW
XTRA = ECHUNKS - BASE * NW
ACC_PAD = 10240
APT = ACC_PAD // NS
DEG_PAD = 10240
DPT = DEG_PAD // NS

_MESH = plsc.VectorSubcoreMesh(
    core_axis_name="c", subcore_axis_name="s", num_cores=NC, num_subcores=NS)


def _tile_span(cid, sid):
    wid = sid * NC + cid
    start = wid * BASE + jnp.minimum(wid, XTRA)
    has_extra = wid < XTRA
    return start, has_extra


def _deg_body(es_hbm, deg_out, dstv, onesv, zv, degsh):
    cid = lax.axis_index("c")
    sid = lax.axis_index("s")
    start, has_extra = _tile_span(cid, sid)

    def _fill_ones(r, c):
        onesv[pl.ds(r * 16, 16)] = jnp.ones((16,), jnp.float32)
        return c
    lax.fori_loop(0, CHUNK // 16, _fill_ones, 0)

    def _fill_zero(r, c):
        zv[pl.ds(r * 16, 16)] = jnp.zeros((16,), jnp.float32)
        return c
    lax.fori_loop(0, DPT // 16, _fill_zero, 0)

    pltpu.sync_copy(zv, degsh.at[pl.ds(sid * DPT, DPT)])
    pltpu.sync_copy(es_hbm.at[pl.ds(start, BASE), 1], dstv.at[pl.ds(0, BASE)])

    @pl.when(has_extra)
    def _stage_extra():
        pltpu.sync_copy(es_hbm.at[start + BASE, 1], dstv.at[BASE])

    plsc.subcore_barrier()

    def _scat(j, c):
        pltpu.sync_copy(onesv, degsh.at[dstv.at[j]], add=True)
        return c
    lax.fori_loop(0, BASE, _scat, 0)

    @pl.when(has_extra)
    def _scat_extra():
        pltpu.sync_copy(onesv, degsh.at[dstv.at[BASE]], add=True)

    plsc.subcore_barrier()
    pltpu.sync_copy(degsh.at[pl.ds(sid * DPT, DPT)],
                    deg_out.at[cid, pl.ds(sid * DPT, DPT)])


_deg_call = pl.kernel(
    _deg_body,
    out_type=jax.ShapeDtypeStruct((NC, DEG_PAD), jnp.float32),
    mesh=_MESH,
    scratch_types=[
        pltpu.VMEM((BASE + 1, CHUNK), jnp.int32),
        pltpu.VMEM((CHUNK,), jnp.float32),
        pltpu.VMEM((DPT,), jnp.float32),
        pltpu.VMEM_SHARED((DEG_PAD,), jnp.float32),
    ],
)


def _msg_body(hp_hbm, es_hbm, acc_out, srcv, drow, buf0, buf1,
              accsh, sem0, sem1, semd0, semd1):
    cid = lax.axis_index("c")
    sid = lax.axis_index("s")
    start, has_extra = _tile_span(cid, sid)
    cnt = BASE + has_extra.astype(jnp.int32)

    def _zrow(r, c):
        def _z16(k, c2):
            buf0[r, pl.ds(k * 16, 16)] = jnp.zeros((16,), jnp.float32)
            return c2
        lax.fori_loop(0, D // 16, _z16, 0)
        return c
    lax.fori_loop(0, CHUNK, _zrow, 0)

    def _zcp(t, c):
        pltpu.sync_copy(buf0, accsh.at[pl.ds(sid * APT + t * CHUNK, CHUNK)])
        return c
    lax.fori_loop(0, APT // CHUNK, _zcp, 0)

    pltpu.sync_copy(es_hbm.at[pl.ds(start, BASE), 0], srcv.at[pl.ds(0, BASE)])

    @pl.when(has_extra)
    def _stage_extra():
        pltpu.sync_copy(es_hbm.at[start + BASE, 0], srcv.at[BASE])

    plsc.subcore_barrier()

    pltpu.async_copy(hp_hbm.at[srcv.at[0]], buf0, sem0)
    pltpu.async_copy(es_hbm.at[start, 1], drow.at[0], semd0)
    pltpu.async_copy(hp_hbm.at[srcv.at[1]], buf1, sem1)
    pltpu.async_copy(es_hbm.at[start + 1, 1], drow.at[1], semd1)

    def _step(k, c):
        c0 = k * 2
        c1 = c0 + 1
        pltpu.make_async_copy(hp_hbm.at[srcv.at[c0]], buf0, sem0).wait()
        pltpu.make_async_copy(es_hbm.at[start + c0, 1], drow.at[0],
                              semd0).wait()
        pltpu.sync_copy(buf0, accsh.at[drow.at[0]], add=True)

        @pl.when(c0 + 2 < cnt)
        def _pref0():
            pltpu.async_copy(hp_hbm.at[srcv.at[c0 + 2]], buf0, sem0)
            pltpu.async_copy(es_hbm.at[start + c0 + 2, 1], drow.at[0], semd0)

        pltpu.make_async_copy(hp_hbm.at[srcv.at[c1]], buf1, sem1).wait()
        pltpu.make_async_copy(es_hbm.at[start + c1, 1], drow.at[1],
                              semd1).wait()
        pltpu.sync_copy(buf1, accsh.at[drow.at[1]], add=True)

        @pl.when(c1 + 2 < cnt)
        def _pref1():
            pltpu.async_copy(hp_hbm.at[srcv.at[c1 + 2]], buf1, sem1)
            pltpu.async_copy(es_hbm.at[start + c1 + 2, 1], drow.at[1], semd1)

        return c
    lax.fori_loop(0, BASE // 2, _step, 0)

    @pl.when(has_extra)
    def _tail():
        pltpu.make_async_copy(hp_hbm.at[srcv.at[BASE]], buf0, sem0).wait()
        pltpu.make_async_copy(es_hbm.at[start + BASE, 1], drow.at[0],
                              semd0).wait()
        pltpu.sync_copy(buf0, accsh.at[drow.at[0]], add=True)

    plsc.subcore_barrier()

    def _cpo(t, c):
        r0 = sid * APT + t * CHUNK
        pltpu.sync_copy(accsh.at[pl.ds(r0, CHUNK)],
                        acc_out.at[cid, pl.ds(r0, CHUNK)])
        return c
    lax.fori_loop(0, APT // CHUNK, _cpo, 0)


_msg_call = pl.kernel(
    _msg_body,
    out_type=jax.ShapeDtypeStruct((NC, ACC_PAD, D), jnp.float32),
    mesh=_MESH,
    scratch_types=[
        pltpu.VMEM((BASE + 1, CHUNK), jnp.int32),
        pltpu.VMEM((2, CHUNK), jnp.int32),
        pltpu.VMEM((CHUNK, D), jnp.float32),
        pltpu.VMEM((CHUNK, D), jnp.float32),
        pltpu.VMEM_SHARED((ACC_PAD, D), jnp.float32),
        pltpu.SemaphoreType.DMA,
        pltpu.SemaphoreType.DMA,
        pltpu.SemaphoreType.DMA,
        pltpu.SemaphoreType.DMA,
    ],
)


BLK = 2000
NBLK = N // BLK


def _dinv_col(d_ref, i):
    v = d_ref[:, 0, :] + d_ref[:, 1, :]
    base = i * BLK
    r80 = lax.broadcasted_iota(jnp.int32, (BLK, 80), 0) + base
    c80 = lax.broadcasted_iota(jnp.int32, (BLK, 80), 1)
    pick = jnp.where(c80 == (r80 >> 7), 1.0, 0.0)
    m0 = jnp.dot(pick, v, preferred_element_type=jnp.float32)
    rd = lax.broadcasted_iota(jnp.int32, (BLK, D), 0) + base
    fd = lax.broadcasted_iota(jnp.int32, (BLK, D), 1)
    deg = jnp.sum(jnp.where(fd == (rd & 127), m0, 0.0), axis=1, keepdims=True)
    return 1.0 / jnp.sqrt(deg + 1.0)


_DEG_SPEC = pl.BlockSpec((DEG_PAD // CHUNK, NC, CHUNK), lambda i: (0, 0, 0))


def _tc1_body(x_ref, w_ref, deg_ref, hp_ref):
    dinv = _dinv_col(deg_ref, pl.program_id(0))
    hp_ref[...] = jnp.dot(x_ref[...], w_ref[...],
                          preferred_element_type=jnp.float32) * dinv


def _tc1(x, W1, degb):
    return pl.pallas_call(
        _tc1_body,
        grid=(NBLK,),
        in_specs=[
            pl.BlockSpec((BLK, D), lambda i: (i, 0)),
            pl.BlockSpec((D, D), lambda i: (0, 0)),
            _DEG_SPEC,
        ],
        out_specs=pl.BlockSpec((BLK, D), lambda i: (i, 0)),
        out_shape=jax.ShapeDtypeStruct((N, D), jnp.float32),
    )(x, W1, degb)


def _tc2_body(acc_ref, hp_ref, deg_ref, b_ref, w_ref, out_ref):
    dinv = _dinv_col(deg_ref, pl.program_id(0))
    h = (acc_ref[0] + acc_ref[1] + hp_ref[...]) * dinv + b_ref[...][None, :]
    h = jnp.maximum(h, 0.0)
    out_ref[...] = jnp.dot(h, w_ref[...],
                           preferred_element_type=jnp.float32) * dinv


def _tc2(acc, hp, degb, b1, W2):
    return pl.pallas_call(
        _tc2_body,
        grid=(NBLK,),
        in_specs=[
            pl.BlockSpec((NC, BLK, D), lambda i: (0, i, 0)),
            pl.BlockSpec((BLK, D), lambda i: (i, 0)),
            _DEG_SPEC,
            pl.BlockSpec((D,), lambda i: (0,)),
            pl.BlockSpec((D, D), lambda i: (0, 0)),
        ],
        out_specs=pl.BlockSpec((BLK, D), lambda i: (i, 0)),
        out_shape=jax.ShapeDtypeStruct((N, D), jnp.float32),
    )(acc, hp, degb, b1, W2)


def _tc3_body(acc_ref, hp_ref, deg_ref, b_ref, bm_ref, d1_ref, bd1_ref,
              d2_ref, bd2_ref, wct_ref, bc_ref, t_ref, mean_ref, std_ref,
              out_ref, pooled):
    i = pl.program_id(0)

    @pl.when(i == 0)
    def _init():
        pooled[...] = jnp.zeros_like(pooled)

    dinv = _dinv_col(deg_ref, i)
    h = (acc_ref[0] + acc_ref[1] + hp_ref[...]) * dinv + b_ref[...][None, :]
    h = jnp.maximum(h, 0.0)
    bm = bm_ref[0]
    gids = lax.broadcasted_iota(jnp.int32, (G, BLK), 0).astype(jnp.float32)
    onehot = (gids == bm).astype(jnp.float32)
    pooled[...] += jnp.dot(onehot, h, preferred_element_type=jnp.float32)

    @pl.when(i == NBLK - 1)
    def _fin():
        p = jnp.maximum(pooled[...], 0.0)
        h1 = jnp.maximum(
            jnp.dot(p, d1_ref[...], preferred_element_type=jnp.float32)
            + bd1_ref[...][None, :], 0.0)
        h2 = jnp.maximum(
            jnp.dot(h1, d2_ref[...], preferred_element_type=jnp.float32)
            + bd2_ref[...][None, :], 0.0)
        coeff_t = (jnp.dot(wct_ref[...], h2.T,
                           preferred_element_type=jnp.float32)
                   + bc_ref[...])
        a = coeff_t[0]
        b = coeff_t[1]
        cc = coeff_t[2]
        logp = a - b / (t_ref[...] + cc)
        out_ref[...] = (logp - mean_ref[...]) / std_ref[...]


def _tc3(acc, hp, degb, b2, bm_f, D1, bd1, D2, bd2, wc_t, bc2, temperature,
         mean, std):
    return pl.pallas_call(
        _tc3_body,
        grid=(NBLK,),
        in_specs=[
            pl.BlockSpec((NC, BLK, D), lambda i: (0, i, 0)),
            pl.BlockSpec((BLK, D), lambda i: (i, 0)),
            _DEG_SPEC,
            pl.BlockSpec((D,), lambda i: (0,)),
            pl.BlockSpec((1, 1, BLK), lambda i: (i, 0, 0)),
            pl.BlockSpec((D, D), lambda i: (0, 0)),
            pl.BlockSpec((D,), lambda i: (0,)),
            pl.BlockSpec((D, G), lambda i: (0, 0)),
            pl.BlockSpec((G,), lambda i: (0,)),
            pl.BlockSpec((3, G), lambda i: (0, 0)),
            pl.BlockSpec((3, 1), lambda i: (0, 0)),
            pl.BlockSpec((G,), lambda i: (0,)),
            pl.BlockSpec((1,), lambda i: (0,)),
            pl.BlockSpec((1,), lambda i: (0,)),
        ],
        out_specs=pl.BlockSpec((G,), lambda i: (0,)),
        out_shape=jax.ShapeDtypeStruct((G,), jnp.float32),
        scratch_shapes=[pltpu.VMEM((G, D), jnp.float32)],
    )(acc, hp, degb, b2, bm_f, D1, bd1, D2, bd2, wc_t, bc2, temperature,
      mean, std)


def kernel(x, edge_indices, batch_mapping, temperature, mean, std,
           W1, b1, W2, b2, D1, bd1, D2, bd2, Wc, bc):
    f32 = jnp.float32
    es = edge_indices.reshape(2, ECHUNKS, CHUNK).swapaxes(0, 1)
    bm_f = batch_mapping.astype(f32).reshape(NBLK, 1, BLK)
    wc_t = Wc.T
    bc2 = bc.reshape(3, 1)

    degs = _deg_call(es)
    degb = degs.reshape(NC, DEG_PAD // CHUNK, CHUNK).swapaxes(0, 1)
    hp1 = _tc1(x, W1, degb)
    acc1 = _msg_call(hp1, es)
    hp2 = _tc2(acc1, hp1, degb, b1, W2)
    acc2 = _msg_call(hp2, es)
    return _tc3(acc2, hp2, degb, b2, bm_f, D1, bd1, D2, bd2,
                wc_t, bc2, temperature, mean, std)

# --- scband reference (transcript-rebuilt; emitter-appended) ---
"""Pipeline reference for scband-gnnmodel-30451318129175 (READ-ONLY COPY).

The authoritative reference and input builder live on the scoring server;
editing this copy changes nothing except your own understanding.
"""

import jax, jax.numpy as jnp
import numpy as np

N_NODES = 10000
N_EDGES = 320000
D_FEAT = 128
N_GRAPHS = 64


def setup_inputs(seed: int = 0) -> dict:
    key = jax.random.key(seed)
    ks = jax.random.split(key, 16)
    x = jax.random.normal(ks[0], (N_NODES, D_FEAT), dtype=jnp.float32)
    edge_indices = jax.random.randint(ks[1], (2, N_EDGES), 0, N_NODES, dtype=jnp.int32)
    batch_mapping = jnp.sort(jax.random.randint(ks[2], (N_NODES,), 0, N_GRAPHS, dtype=jnp.int32))
    temperature = jax.random.uniform(ks[3], (N_GRAPHS,), dtype=jnp.float32)
    mean = jnp.zeros((1,), dtype=jnp.float32)
    std = jnp.ones((1,), dtype=jnp.float32)
    # learned parameters
    W1 = jax.random.normal(ks[4], (D_FEAT, 128), dtype=jnp.float32) * 0.05
    b1 = jnp.zeros((128,), dtype=jnp.float32)
    W2 = jax.random.normal(ks[5], (128, 128), dtype=jnp.float32) * 0.05
    b2 = jnp.zeros((128,), dtype=jnp.float32)
    D1 = jax.random.normal(ks[6], (128, 128), dtype=jnp.float32) * 0.05
    bd1 = jnp.zeros((128,), dtype=jnp.float32)
    D2 = jax.random.normal(ks[7], (128, 64), dtype=jnp.float32) * 0.05
    bd2 = jnp.zeros((64,), dtype=jnp.float32)
    Wc = jax.random.normal(ks[8], (64, 3), dtype=jnp.float32) * 0.05
    bc = jnp.zeros((3,), dtype=jnp.float32)
    return {"x": x, "edge_indices": edge_indices, "batch_mapping": batch_mapping,
            "temperature": temperature, "mean": mean, "std": std,
            "W1": W1, "b1": b1, "W2": W2, "b2": b2,
            "D1": D1, "bd1": bd1, "D2": D2, "bd2": bd2,
            "Wc": Wc, "bc": bc}


def _gcn_conv(x, src, dst, W, b, n):
    # GCNConv (PyG default): linear transform, add self-loops, symmetric normalization, scatter-add
    h = x @ W
    loop = jnp.arange(n, dtype=src.dtype)
    s = jnp.concatenate([src, loop])
    d = jnp.concatenate([dst, loop])
    deg = jax.ops.segment_sum(jnp.ones(s.shape[0], dtype=h.dtype), d, num_segments=n)
    dinv = jnp.where(deg > 0, 1.0 / jnp.sqrt(deg), 0.0)
    norm = dinv[s] * dinv[d]
    msg = h[s] * norm[:, None]
    out = jax.ops.segment_sum(msg, d, num_segments=n)
    return out + b


def reference(x, edge_indices, batch_mapping, temperature, mean, std,
              W1, b1, W2, b2, D1, bd1, D2, bd2, Wc, bc):
    n = x.shape[0]
    g = temperature.shape[0]
    src = edge_indices[0]
    dst = edge_indices[1]
    h = jax.nn.relu(_gcn_conv(x, src, dst, W1, b1, n))
    h = jax.nn.relu(_gcn_conv(h, src, dst, W2, b2, n))
    pooled = jax.ops.segment_sum(h, batch_mapping, num_segments=g)  # global_add_pool
    pooled = jax.nn.relu(pooled)
    h = jax.nn.relu(pooled @ D1 + bd1)  # dropout p=0.0 -> identity
    h = jax.nn.relu(h @ D2 + bd2)
    coeff = h @ Wc + bc
    A = coeff[:, 0]
    B = coeff[:, 1]
    C = coeff[:, 2]
    log_P = A - B / (temperature + C)
    log_P = (log_P - mean) / std
    return log_P

if __name__ == "__main__":
    import jax
    _d = setup_inputs()
    print(jax.jit(kernel)(*tuple(_d.values())))

</pallas_src>

<mosaic_0001>
#map = affine_map<(d0, d1) -> (0, 0)>
#map1 = affine_map<(d0, d1) -> (0, 0, 0)>
module attributes {stable_mosaic.version = 14 : i64} {
  func.func @_msg_body(%arg0: i32, %arg1: i32, %arg2: memref<10000x128xf32, #tpu.memory_space<hbm>>, %arg3: memref<2500x2x128xi32, #tpu.memory_space<hbm>>, %arg4: memref<2x10240x128xf32, #tpu.memory_space<hbm>>, %arg5: memref<79x128xi32, #tpu.memory_space<vmem>>, %arg6: memref<2x128xi32, #tpu.memory_space<vmem>>, %arg7: memref<128x128xf32, #tpu.memory_space<vmem>>, %arg8: memref<128x128xf32, #tpu.memory_space<vmem>>, %arg9: memref<10240x128xf32, #tpu.memory_space<vmem_shared>>, %arg10: memref<!tpu.dma_semaphore, #tpu.memory_space<semaphore_mem>>, %arg11: memref<!tpu.dma_semaphore, #tpu.memory_space<semaphore_mem>>, %arg12: memref<!tpu.dma_semaphore, #tpu.memory_space<semaphore_mem>>, %arg13: memref<!tpu.dma_semaphore, #tpu.memory_space<semaphore_mem>>) attributes {dimension_semantics = [#tpu.dimension_semantics<core_parallel>, #tpu.dimension_semantics<subcore_parallel>], iteration_bounds = array<i64: 2, 16>, scalar_prefetch = 0 : i64, scratch_operands = 9 : i64, tpu.core_type = #tpu.core_type<sc_vector_subcore>, window_params = [{transform_indices = #map}, {transform_indices = #map1}, {transform_indices = #map1}]} {
    %mul3A = arith.constant 2 : i32
    %mul3A_0 = arith.muli %arg1, %mul3A : i32
    %add3A = arith.addi %mul3A_0, %arg0 : i32
    %mul3A_1 = arith.constant 78 : i32
    %mul3A_2 = arith.muli %add3A, %mul3A_1 : i32
    %min3A = arith.constant 4 : i32
    %min3A_3 = arith.minsi %add3A, %min3A : i32
    %add3A_4 = arith.addi %mul3A_2, %min3A_3 : i32
    %lt3A = arith.constant 4 : i32
    %lt3A_5 = arith.cmpi slt, %add3A, %lt3A : i32
    %convert_element_type3A = arith.extui %lt3A_5 : i1 to i32
    %add3A_6 = arith.constant 78 : i32
    %add3A_7 = arith.addi %add3A_6, %convert_element_type3A : i32
    %scan3A = arith.constant 0 : i32
    %scan3A_8 = arith.constant 0 : i32
    %scan3A_9 = arith.constant 128 : i32
    %scan3A_10 = arith.addi %scan3A_8, %scan3A_9 : i32
    %scan3A_11 = arith.constant 1 : i32
    scf.for %scan3A_80 = %scan3A_8 to %scan3A_10 step %scan3A_11  : i32 {
      %scan3A_81 = arith.constant 0 : i32
      %scan3A_82 = arith.constant 0 : i32
      %scan3A_83 = arith.constant 8 : i32
      %scan3A_84 = arith.addi %scan3A_82, %scan3A_83 : i32
      %scan3A_85 = arith.constant 1 : i32
      scf.for %scan3A_87 = %scan3A_82 to %scan3A_84 step %scan3A_85  : i32 {
        %broadcast_in_dim3A = arith.constant 0.000000e+00 : f32
        %broadcast_in_dim3A_88 = vector.broadcast %broadcast_in_dim3A : f32 to vector<16xf32>
        %mul3A_89 = arith.constant 16 : i32
        %mul3A_90 = arith.muli %scan3A_87, %mul3A_89 : i32
        %swap3A = arith.index_cast %scan3A_80 : i32 to index
        %swap3A_91 = arith.index_cast %mul3A_90 : i32 to index
        %swap3A_92 = tpu.vector_load %arg7[%swap3A, %swap3A_91] {strides = array<i32>} : memref<128x128xf32, #tpu.memory_space<vmem>>, vector<1x16xf32>,
        %swap3A_93 = vector.shape_cast %swap3A_92 : vector<1x16xf32> to vector<16xf32>
        %swap3A_94 = vector.shape_cast %broadcast_in_dim3A_88 : vector<16xf32> to vector<1x16xf32>
        tpu.vector_store %arg7[%swap3A, %swap3A_91], %swap3A_94 {strides = array<i32>} : memref<128x128xf32, #tpu.memory_space<vmem>>, vector<1x16xf32>,
      }
      %scan3A_86 = arith.constant 8 : i32
    }
    %scan3A_12 = arith.constant 128 : i32
    %scan3A_13 = arith.constant 0 : i32
    %scan3A_14 = arith.constant 0 : i32
    %scan3A_15 = arith.constant 5 : i32
    %scan3A_16 = arith.addi %scan3A_14, %scan3A_15 : i32
    %scan3A_17 = arith.constant 1 : i32
    scf.for %scan3A_80 = %scan3A_14 to %scan3A_16 step %scan3A_17  : i32 {
      %mul3A_81 = arith.constant 640 : i32
      %mul3A_82 = arith.muli %arg1, %mul3A_81 : i32
      %mul3A_83 = arith.constant 128 : i32
      %mul3A_84 = arith.muli %scan3A_80, %mul3A_83 : i32
      %add3A_85 = arith.addi %mul3A_82, %mul3A_84 : i32
      "tpu.region"() ({
        %run_scoped3A_86 = tpu.sem_alloc : memref<!tpu.dma_semaphore, #tpu.memory_space<semaphore_mem>>
        %dma_start3A_87 = arith.constant 0 : i32
        %dma_start3A_88 = tpu.memref_slice %arg9[%add3A_85, %dma_start3A_87] : memref<10240x128xf32, #tpu.memory_space<vmem_shared>> -> memref<128x128xf32, #tpu.memory_space<vmem_shared>>
        %dma_start3A_89 = arith.constant 0 : i32
        %dma_start3A_90 = tpu.memref_slice %arg9[%add3A_85, %dma_start3A_89] : memref<10240x128xf32, #tpu.memory_space<vmem_shared>> -> memref<128x128xf32, #tpu.memory_space<vmem_shared>>
        tpu.enqueue_dma source(%arg7 : memref<128x128xf32, #tpu.memory_space<vmem>>) target(%dma_start3A_90 : memref<128x128xf32, #tpu.memory_space<vmem_shared>>) target_semaphore(%run_scoped3A_86 : memref<!tpu.dma_semaphore, #tpu.memory_space<semaphore_mem>>)
        %dma_wait3A = arith.constant 0 : i32
        %dma_wait3A_91 = tpu.memref_slice %arg9[%add3A_85, %dma_wait3A] : memref<10240x128xf32, #tpu.memory_space<vmem_shared>> -> memref<128x128xf32, #tpu.memory_space<vmem_shared>>
        %dma_wait3A_92 = arith.constant 0 : i32
        %dma_wait3A_93 = tpu.memref_slice %arg9[%add3A_85, %dma_wait3A_92] : memref<10240x128xf32, #tpu.memory_space<vmem_shared>> -> memref<128x128xf32, #tpu.memory_space<vmem_shared>>
        tpu.wait_dma2 semaphore(%run_scoped3A_86 : memref<!tpu.dma_semaphore, #tpu.memory_space<semaphore_mem>>) src(%arg7 : memref<128x128xf32, #tpu.memory_space<vmem>>) dst(%dma_wait3A_93 : memref<128x128xf32, #tpu.memory_space<vmem_shared>>)
        tpu.yield
      }) : () -> ()
    }
    %scan3A_18 = arith.constant 5 : i32
    %run_scoped3A = arith.constant 0 : i32
    "tpu.region"() ({
      %run_scoped3A_80 = tpu.sem_alloc : memref<!tpu.dma_semaphore, #tpu.memory_space<semaphore_mem>>
      %dma_start3A_81 = arith.constant 0 : i32
      %dma_start3A_82 = arith.constant 0 : i32
      %dma_start3A_83 = tpu.memref_slice %arg5[%dma_start3A_81, %dma_start3A_82] : memref<79x128xi32, #tpu.memory_space<vmem>> -> memref<78x128xi32, #tpu.memory_space<vmem>>
      %dma_start3A_84 = arith.constant 0 : i32
      %dma_start3A_85 = tpu.memref_slice %arg3[%add3A_4, %run_scoped3A, %dma_start3A_84] : memref<2500x2x128xi32, #tpu.memory_space<hbm>> -> memref<78x1x128xi32, #tpu.memory_space<hbm>>
      %dma_start3A_86 = tpu.memref_squeeze %dma_start3A_85 : memref<78x1x128xi32, #tpu.memory_space<hbm>> -> memref<78x128xi32, #tpu.memory_space<hbm>>
      %dma_start3A_87 = arith.constant 0 : i32
      %dma_start3A_88 = arith.constant 0 : i32
      %dma_start3A_89 = tpu.memref_slice %arg5[%dma_start3A_87, %dma_start3A_88] : memref<79x128xi32, #tpu.memory_space<vmem>> -> memref<78x128xi32, #tpu.memory_space<vmem>>
      %dma_start3A_90 = arith.constant 0 : i32
      %dma_start3A_91 = tpu.memref_slice %arg3[%add3A_4, %run_scoped3A, %dma_start3A_90] : memref<2500x2x128xi32, #tpu.memory_space<hbm>> -> memref<78x1x128xi32, #tpu.memory_space<hbm>>
      %dma_start3A_92 = tpu.memref_squeeze %dma_start3A_91 : memref<78x1x128xi32, #tpu.memory_space<hbm>> -> memref<78x128xi32, #tpu.memory_space<hbm>>
      tpu.enqueue_dma source(%dma_start3A_92 : memref<78x128xi32, #tpu.memory_space<hbm>>) target(%dma_start3A_89 : memref<78x128xi32, #tpu.memory_space<vmem>>) target_semaphore(%run_scoped3A_80 : memref<!tpu.dma_semaphore, #tpu.memory_space<semaphore_mem>>)
      %dma_wait3A = arith.constant 0 : i32
      %dma_wait3A_93 = arith.constant 0 : i32
      %dma_wait3A_94 = tpu.memref_slice %arg5[%dma_wait3A, %dma_wait3A_93] : memref<79x128xi32, #tpu.memory_space<vmem>> -> memref<78x128xi32, #tpu.memory_space<vmem>>
      %dma_wait3A_95 = arith.constant 0 : i32
      %dma_wait3A_96 = tpu.memref_slice %arg3[%add3A_4, %run_scoped3A, %dma_wait3A_95] : memref<2500x2x128xi32, #tpu.memory_space<hbm>> -> memref<78x1x128xi32, #tpu.memory_space<hbm>>
      %dma_wait3A_97 = tpu.memref_squeeze %dma_wait3A_96 : memref<78x1x128xi32, #tpu.memory_space<hbm>> -> memref<78x128xi32, #tpu.memory_space<hbm>>
      %dma_wait3A_98 = arith.constant 0 : i32
      %dma_wait3A_99 = arith.constant 0 : i32
      %dma_wait3A_100 = tpu.memref_slice %arg5[%dma_wait3A_98, %dma_wait3A_99] : memref<79x128xi32, #tpu.memory_space<vmem>> -> memref<78x128xi32, #tpu.memory_space<vmem>>
      %dma_wait3A_101 = arith.constant 0 : i32
      %dma_wait3A_102 = tpu.memref_slice %arg3[%add3A_4, %run_scoped3A, %dma_wait3A_101] : memref<2500x2x128xi32, #tpu.memory_space<hbm>> -> memref<78x1x128xi32, #tpu.memory_space<hbm>>
      %dma_wait3A_103 = tpu.memref_squeeze %dma_wait3A_102 : memref<78x1x128xi32, #tpu.memory_space<hbm>> -> memref<78x128xi32, #tpu.memory_space<hbm>>
      tpu.wait_dma2 semaphore(%run_scoped3A_80 : memref<!tpu.dma_semaphore, #tpu.memory_space<semaphore_mem>>) src(%dma_wait3A_103 : memref<78x128xi32, #tpu.memory_space<hbm>>) dst(%dma_wait3A_100 : memref<78x128xi32, #tpu.memory_space<vmem>>)
      tpu.yield
    }) : () -> ()
    %convert_element_type3A_19 = arith.extui %lt3A_5 : i1 to i32
    %cond3A = arith.constant 0 : i32
    %cond3A_20 = arith.cmpi ne, %convert_element_type3A_19, %cond3A : i32
    scf.if %cond3A_20 {
      %add3A_80 = arith.constant 78 : i32
      %add3A_81 = arith.addi %add3A_4, %add3A_80 : i32
      %run_scoped3A_82 = arith.constant 0 : i32
      %run_scoped3A_83 = arith.constant 78 : i32
      "tpu.region"() ({
        %run_scoped3A_84 = tpu.sem_alloc : memref<!tpu.dma_semaphore, #tpu.memory_space<semaphore_mem>>
        %dma_start3A_85 = arith.constant 0 : i32
        %dma_start3A_86 = tpu.memref_slice %arg5[%run_scoped3A_83, %dma_start3A_85] : memref<79x128xi32, #tpu.memory_space<vmem>> -> memref<1x128xi32, #tpu.memory_space<vmem>>
        %dma_start3A_87 = tpu.memref_squeeze %dma_start3A_86 : memref<1x128xi32, #tpu.memory_space<vmem>> -> memref<128xi32, #tpu.memory_space<vmem>>
        %dma_start3A_88 = arith.constant 0 : i32
        %dma_start3A_89 = tpu.memref_slice %arg3[%add3A_81, %run_scoped3A_82, %dma_start3A_88] : memref<2500x2x128xi32, #tpu.memory_space<hbm>> -> memref<1x1x128xi32, #tpu.memory_space<hbm>>
        %dma_start3A_90 = tpu.memref_squeeze %dma_start3A_89 : memref<1x1x128xi32, #tpu.memory_space<hbm>> -> memref<128xi32, #tpu.memory_space<hbm>>
        %dma_start3A_91 = arith.constant 0 : i32
        %dma_start3A_92 = tpu.memref_slice %arg5[%run_scoped3A_83, %dma_start3A_91] : memref<79x128xi32, #tpu.memory_space<vmem>> -> memref<1x128xi32, #tpu.memory_space<vmem>>
        %dma_start3A_93 = tpu.memref_squeeze %dma_start3A_92 : memref<1x128xi32, #tpu.memory_space<vmem>> -> memref<128xi32, #tpu.memory_space<vmem>>
        %dma_start3A_94 = arith.constant 0 : i32
        %dma_start3A_95 = tpu.memref_slice %arg3[%add3A_81, %run_scoped3A_82, %dma_start3A_94] : memref<2500x2x128xi32, #tpu.memory_space<hbm>> -> memref<1x1x128xi32, #tpu.memory_space<hbm>>
        %dma_start3A_96 = tpu.memref_squeeze %dma_start3A_95 : memref<1x1x128xi32, #tpu.memory_space<hbm>> -> memref<128xi32, #tpu.memory_space<hbm>>
        tpu.enqueue_dma source(%dma_start3A_96 : memref<128xi32, #tpu.memory_space<hbm>>) target(%dma_start3A_93 : memref<128xi32, #tpu.memory_space<vmem>>) target_semaphore(%run_scoped3A_84 : memref<!tpu.dma_semaphore, #tpu.memory_space<semaphore_mem>>)
        %dma_wait3A = arith.constant 0 : i32
        %dma_wait3A_97 = tpu.memref_slice %arg5[%run_scoped3A_83, %dma_wait3A] : memref<79x128xi32, #tpu.memory_space<vmem>> -> memref<1x128xi32, #tpu.memory_space<vmem>>
        %dma_wait3A_98 = tpu.memref_squeeze %dma_wait3A_97 : memref<1x128xi32, #tpu.memory_space<vmem>> -> memref<128xi32, #tpu.memory_space<vmem>>
        %dma_wait3A_99 = arith.constant 0 : i32
        %dma_wait3A_100 = tpu.memref_slice %arg3[%add3A_81, %run_scoped3A_82, %dma_wait3A_99] : memref<2500x2x128xi32, #tpu.memory_space<hbm>> -> memref<1x1x128xi32, #tpu.memory_space<hbm>>
        %dma_wait3A_101 = tpu.memref_squeeze %dma_wait3A_100 : memref<1x1x128xi32, #tpu.memory_space<hbm>> -> memref<128xi32, #tpu.memory_space<hbm>>
        %dma_wait3A_102 = arith.constant 0 : i32
        %dma_wait3A_103 = tpu.memref_slice %arg5[%run_scoped3A_83, %dma_wait3A_102] : memref<79x128xi32, #tpu.memory_space<vmem>> -> memref<1x128xi32, #tpu.memory_space<vmem>>
        %dma_wait3A_104 = tpu.memref_squeeze %dma_wait3A_103 : memref<1x128xi32, #tpu.memory_space<vmem>> -> memref<128xi32, #tpu.memory_space<vmem>>
        %dma_wait3A_105 = arith.constant 0 : i32
        %dma_wait3A_106 = tpu.memref_slice %arg3[%add3A_81, %run_scoped3A_82, %dma_wait3A_105] : memref<2500x2x128xi32, #tpu.memory_space<hbm>> -> memref<1x1x128xi32, #tpu.memory_space<hbm>>
        %dma_wait3A_107 = tpu.memref_squeeze %dma_wait3A_106 : memref<1x1x128xi32, #tpu.memory_space<hbm>> -> memref<128xi32, #tpu.memory_space<hbm>>
        tpu.wait_dma2 semaphore(%run_scoped3A_84 : memref<!tpu.dma_semaphore, #tpu.memory_space<semaphore_mem>>) src(%dma_wait3A_107 : memref<128xi32, #tpu.memory_space<hbm>>) dst(%dma_wait3A_104 : memref<128xi32, #tpu.memory_space<vmem>>)
        tpu.yield
      }) : () -> ()
    } else {
    }
    %barrier3A = arith.constant 0 : index
    tpu.barrier barrier_id(%barrier3A)
    %dma_start3A = arith.constant 0 : i32
    %dma_start3A_21 = arith.constant 0 : i32
    %dma_start3A_22 = tpu.memref_slice %arg5[%dma_start3A, %dma_start3A_21] : memref<79x128xi32, #tpu.memory_space<vmem>> -> memref<1x128xi32, #tpu.memory_space<vmem>>
    %dma_start3A_23 = tpu.memref_squeeze %dma_start3A_22 : memref<1x128xi32, #tpu.memory_space<vmem>> -> memref<128xi32, #tpu.memory_space<vmem>>
    %dma_start3A_24 = arith.constant 0 : i32
    %dma_start3A_25 = arith.constant 0 : i32
    %dma_start3A_26 = tpu.memref_slice %arg2[%dma_start3A_24, %dma_start3A_25] : memref<10000x128xf32, #tpu.memory_space<hbm>> -> memref<10000x128xf32, #tpu.memory_space<hbm>>
    tpu.enqueue_indirect_dma source(%dma_start3A_26 : memref<10000x128xf32, #tpu.memory_space<hbm>>) target(%arg7 : memref<128x128xf32, #tpu.memory_space<vmem>>) offsets(%dma_start3A_23 : memref<128xi32, #tpu.memory_space<vmem>>) semaphore(%arg10 : memref<!tpu.dma_semaphore, #tpu.memory_space<semaphore_mem>>)
    %dma_start3A_27 = arith.constant 1 : i32
    %dma_start3A_28 = arith.constant 0 : i32
    %dma_start3A_29 = arith.constant 0 : i32
    %dma_start3A_30 = tpu.memref_slice %arg6[%dma_start3A_28, %dma_start3A_29] : memref<2x128xi32, #tpu.memory_space<vmem>> -> memref<1x128xi32, #tpu.memory_space<vmem>>
    %dma_start3A_31 = tpu.memref_squeeze %dma_start3A_30 : memref<1x128xi32, #tpu.memory_space<vmem>> -> memref<128xi32, #tpu.memory_space<vmem>>
    %dma_start3A_32 = arith.constant 0 : i32
    %dma_start3A_33 = tpu.memref_slice %arg3[%add3A_4, %dma_start3A_27, %dma_start3A_32] : memref<2500x2x128xi32, #tpu.memory_space<hbm>> -> memref<1x1x128xi32, #tpu.memory_space<hbm>>
    %dma_start3A_34 = tpu.memref_squeeze %dma_start3A_33 : memref<1x1x128xi32, #tpu.memory_space<hbm>> -> memref<128xi32, #tpu.memory_space<hbm>>
    %dma_start3A_35 = arith.constant 0 : i32
    %dma_start3A_36 = tpu.memref_slice %arg6[%dma_start3A_28, %dma_start3A_35] : memref<2x128xi32, #tpu.memory_space<vmem>> -> memref<1x128xi32, #tpu.memory_space<vmem>>
    %dma_start3A_37 = tpu.memref_squeeze %dma_start3A_36 : memref<1x128xi32, #tpu.memory_space<vmem>> -> memref<128xi32, #tpu.memory_space<vmem>>
    %dma_start3A_38 = arith.constant 0 : i32
    %dma_start3A_39 = tpu.memref_slice %arg3[%add3A_4, %dma_start3A_27, %dma_start3A_38] : memref<2500x2x128xi32, #tpu.memory_space<hbm>> -> memref<1x1x128xi32, #tpu.memory_space<hbm>>
    %dma_start3A_40 = tpu.memref_squeeze %dma_start3A_39 : memref<1x1x128xi32, #tpu.memory_space<hbm>> -> memref<128xi32, #tpu.memory_space<hbm>>
    tpu.enqueue_dma source(%dma_start3A_40 : memref<128xi32, #tpu.memory_space<hbm>>) target(%dma_start3A_37 : memref<128xi32, #tpu.memory_space<vmem>>) target_semaphore(%arg12 : memref<!tpu.dma_semaphore, #tpu.memory_space<semaphore_mem>>)
    %dma_start3A_41 = arith.constant 1 : i32
    %dma_start3A_42 = arith.constant 0 : i32
    %dma_start3A_43 = tpu.memref_slice %arg5[%dma_start3A_41, %dma_start3A_42] : memref<79x128xi32, #tpu.memory_space<vmem>> -> memref<1x128xi32, #tpu.memory_space<vmem>>
    %dma_start3A_44 = tpu.memref_squeeze %dma_start3A_43 : memref<1x128xi32, #tpu.memory_space<vmem>> -> memref<128xi32, #tpu.memory_space<vmem>>
    %dma_start3A_45 = arith.constant 0 : i32
    %dma_start3A_46 = arith.constant 0 : i32
    %dma_start3A_47 = tpu.memref_slice %arg2[%dma_start3A_45, %dma_start3A_46] : memref<10000x128xf32, #tpu.memory_space<hbm>> -> memref<10000x128xf32, #tpu.memory_space<hbm>>
    tpu.enqueue_indirect_dma source(%dma_start3A_47 : memref<10000x128xf32, #tpu.memory_space<hbm>>) target(%arg8 : memref<128x128xf32, #tpu.memory_space<vmem>>) offsets(%dma_start3A_44 : memref<128xi32, #tpu.memory_space<vmem>>) semaphore(%arg11 : memref<!tpu.dma_semaphore, #tpu.memory_space<semaphore_mem>>)
    %add3A_48 = arith.constant 1 : i32
    %add3A_49 = arith.addi %add3A_4, %add3A_48 : i32
    %dma_start3A_50 = arith.constant 1 : i32
    %dma_start3A_51 = arith.constant 1 : i32
    %dma_start3A_52 = arith.constant 0 : i32
    %dma_start3A_53 = tpu.memref_slice %arg6[%dma_start3A_51, %dma_start3A_52] : memref<2x128xi32, #tpu.memory_space<vmem>> -> memref<1x128xi32, #tpu.memory_space<vmem>>
    %dma_start3A_54 = tpu.memref_squeeze %dma_start3A_53 : memref<1x128xi32, #tpu.memory_space<vmem>> -> memref<128xi32, #tpu.memory_space<vmem>>
    %dma_start3A_55 = arith.constant 0 : i32
    %dma_start3A_56 = tpu.memref_slice %arg3[%add3A_49, %dma_start3A_50, %dma_start3A_55] : memref<2500x2x128xi32, #tpu.memory_space<hbm>> -> memref<1x1x128xi32, #tpu.memory_space<hbm>>
    %dma_start3A_57 = tpu.memref_squeeze %dma_start3A_56 : memref<1x1x128xi32, #tpu.memory_space<hbm>> -> memref<128xi32, #tpu.memory_space<hbm>>
    %dma_start3A_58 = arith.constant 0 : i32
    %dma_start3A_59 = tpu.memref_slice %arg6[%dma_start3A_51, %dma_start3A_58] : memref<2x128xi32, #tpu.memory_space<vmem>> -> memref<1x128xi32, #tpu.memory_space<vmem>>
    %dma_start3A_60 = tpu.memref_squeeze %dma_start3A_59 : memref<1x128xi32, #tpu.memory_space<vmem>> -> memref<128xi32, #tpu.memory_space<vmem>>
    %dma_start3A_61 = arith.constant 0 : i32
    %dma_start3A_62 = tpu.memref_slice %arg3[%add3A_49, %dma_start3A_50, %dma_start3A_61] : memref<2500x2x128xi32, #tpu.memory_space<hbm>> -> memref<1x1x128xi32, #tpu.memory_space<hbm>>
    %dma_start3A_63 = tpu.memref_squeeze %dma_start3A_62 : memref<1x1x128xi32, #tpu.memory_space<hbm>> -> memref<128xi32, #tpu.memory_space<hbm>>
    tpu.enqueue_dma source(%dma_start3A_63 : memref<128xi32, #tpu.memory_space<hbm>>) target(%dma_start3A_60 : memref<128xi32, #tpu.memory_space<vmem>>) target_semaphore(%arg13 : memref<!tpu.dma_semaphore, #tpu.memory_space<semaphore_mem>>)
    %scan3A_64 = arith.constant 0 : i32
    %scan3A_65 = arith.constant 0 : i32
    %scan3A_66 = arith.constant 39 : i32
    %scan3A_67 = arith.addi %scan3A_65, %scan3A_66 : i32
    %scan3A_68 = arith.constant 1 : i32
    scf.for %scan3A_80 = %scan3A_65 to %scan3A_67 step %scan3A_68  : i32 {
      %mul3A_81 = arith.constant 2 : i32
      %mul3A_82 = arith.muli %scan3A_80, %mul3A_81 : i32
      %add3A_83 = arith.constant 1 : i32
      %add3A_84 = arith.addi %mul3A_82, %add3A_83 : i32
      %dma_wait3A = arith.constant 0 : i32
      %dma_wait3A_85 = tpu.memref_slice %arg5[%mul3A_82, %dma_wait3A] : memref<79x128xi32, #tpu.memory_space<vmem>> -> memref<1x128xi32, #tpu.memory_space<vmem>>
      %dma_wait3A_86 = tpu.memref_squeeze %dma_wait3A_85 : memref<1x128xi32, #tpu.memory_space<vmem>> -> memref<128xi32, #tpu.memory_space<vmem>>
      %dma_wait3A_87 = arith.constant 0 : i32
      %dma_wait3A_88 = arith.constant 0 : i32
      %dma_wait3A_89 = tpu.memref_slice %arg2[%dma_wait3A_87, %dma_wait3A_88] : memref<10000x128xf32, #tpu.memory_space<hbm>> -> memref<10000x128xf32, #tpu.memory_space<hbm>>
      tpu.wait_indirect_dma semaphore(%arg10 : memref<!tpu.dma_semaphore, #tpu.memory_space<semaphore_mem>>) src(%dma_wait3A_89 : memref<10000x128xf32, #tpu.memory_space<hbm>>) dst(%arg7 : memref<128x128xf32, #tpu.memory_space<vmem>>)
      %add3A_90 = arith.addi %add3A_4, %mul3A_82 : i32
      %dma_wait3A_91 = arith.constant 1 : i32
      %dma_wait3A_92 = arith.constant 0 : i32
      %dma_wait3A_93 = arith.constant 0 : i32
      %dma_wait3A_94 = tpu.memref_slice %arg6[%dma_wait3A_92, %dma_wait3A_93] : memref<2x128xi32, #tpu.memory_space<vmem>> -> memref<1x128xi32, #tpu.memory_space<vmem>>
      %dma_wait3A_95 = tpu.memref_squeeze %dma_wait3A_94 : memref<1x128xi32, #tpu.memory_space<vmem>> -> memref<128xi32, #tpu.memory_space<vmem>>
      %dma_wait3A_96 = arith.constant 0 : i32
      %dma_wait3A_97 = tpu.memref_slice %arg3[%add3A_90, %dma_wait3A_91, %dma_wait3A_96] : memref<2500x2x128xi32, #tpu.memory_space<hbm>> -> memref<1x1x128xi32, #tpu.memory_space<hbm>>
      %dma_wait3A_98 = tpu.memref_squeeze %dma_wait3A_97 : memref<1x1x128xi32, #tpu.memory_space<hbm>> -> memref<128xi32, #tpu.memory_space<hbm>>
      %dma_wait3A_99 = arith.constant 0 : i32
      %dma_wait3A_100 = tpu.memref_slice %arg6[%dma_wait3A_92, %dma_wait3A_99] : memref<2x128xi32, #tpu.memory_space<vmem>> -> memref<1x128xi32, #tpu.memory_space<vmem>>
      %dma_wait3A_101 = tpu.memref_squeeze %dma_wait3A_100 : memref<1x128xi32, #tpu.memory_space<vmem>> -> memref<128xi32, #tpu.memory_space<vmem>>
      %dma_wait3A_102 = arith.constant 0 : i32
      %dma_wait3A_103 = tpu.memref_slice %arg3[%add3A_90, %dma_wait3A_91, %dma_wait3A_102] : memref<2500x2x128xi32, #tpu.memory_space<hbm>> -> memref<1x1x128xi32, #tpu.memory_space<hbm>>
      %dma_wait3A_104 = tpu.memref_squeeze %dma_wait3A_103 : memref<1x1x128xi32, #tpu.memory_space<hbm>> -> memref<128xi32, #tpu.memory_space<hbm>>
      tpu.wait_dma2 semaphore(%arg12 : memref<!tpu.dma_semaphore, #tpu.memory_space<semaphore_mem>>) src(%dma_wait3A_104 : memref<128xi32, #tpu.memory_space<hbm>>) dst(%dma_wait3A_101 : memref<128xi32, #tpu.memory_space<vmem>>)
      %run_scoped3A_105 = arith.constant 0 : i32
      "tpu.region"() ({
        %run_scoped3A_140 = tpu.sem_alloc : memref<!tpu.dma_semaphore, #tpu.memory_space<semaphore_mem>>
        %dma_start3A_141 = arith.constant 0 : i32
        %dma_start3A_142 = tpu.memref_slice %arg6[%run_scoped3A_105, %dma_start3A_141] : memref<2x128xi32, #tpu.memory_space<vmem>> -> memref<1x128xi32, #tpu.memory_space<vmem>>
        %dma_start3A_143 = tpu.memref_squeeze %dma_start3A_142 : memref<1x128xi32, #tpu.memory_space<vmem>> -> memref<128xi32, #tpu.memory_space<vmem>>
        %dma_start3A_144 = arith.constant 0 : i32
        %dma_start3A_145 = arith.constant 0 : i32
        %dma_start3A_146 = tpu.memref_slice %arg9[%dma_start3A_144, %dma_start3A_145] : memref<10240x128xf32, #tpu.memory_space<vmem_shared>> -> memref<10240x128xf32, #tpu.memory_space<vmem_shared>>
        tpu.enqueue_indirect_dma source(%arg7 : memref<128x128xf32, #tpu.memory_space<vmem>>) target(%dma_start3A_146 : memref<10240x128xf32, #tpu.memory_space<vmem_shared>>) offsets(%dma_start3A_143 : memref<128xi32, #tpu.memory_space<vmem>>) semaphore(%run_scoped3A_140 : memref<!tpu.dma_semaphore, #tpu.memory_space<semaphore_mem>>) {add = true}
        %dma_wait3A_147 = arith.constant 0 : i32
        %dma_wait3A_148 = tpu.memref_slice %arg6[%run_scoped3A_105, %dma_wait3A_147] : memref<2x128xi32, #tpu.memory_space<vmem>> -> memref<1x128xi32, #tpu.memory_space<vmem>>
        %dma_wait3A_149 = tpu.memref_squeeze %dma_wait3A_148 : memref<1x128xi32, #tpu.memory_space<vmem>> -> memref<128xi32, #tpu.memory_space<vmem>>
        %dma_wait3A_150 = arith.constant 0 : i32
        %dma_wait3A_151 = arith.constant 0 : i32
        %dma_wait3A_152 = tpu.memref_slice %arg9[%dma_wait3A_150, %dma_wait3A_151] : memref<10240x128xf32, #tpu.memory_space<vmem_shared>> -> memref<10240x128xf32, #tpu.memory_space<vmem_shared>>
        tpu.wait_indirect_dma semaphore(%run_scoped3A_140 : memref<!tpu.dma_semaphore, #tpu.memory_space<semaphore_mem>>) src(%arg7 : memref<128x128xf32, #tpu.memory_space<vmem>>) dst(%dma_wait3A_152 : memref<10240x128xf32, #tpu.memory_space<vmem_shared>>)
        tpu.yield
      }) : () -> ()
      %add3A_106 = arith.constant 2 : i32
      %add3A_107 = arith.addi %mul3A_82, %add3A_106 : i32
      %lt3A_108 = arith.cmpi slt, %add3A_107, %add3A_7 : i32
      %convert_element_type3A_109 = arith.extui %lt3A_108 : i1 to i32
      %cond3A_110 = arith.constant 0 : i32
      %cond3A_111 = arith.cmpi ne, %convert_element_type3A_109, %cond3A_110 : i32
      scf.if %cond3A_111 {
        %add3A_140 = arith.constant 2 : i32
        %add3A_141 = arith.addi %mul3A_82, %add3A_140 : i32
        %dma_start3A_142 = arith.constant 0 : i32
        %dma_start3A_143 = tpu.memref_slice %arg5[%add3A_141, %dma_start3A_142] : memref<79x128xi32, #tpu.memory_space<vmem>> -> memref<1x128xi32, #tpu.memory_space<vmem>>
        %dma_start3A_144 = tpu.memref_squeeze %dma_start3A_143 : memref<1x128xi32, #tpu.memory_space<vmem>> -> memref<128xi32, #tpu.memory_space<vmem>>
        %dma_start3A_145 = arith.constant 0 : i32
        %dma_start3A_146 = arith.constant 0 : i32
        %dma_start3A_147 = tpu.memref_slice %arg2[%dma_start3A_145, %dma_start3A_146] : memref<10000x128xf32, #tpu.memory_space<hbm>> -> memref<10000x128xf32, #tpu.memory_space<hbm>>
        tpu.enqueue_indirect_dma source(%dma_start3A_147 : memref<10000x128xf32, #tpu.memory_space<hbm>>) target(%arg7 : memref<128x128xf32, #tpu.memory_space<vmem>>) offsets(%dma_start3A_144 : memref<128xi32, #tpu.memory_space<vmem>>) semaphore(%arg10 : memref<!tpu.dma_semaphore, #tpu.memory_space<semaphore_mem>>)
        %add3A_148 = arith.addi %add3A_4, %mul3A_82 : i32
        %add3A_149 = arith.constant 2 : i32
        %add3A_150 = arith.addi %add3A_148, %add3A_149 : i32
        %dma_start3A_151 = arith.constant 1 : i32
        %dma_start3A_152 = arith.constant 0 : i32
        %dma_start3A_153 = arith.constant 0 : i32
        %dma_start3A_154 = tpu.memref_slice %arg6[%dma_start3A_152, %dma_start3A_153] : memref<2x128xi32, #tpu.memory_space<vmem>> -> memref<1x128xi32, #tpu.memory_space<vmem>>
        %dma_start3A_155 = tpu.memref_squeeze %dma_start3A_154 : memref<1x128xi32, #tpu.memory_space<vmem>> -> memref<128xi32, #tpu.memory_space<vmem>>
        %dma_start3A_156 = arith.constant 0 : i32
        %dma_start3A_157 = tpu.memref_slice %arg3[%add3A_150, %dma_start3A_151, %dma_start3A_156] : memref<2500x2x128xi32, #tpu.memory_space<hbm>> -> memref<1x1x128xi32, #tpu.memory_space<hbm>>
        %dma_start3A_158 = tpu.memref_squeeze %dma_start3A_157 : memref<1x1x128xi32, #tpu.memory_space<hbm>> -> memref<128xi32, #tpu.memory_space<hbm>>
        %dma_start3A_159 = arith.constant 0 : i32
        %dma_start3A_160 = tpu.memref_slice %arg6[%dma_start3A_152, %dma_start3A_159] : memref<2x128xi32, #tpu.memory_space<vmem>> -> memref<1x128xi32, #tpu.memory_space<vmem>>
        %dma_start3A_161 = tpu.memref_squeeze %dma_start3A_160 : memref<1x128xi32, #tpu.memory_space<vmem>> -> memref<128xi32, #tpu.memory_space<vmem>>
        %dma_start3A_162 = arith.constant 0 : i32
        %dma_start3A_163 = tpu.memref_slice %arg3[%add3A_150, %dma_start3A_151, %dma_start3A_162] : memref<2500x2x128xi32, #tpu.memory_space<hbm>> -> memref<1x1x128xi32, #tpu.memory_space<hbm>>
        %dma_start3A_164 = tpu.memref_squeeze %dma_start3A_163 : memref<1x1x128xi32, #tpu.memory_space<hbm>> -> memref<128xi32, #tpu.memory_space<hbm>>
        tpu.enqueue_dma source(%dma_start3A_164 : memref<128xi32, #tpu.memory_space<hbm>>) target(%dma_start3A_161 : memref<128xi32, #tpu.memory_space<vmem>>) target_semaphore(%arg12 : memref<!tpu.dma_semaphore, #tpu.memory_space<semaphore_mem>>)
      } else {
      }
      %dma_wait3A_112 = arith.constant 0 : i32
      %dma_wait3A_113 = tpu.memref_slice %arg5[%add3A_84, %dma_wait3A_112] : memref<79x128xi32, #tpu.memory_space<vmem>> -> memref<1x128xi32, #tpu.memory_space<vmem>>
      %dma_wait3A_114 = tpu.memref_squeeze %dma_wait3A_113 : memref<1x128xi32, #tpu.memory_space<vmem>> -> memref<128xi32, #tpu.memory_space<vmem>>
      %dma_wait3A_115 = arith.constant 0 : i32
      %dma_wait3A_116 = arith.constant 0 : i32
      %dma_wait3A_117 = tpu.memref_slice %arg2[%dma_wait3A_115, %dma_wait3A_116] : memref<10000x128xf32, #tpu.memory_space<hbm>> -> memref<10000x128xf32, #tpu.memory_space<hbm>>
      tpu.wait_indirect_dma semaphore(%arg11 : memref<!tpu.dma_semaphore, #tpu.memory_space<semaphore_mem>>) src(%dma_wait3A_117 : memref<10000x128xf32, #tpu.memory_space<hbm>>) dst(%arg8 : memref<128x128xf32, #tpu.memory_space<vmem>>)
      %add3A_118 = arith.addi %add3A_4, %add3A_84 : i32
      %dma_wait3A_119 = arith.constant 1 : i32
      %dma_wait3A_120 = arith.constant 1 : i32
      %dma_wait3A_121 = arith.constant 0 : i32
      %dma_wait3A_122 = tpu.memref_slice %arg6[%dma_wait3A_120, %dma_wait3A_121] : memref<2x128xi32, #tpu.memory_space<vmem>> -> memref<1x128xi32, #tpu.memory_space<vmem>>
      %dma_wait3A_123 = tpu.memref_squeeze %dma_wait3A_122 : memref<1x128xi32, #tpu.memory_space<vmem>> -> memref<128xi32, #tpu.memory_space<vmem>>
      %dma_wait3A_124 = arith.constant 0 : i32
      %dma_wait3A_125 = tpu.memref_slice %arg3[%add3A_118, %dma_wait3A_119, %dma_wait3A_124] : memref<2500x2x128xi32, #tpu.memory_space<hbm>> -> memref<1x1x128xi32, #tpu.memory_space<hbm>>
      %dma_wait3A_126 = tpu.memref_squeeze %dma_wait3A_125 : memref<1x1x128xi32, #tpu.memory_space<hbm>> -> memref<128xi32, #tpu.memory_space<hbm>>
      %dma_wait3A_127 = arith.constant 0 : i32
      %dma_wait3A_128 = tpu.memref_slice %arg6[%dma_wait3A_120, %dma_wait3A_127] : memref<2x128xi32, #tpu.memory_space<vmem>> -> memref<1x128xi32, #tpu.memory_space<vmem>>
      %dma_wait3A_129 = tpu.memref_squeeze %dma_wait3A_128 : memref<1x128xi32, #tpu.memory_space<vmem>> -> memref<128xi32, #tpu.memory_space<vmem>>
      %dma_wait3A_130 = arith.constant 0 : i32
      %dma_wait3A_131 = tpu.memref_slice %arg3[%add3A_118, %dma_wait3A_119, %dma_wait3A_130] : memref<2500x2x128xi32, #tpu.memory_space<hbm>> -> memref<1x1x128xi32, #tpu.memory_space<hbm>>
      %dma_wait3A_132 = tpu.memref_squeeze %dma_wait3A_131 : memref<1x1x128xi32, #tpu.memory_space<hbm>> -> memref<128xi32, #tpu.memory_space<hbm>>
      tpu.wait_dma2 semaphore(%arg13 : memref<!tpu.dma_semaphore, #tpu.memory_space<semaphore_mem>>) src(%dma_wait3A_132 : memref<128xi32, #tpu.memory_space<hbm>>) dst(%dma_wait3A_129 : memref<128xi32, #tpu.memory_space<vmem>>)
      %run_scoped3A_133 = arith.constant 1 : i32
      "tpu.region"() ({
        %run_scoped3A_140 = tpu.sem_alloc : memref<!tpu.dma_semaphore, #tpu.memory_space<semaphore_mem>>
        %dma_start3A_141 = arith.constant 0 : i32
        %dma_start3A_142 = tpu.memref_slice %arg6[%run_scoped3A_133, %dma_start3A_141] : memref<2x128xi32, #tpu.memory_space<vmem>> -> memref<1x128xi32, #tpu.memory_space<vmem>>
        %dma_start3A_143 = tpu.memref_squeeze %dma_start3A_142 : memref<1x128xi32, #tpu.memory_space<vmem>> -> memref<128xi32, #tpu.memory_space<vmem>>
        %dma_start3A_144 = arith.constant 0 : i32
        %dma_start3A_145 = arith.constant 0 : i32
        %dma_start3A_146 = tpu.memref_slice %arg9[%dma_start3A_144, %dma_start3A_145] : memref<10240x128xf32, #tpu.memory_space<vmem_shared>> -> memref<10240x128xf32, #tpu.memory_space<vmem_shared>>
        tpu.enqueue_indirect_dma source(%arg8 : memref<128x128xf32, #tpu.memory_space<vmem>>) target(%dma_start3A_146 : memref<10240x128xf32, #tpu.memory_space<vmem_shared>>) offsets(%dma_start3A_143 : memref<128xi32, #tpu.memory_space<vmem>>) semaphore(%run_scoped3A_140 : memref<!tpu.dma_semaphore, #tpu.memory_space<semaphore_mem>>) {add = true}
        %dma_wait3A_147 = arith.constant 0 : i32
        %dma_wait3A_148 = tpu.memref_slice %arg6[%run_scoped3A_133, %dma_wait3A_147] : memref<2x128xi32, #tpu.memory_space<vmem>> -> memref<1x128xi32, #tpu.memory_space<vmem>>
        %dma_wait3A_149 = tpu.memref_squeeze %dma_wait3A_148 : memref<1x128xi32, #tpu.memory_space<vmem>> -> memref<128xi32, #tpu.memory_space<vmem>>
        %dma_wait3A_150 = arith.constant 0 : i32
        %dma_wait3A_151 = arith.constant 0 : i32
        %dma_wait3A_152 = tpu.memref_slice %arg9[%dma_wait3A_150, %dma_wait3A_151] : memref<10240x128xf32, #tpu.memory_space<vmem_shared>> -> memref<10240x128xf32, #tpu.memory_space<vmem_shared>>
        tpu.wait_indirect_dma semaphore(%run_scoped3A_140 : memref<!tpu.dma_semaphore, #tpu.memory_space<semaphore_mem>>) src(%arg8 : memref<128x128xf32, #tpu.memory_space<vmem>>) dst(%dma_wait3A_152 : memref<10240x128xf32, #tpu.memory_space<vmem_shared>>)
        tpu.yield
      }) : () -> ()
      %add3A_134 = arith.constant 2 : i32
      %add3A_135 = arith.addi %add3A_84, %add3A_134 : i32
      %lt3A_136 = arith.cmpi slt, %add3A_135, %add3A_7 : i32
      %convert_element_type3A_137 = arith.extui %lt3A_136 : i1 to i32
      %cond3A_138 = arith.constant 0 : i32
      %cond3A_139 = arith.cmpi ne, %convert_element_type3A_137, %cond3A_138 : i32
      scf.if %cond3A_139 {
        %add3A_140 = arith.constant 2 : i32
        %add3A_141 = arith.addi %add3A_84, %add3A_140 : i32
        %dma_start3A_142 = arith.constant 0 : i32
        %dma_start3A_143 = tpu.memref_slice %arg5[%add3A_141, %dma_start3A_142] : memref<79x128xi32, #tpu.memory_space<vmem>> -> memref<1x128xi32, #tpu.memory_space<vmem>>
        %dma_start3A_144 = tpu.memref_squeeze %dma_start3A_143 : memref<1x128xi32, #tpu.memory_space<vmem>> -> memref<128xi32, #tpu.memory_space<vmem>>
        %dma_start3A_145 = arith.constant 0 : i32
        %dma_start3A_146 = arith.constant 0 : i32
        %dma_start3A_147 = tpu.memref_slice %arg2[%dma_start3A_145, %dma_start3A_146] : memref<10000x128xf32, #tpu.memory_space<hbm>> -> memref<10000x128xf32, #tpu.memory_space<hbm>>
        tpu.enqueue_indirect_dma source(%dma_start3A_147 : memref<10000x128xf32, #tpu.memory_space<hbm>>) target(%arg8 : memref<128x128xf32, #tpu.memory_space<vmem>>) offsets(%dma_start3A_144 : memref<128xi32, #tpu.memory_space<vmem>>) semaphore(%arg11 : memref<!tpu.dma_semaphore, #tpu.memory_space<semaphore_mem>>)
        %add3A_148 = arith.addi %add3A_4, %add3A_84 : i32
        %add3A_149 = arith.constant 2 : i32
        %add3A_150 = arith.addi %add3A_148, %add3A_149 : i32
        %dma_start3A_151 = arith.constant 1 : i32
        %dma_start3A_152 = arith.constant 1 : i32
        %dma_start3A_153 = arith.constant 0 : i32
        %dma_start3A_154 = tpu.memref_slice %arg6[%dma_start3A_152, %dma_start3A_153] : memref<2x128xi32, #tpu.memory_space<vmem>> -> memref<1x128xi32, #tpu.memory_space<vmem>>
        %dma_start3A_155 = tpu.memref_squeeze %dma_start3A_154 : memref<1x128xi32, #tpu.memory_space<vmem>> -> memref<128xi32, #tpu.memory_space<vmem>>
        %dma_start3A_156 = arith.constant 0 : i32
        %dma_start3A_157 = tpu.memref_slice %arg3[%add3A_150, %dma_start3A_151, %dma_start3A_156] : memref<2500x2x128xi32, #tpu.memory_space<hbm>> -> memref<1x1x128xi32, #tpu.memory_space<hbm>>
        %dma_start3A_158 = tpu.memref_squeeze %dma_start3A_157 : memref<1x1x128xi32, #tpu.memory_space<hbm>> -> memref<128xi32, #tpu.memory_space<hbm>>
        %dma_start3A_159 = arith.constant 0 : i32
        %dma_start3A_160 = tpu.memref_slice %arg6[%dma_start3A_152, %dma_start3A_159] : memref<2x128xi32, #tpu.memory_space<vmem>> -> memref<1x128xi32, #tpu.memory_space<vmem>>
        %dma_start3A_161 = tpu.memref_squeeze %dma_start3A_160 : memref<1x128xi32, #tpu.memory_space<vmem>> -> memref<128xi32, #tpu.memory_space<vmem>>
        %dma_start3A_162 = arith.constant 0 : i32
        %dma_start3A_163 = tpu.memref_slice %arg3[%add3A_150, %dma_start3A_151, %dma_start3A_162] : memref<2500x2x128xi32, #tpu.memory_space<hbm>> -> memref<1x1x128xi32, #tpu.memory_space<hbm>>
        %dma_start3A_164 = tpu.memref_squeeze %dma_start3A_163 : memref<1x1x128xi32, #tpu.memory_space<hbm>> -> memref<128xi32, #tpu.memory_space<hbm>>
        tpu.enqueue_dma source(%dma_start3A_164 : memref<128xi32, #tpu.memory_space<hbm>>) target(%dma_start3A_161 : memref<128xi32, #tpu.memory_space<vmem>>) target_semaphore(%arg13 : memref<!tpu.dma_semaphore, #tpu.memory_space<semaphore_mem>>)
      } else {
      }
    }
    %scan3A_69 = arith.constant 39 : i32
    %convert_element_type3A_70 = arith.extui %lt3A_5 : i1 to i32
    %cond3A_71 = arith.constant 0 : i32
    %cond3A_72 = arith.cmpi ne, %convert_element_type3A_70, %cond3A_71 : i32
    scf.if %cond3A_72 {
      %dma_wait3A = arith.constant 78 : i32
      %dma_wait3A_80 = arith.constant 0 : i32
      %dma_wait3A_81 = tpu.memref_slice %arg5[%dma_wait3A, %dma_wait3A_80] : memref<79x128xi32, #tpu.memory_space<vmem>> -> memref<1x128xi32, #tpu.memory_space<vmem>>
      %dma_wait3A_82 = tpu.memref_squeeze %dma_wait3A_81 : memref<1x128xi32, #tpu.memory_space<vmem>> -> memref<128xi32, #tpu.memory_space<vmem>>
      %dma_wait3A_83 = arith.constant 0 : i32
      %dma_wait3A_84 = arith.constant 0 : i32
      %dma_wait3A_85 = tpu.memref_slice %arg2[%dma_wait3A_83, %dma_wait3A_84] : memref<10000x128xf32, #tpu.memory_space<hbm>> -> memref<10000x128xf32, #tpu.memory_space<hbm>>
      tpu.wait_indirect_dma semaphore(%arg10 : memref<!tpu.dma_semaphore, #tpu.memory_space<semaphore_mem>>) src(%dma_wait3A_85 : memref<10000x128xf32, #tpu.memory_space<hbm>>) dst(%arg7 : memref<128x128xf32, #tpu.memory_space<vmem>>)
      %add3A_86 = arith.constant 78 : i32
      %add3A_87 = arith.addi %add3A_4, %add3A_86 : i32
      %dma_wait3A_88 = arith.constant 1 : i32
      %dma_wait3A_89 = arith.constant 0 : i32
      %dma_wait3A_90 = arith.constant 0 : i32
      %dma_wait3A_91 = tpu.memref_slice %arg6[%dma_wait3A_89, %dma_wait3A_90] : memref<2x128xi32, #tpu.memory_space<vmem>> -> memref<1x128xi32, #tpu.memory_space<vmem>>
      %dma_wait3A_92 = tpu.memref_squeeze %dma_wait3A_91 : memref<1x128xi32, #tpu.memory_space<vmem>> -> memref<128xi32, #tpu.memory_space<vmem>>
      %dma_wait3A_93 = arith.constant 0 : i32
      %dma_wait3A_94 = tpu.memref_slice %arg3[%add3A_87, %dma_wait3A_88, %dma_wait3A_93] : memref<2500x2x128xi32, #tpu.memory_space<hbm>> -> memref<1x1x128xi32, #tpu.memory_space<hbm>>
      %dma_wait3A_95 = tpu.memref_squeeze %dma_wait3A_94 : memref<1x1x128xi32, #tpu.memory_space<hbm>> -> memref<128xi32, #tpu.memory_space<hbm>>
      %dma_wait3A_96 = arith.constant 0 : i32
      %dma_wait3A_97 = tpu.memref_slice %arg6[%dma_wait3A_89, %dma_wait3A_96] : memref<2x128xi32, #tpu.memory_space<vmem>> -> memref<1x128xi32, #tpu.memory_space<vmem>>
      %dma_wait3A_98 = tpu.memref_squeeze %dma_wait3A_97 : memref<1x128xi32, #tpu.memory_space<vmem>> -> memref<128xi32, #tpu.memory_space<vmem>>
      %dma_wait3A_99 = arith.constant 0 : i32
      %dma_wait3A_100 = tpu.memref_slice %arg3[%add3A_87, %dma_wait3A_88, %dma_wait3A_99] : memref<2500x2x128xi32, #tpu.memory_space<hbm>> -> memref<1x1x128xi32, #tpu.memory_space<hbm>>
      %dma_wait3A_101 = tpu.memref_squeeze %dma_wait3A_100 : memref<1x1x128xi32, #tpu.memory_space<hbm>> -> memref<128xi32, #tpu.memory_space<hbm>>
      tpu.wait_dma2 semaphore(%arg12 : memref<!tpu.dma_semaphore, #tpu.memory_space<semaphore_mem>>) src(%dma_wait3A_101 : memref<128xi32, #tpu.memory_space<hbm>>) dst(%dma_wait3A_98 : memref<128xi32, #tpu.memory_space<vmem>>)
      %run_scoped3A_102 = arith.constant 0 : i32
      "tpu.region"() ({
        %run_scoped3A_103 = tpu.sem_alloc : memref<!tpu.dma_semaphore, #tpu.memory_space<semaphore_mem>>
        %dma_start3A_104 = arith.constant 0 : i32
        %dma_start3A_105 = tpu.memref_slice %arg6[%run_scoped3A_102, %dma_start3A_104] : memref<2x128xi32, #tpu.memory_space<vmem>> -> memref<1x128xi32, #tpu.memory_space<vmem>>
        %dma_start3A_106 = tpu.memref_squeeze %dma_start3A_105 : memref<1x128xi32, #tpu.memory_space<vmem>> -> memref<128xi32, #tpu.memory_space<vmem>>
        %dma_start3A_107 = arith.constant 0 : i32
        %dma_start3A_108 = arith.constant 0 : i32
        %dma_start3A_109 = tpu.memref_slice %arg9[%dma_start3A_107, %dma_start3A_108] : memref<10240x128xf32, #tpu.memory_space<vmem_shared>> -> memref<10240x128xf32, #tpu.memory_space<vmem_shared>>
        tpu.enqueue_indirect_dma source(%arg7 : memref<128x128xf32, #tpu.memory_space<vmem>>) target(%dma_start3A_109 : memref<10240x128xf32, #tpu.memory_space<vmem_shared>>) offsets(%dma_start3A_106 : memref<128xi32, #tpu.memory_space<vmem>>) semaphore(%run_scoped3A_103 : memref<!tpu.dma_semaphore, #tpu.memory_space<semaphore_mem>>) {add = true}
        %dma_wait3A_110 = arith.constant 0 : i32
        %dma_wait3A_111 = tpu.memref_slice %arg6[%run_scoped3A_102, %dma_wait3A_110] : memref<2x128xi32, #tpu.memory_space<vmem>> -> memref<1x128xi32, #tpu.memory_space<vmem>>
        %dma_wait3A_112 = tpu.memref_squeeze %dma_wait3A_111 : memref<1x128xi32, #tpu.memory_space<vmem>> -> memref<128xi32, #tpu.memory_space<vmem>>
        %dma_wait3A_113 = arith.constant 0 : i32
        %dma_wait3A_114 = arith.constant 0 : i32
        %dma_wait3A_115 = tpu.memref_slice %arg9[%dma_wait3A_113, %dma_wait3A_114] : memref<10240x128xf32, #tpu.memory_space<vmem_shared>> -> memref<10240x128xf32, #tpu.memory_space<vmem_shared>>
        tpu.wait_indirect_dma semaphore(%run_scoped3A_103 : memref<!tpu.dma_semaphore, #tpu.memory_space<semaphore_mem>>) src(%arg7 : memref<128x128xf32, #tpu.memory_space<vmem>>) dst(%dma_wait3A_115 : memref<10240x128xf32, #tpu.memory_space<vmem_shared>>)
        tpu.yield
      }) : () -> ()
    } else {
    }
    %barrier3A_73 = arith.constant 0 : index
    tpu.barrier barrier_id(%barrier3A_73)
    %scan3A_74 = arith.constant 0 : i32
    %scan3A_75 = arith.constant 0 : i32
    %scan3A_76 = arith.constant 5 : i32
    %scan3A_77 = arith.addi %scan3A_75, %scan3A_76 : i32
    %scan3A_78 = arith.constant 1 : i32
    scf.for %scan3A_80 = %scan3A_75 to %scan3A_77 step %scan3A_78  : i32 {
      %mul3A_81 = arith.constant 640 : i32
      %mul3A_82 = arith.muli %arg1, %mul3A_81 : i32
      %mul3A_83 = arith.constant 128 : i32
      %mul3A_84 = arith.muli %scan3A_80, %mul3A_83 : i32
      %add3A_85 = arith.addi %mul3A_82, %mul3A_84 : i32
      "tpu.region"() ({
        %run_scoped3A_86 = tpu.sem_alloc : memref<!tpu.dma_semaphore, #tpu.memory_space<semaphore_mem>>
        %dma_start3A_87 = arith.constant 0 : i32
        %dma_start3A_88 = tpu.memref_slice %arg4[%arg0, %add3A_85, %dma_start3A_87] : memref<2x10240x128xf32, #tpu.memory_space<hbm>> -> memref<1x128x128xf32, #tpu.memory_space<hbm>>
        %dma_start3A_89 = tpu.memref_squeeze %dma_start3A_88 : memref<1x128x128xf32, #tpu.memory_space<hbm>> -> memref<128x128xf32, #tpu.memory_space<hbm>>
        %dma_start3A_90 = arith.constant 0 : i32
        %dma_start3A_91 = tpu.memref_slice %arg9[%add3A_85, %dma_start3A_90] : memref<10240x128xf32, #tpu.memory_space<vmem_shared>> -> memref<128x128xf32, #tpu.memory_space<vmem_shared>>
        tpu.enqueue_dma source(%dma_start3A_91 : memref<128x128xf32, #tpu.memory_space<vmem_shared>>) target(%dma_start3A_89 : memref<128x128xf32, #tpu.memory_space<hbm>>) target_semaphore(%run_scoped3A_86 : memref<!tpu.dma_semaphore, #tpu.memory_space<semaphore_mem>>)
        %dma_wait3A = arith.constant 0 : i32
        %dma_wait3A_92 = tpu.memref_slice %arg4[%arg0, %add3A_85, %dma_wait3A] : memref<2x10240x128xf32, #tpu.memory_space<hbm>> -> memref<1x128x128xf32, #tpu.memory_space<hbm>>
        %dma_wait3A_93 = tpu.memref_squeeze %dma_wait3A_92 : memref<1x128x128xf32, #tpu.memory_space<hbm>> -> memref<128x128xf32, #tpu.memory_space<hbm>>
        %dma_wait3A_94 = arith.constant 0 : i32
        %dma_wait3A_95 = tpu.memref_slice %arg9[%add3A_85, %dma_wait3A_94] : memref<10240x128xf32, #tpu.memory_space<vmem_shared>> -> memref<128x128xf32, #tpu.memory_space<vmem_shared>>
        tpu.wait_dma2 semaphore(%run_scoped3A_86 : memref<!tpu.dma_semaphore, #tpu.memory_space<semaphore_mem>>) src(%dma_wait3A_95 : memref<128x128xf32, #tpu.memory_space<vmem_shared>>) dst(%dma_wait3A_93 : memref<128x128xf32, #tpu.memory_space<hbm>>)
        tpu.yield
      }) : () -> ()
    }
    %scan3A_79 = arith.constant 5 : i32
    return
  }
}

#map = affine_map<(d0, d1) -> (0, 0, 0)>
#map1 = affine_map<(d0, d1) -> (0, 0)>
module attributes {stable_mosaic.version = 14 : i64} {
  func.func @_deg_body(%arg0: i32, %arg1: i32, %arg2: memref<2500x2x128xi32, #tpu.memory_space<hbm>>, %arg3: memref<2x10240xf32, #tpu.memory_space<hbm>>, %arg4: memref<79x128xi32, #tpu.memory_space<vmem>>, %arg5: memref<128xf32, #tpu.memory_space<vmem>>, %arg6: memref<640xf32, #tpu.memory_space<vmem>>, %arg7: memref<10240xf32, #tpu.memory_space<vmem_shared>>) attributes {dimension_semantics = [#tpu.dimension_semantics<core_parallel>, #tpu.dimension_semantics<subcore_parallel>], iteration_bounds = array<i64: 2, 16>, scalar_prefetch = 0 : i64, scratch_operands = 4 : i64, tpu.core_type = #tpu.core_type<sc_vector_subcore>, window_params = [{transform_indices = #map}, {transform_indices = #map1}]} {
    %mul3A = arith.constant 2 : i32
    %mul3A_0 = arith.muli %arg1, %mul3A : i32
    %add3A = arith.addi %mul3A_0, %arg0 : i32
    %mul3A_1 = arith.constant 78 : i32
    %mul3A_2 = arith.muli %add3A, %mul3A_1 : i32
    %min3A = arith.constant 4 : i32
    %min3A_3 = arith.minsi %add3A, %min3A : i32
    %add3A_4 = arith.addi %mul3A_2, %min3A_3 : i32
    %lt3A = arith.constant 4 : i32
    %lt3A_5 = arith.cmpi slt, %add3A, %lt3A : i32
    %scan3A = arith.constant 0 : i32
    %scan3A_6 = arith.constant 0 : i32
    %scan3A_7 = arith.constant 8 : i32
    %scan3A_8 = arith.addi %scan3A_6, %scan3A_7 : i32
    %scan3A_9 = arith.constant 1 : i32
    scf.for %scan3A_34 = %scan3A_6 to %scan3A_8 step %scan3A_9  : i32 {
      %broadcast_in_dim3A = arith.constant 1.000000e+00 : f32
      %broadcast_in_dim3A_35 = vector.broadcast %broadcast_in_dim3A : f32 to vector<16xf32>
      %mul3A_36 = arith.constant 16 : i32
      %mul3A_37 = arith.muli %scan3A_34, %mul3A_36 : i32
      %swap3A = arith.index_cast %mul3A_37 : i32 to index
      %swap3A_38 = tpu.vector_load %arg5[%swap3A] {strides = array<i32>} : memref<128xf32, #tpu.memory_space<vmem>>, vector<16xf32>,
      %swap3A_39 = vector.shape_cast %swap3A_38 : vector<16xf32> to vector<16xf32>
      %swap3A_40 = vector.shape_cast %broadcast_in_dim3A_35 : vector<16xf32> to vector<16xf32>
      tpu.vector_store %arg5[%swap3A], %swap3A_40 {strides = array<i32>} : memref<128xf32, #tpu.memory_space<vmem>>, vector<16xf32>,
    }
    %scan3A_10 = arith.constant 8 : i32
    %scan3A_11 = arith.constant 0 : i32
    %scan3A_12 = arith.constant 0 : i32
    %scan3A_13 = arith.constant 40 : i32
    %scan3A_14 = arith.addi %scan3A_12, %scan3A_13 : i32
    %scan3A_15 = arith.constant 1 : i32
    scf.for %scan3A_34 = %scan3A_12 to %scan3A_14 step %scan3A_15  : i32 {
      %broadcast_in_dim3A = arith.constant 0.000000e+00 : f32
      %broadcast_in_dim3A_35 = vector.broadcast %broadcast_in_dim3A : f32 to vector<16xf32>
      %mul3A_36 = arith.constant 16 : i32
      %mul3A_37 = arith.muli %scan3A_34, %mul3A_36 : i32
      %swap3A = arith.index_cast %mul3A_37 : i32 to index
      %swap3A_38 = tpu.vector_load %arg6[%swap3A] {strides = array<i32>} : memref<640xf32, #tpu.memory_space<vmem>>, vector<16xf32>,
      %swap3A_39 = vector.shape_cast %swap3A_38 : vector<16xf32> to vector<16xf32>
      %swap3A_40 = vector.shape_cast %broadcast_in_dim3A_35 : vector<16xf32> to vector<16xf32>
      tpu.vector_store %arg6[%swap3A], %swap3A_40 {strides = array<i32>} : memref<640xf32, #tpu.memory_space<vmem>>, vector<16xf32>,
    }
    %scan3A_16 = arith.constant 40 : i32
    %mul3A_17 = arith.constant 640 : i32
    %mul3A_18 = arith.muli %arg1, %mul3A_17 : i32
    "tpu.region"() ({
      %run_scoped3A_34 = tpu.sem_alloc : memref<!tpu.dma_semaphore, #tpu.memory_space<semaphore_mem>>
      %dma_start3A = tpu.memref_slice %arg7[%mul3A_18] : memref<10240xf32, #tpu.memory_space<vmem_shared>> -> memref<640xf32, #tpu.memory_space<vmem_shared>>
      %dma_start3A_35 = tpu.memref_slice %arg7[%mul3A_18] : memref<10240xf32, #tpu.memory_space<vmem_shared>> -> memref<640xf32, #tpu.memory_space<vmem_shared>>
      tpu.enqueue_dma source(%arg6 : memref<640xf32, #tpu.memory_space<vmem>>) target(%dma_start3A_35 : memref<640xf32, #tpu.memory_space<vmem_shared>>) target_semaphore(%run_scoped3A_34 : memref<!tpu.dma_semaphore, #tpu.memory_space<semaphore_mem>>)
      %dma_wait3A = tpu.memref_slice %arg7[%mul3A_18] : memref<10240xf32, #tpu.memory_space<vmem_shared>> -> memref<640xf32, #tpu.memory_space<vmem_shared>>
      %dma_wait3A_36 = tpu.memref_slice %arg7[%mul3A_18] : memref<10240xf32, #tpu.memory_space<vmem_shared>> -> memref<640xf32, #tpu.memory_space<vmem_shared>>
      tpu.wait_dma2 semaphore(%run_scoped3A_34 : memref<!tpu.dma_semaphore, #tpu.memory_space<semaphore_mem>>) src(%arg6 : memref<640xf32, #tpu.memory_space<vmem>>) dst(%dma_wait3A_36 : memref<640xf32, #tpu.memory_space<vmem_shared>>)
      tpu.yield
    }) : () -> ()
    %run_scoped3A = arith.constant 1 : i32
    "tpu.region"() ({
      %run_scoped3A_34 = tpu.sem_alloc : memref<!tpu.dma_semaphore, #tpu.memory_space<semaphore_mem>>
      %dma_start3A = arith.constant 0 : i32
      %dma_start3A_35 = arith.constant 0 : i32
      %dma_start3A_36 = tpu.memref_slice %arg4[%dma_start3A, %dma_start3A_35] : memref<79x128xi32, #tpu.memory_space<vmem>> -> memref<78x128xi32, #tpu.memory_space<vmem>>
      %dma_start3A_37 = arith.constant 0 : i32
      %dma_start3A_38 = tpu.memref_slice %arg2[%add3A_4, %run_scoped3A, %dma_start3A_37] : memref<2500x2x128xi32, #tpu.memory_space<hbm>> -> memref<78x1x128xi32, #tpu.memory_space<hbm>>
      %dma_start3A_39 = tpu.memref_squeeze %dma_start3A_38 : memref<78x1x128xi32, #tpu.memory_space<hbm>> -> memref<78x128xi32, #tpu.memory_space<hbm>>
      %dma_start3A_40 = arith.constant 0 : i32
      %dma_start3A_41 = arith.constant 0 : i32
      %dma_start3A_42 = tpu.memref_slice %arg4[%dma_start3A_40, %dma_start3A_41] : memref<79x128xi32, #tpu.memory_space<vmem>> -> memref<78x128xi32, #tpu.memory_space<vmem>>
      %dma_start3A_43 = arith.constant 0 : i32
      %dma_start3A_44 = tpu.memref_slice %arg2[%add3A_4, %run_scoped3A, %dma_start3A_43] : memref<2500x2x128xi32, #tpu.memory_space<hbm>> -> memref<78x1x128xi32, #tpu.memory_space<hbm>>
      %dma_start3A_45 = tpu.memref_squeeze %dma_start3A_44 : memref<78x1x128xi32, #tpu.memory_space<hbm>> -> memref<78x128xi32, #tpu.memory_space<hbm>>
      tpu.enqueue_dma source(%dma_start3A_45 : memref<78x128xi32, #tpu.memory_space<hbm>>) target(%dma_start3A_42 : memref<78x128xi32, #tpu.memory_space<vmem>>) target_semaphore(%run_scoped3A_34 : memref<!tpu.dma_semaphore, #tpu.memory_space<semaphore_mem>>)
      %dma_wait3A = arith.constant 0 : i32
      %dma_wait3A_46 = arith.constant 0 : i32
      %dma_wait3A_47 = tpu.memref_slice %arg4[%dma_wait3A, %dma_wait3A_46] : memref<79x128xi32, #tpu.memory_space<vmem>> -> memref<78x128xi32, #tpu.memory_space<vmem>>
      %dma_wait3A_48 = arith.constant 0 : i32
      %dma_wait3A_49 = tpu.memref_slice %arg2[%add3A_4, %run_scoped3A, %dma_wait3A_48] : memref<2500x2x128xi32, #tpu.memory_space<hbm>> -> memref<78x1x128xi32, #tpu.memory_space<hbm>>
      %dma_wait3A_50 = tpu.memref_squeeze %dma_wait3A_49 : memref<78x1x128xi32, #tpu.memory_space<hbm>> -> memref<78x128xi32, #tpu.memory_space<hbm>>
      %dma_wait3A_51 = arith.constant 0 : i32
      %dma_wait3A_52 = arith.constant 0 : i32
      %dma_wait3A_53 = tpu.memref_slice %arg4[%dma_wait3A_51, %dma_wait3A_52] : memref<79x128xi32, #tpu.memory_space<vmem>> -> memref<78x128xi32, #tpu.memory_space<vmem>>
      %dma_wait3A_54 = arith.constant 0 : i32
      %dma_wait3A_55 = tpu.memref_slice %arg2[%add3A_4, %run_scoped3A, %dma_wait3A_54] : memref<2500x2x128xi32, #tpu.memory_space<hbm>> -> memref<78x1x128xi32, #tpu.memory_space<hbm>>
      %dma_wait3A_56 = tpu.memref_squeeze %dma_wait3A_55 : memref<78x1x128xi32, #tpu.memory_space<hbm>> -> memref<78x128xi32, #tpu.memory_space<hbm>>
      tpu.wait_dma2 semaphore(%run_scoped3A_34 : memref<!tpu.dma_semaphore, #tpu.memory_space<semaphore_mem>>) src(%dma_wait3A_56 : memref<78x128xi32, #tpu.memory_space<hbm>>) dst(%dma_wait3A_53 : memref<78x128xi32, #tpu.memory_space<vmem>>)
      tpu.yield
    }) : () -> ()
    %convert_element_type3A = arith.extui %lt3A_5 : i1 to i32
    %cond3A = arith.constant 0 : i32
    %cond3A_19 = arith.cmpi ne, %convert_element_type3A, %cond3A : i32
    scf.if %cond3A_19 {
      %add3A_34 = arith.constant 78 : i32
      %add3A_35 = arith.addi %add3A_4, %add3A_34 : i32
      %run_scoped3A_36 = arith.constant 1 : i32
      %run_scoped3A_37 = arith.constant 78 : i32
      "tpu.region"() ({
        %run_scoped3A_38 = tpu.sem_alloc : memref<!tpu.dma_semaphore, #tpu.memory_space<semaphore_mem>>
        %dma_start3A = arith.constant 0 : i32
        %dma_start3A_39 = tpu.memref_slice %arg4[%run_scoped3A_37, %dma_start3A] : memref<79x128xi32, #tpu.memory_space<vmem>> -> memref<1x128xi32, #tpu.memory_space<vmem>>
        %dma_start3A_40 = tpu.memref_squeeze %dma_start3A_39 : memref<1x128xi32, #tpu.memory_space<vmem>> -> memref<128xi32, #tpu.memory_space<vmem>>
        %dma_start3A_41 = arith.constant 0 : i32
        %dma_start3A_42 = tpu.memref_slice %arg2[%add3A_35, %run_scoped3A_36, %dma_start3A_41] : memref<2500x2x128xi32, #tpu.memory_space<hbm>> -> memref<1x1x128xi32, #tpu.memory_space<hbm>>
        %dma_start3A_43 = tpu.memref_squeeze %dma_start3A_42 : memref<1x1x128xi32, #tpu.memory_space<hbm>> -> memref<128xi32, #tpu.memory_space<hbm>>
        %dma_start3A_44 = arith.constant 0 : i32
        %dma_start3A_45 = tpu.memref_slice %arg4[%run_scoped3A_37, %dma_start3A_44] : memref<79x128xi32, #tpu.memory_space<vmem>> -> memref<1x128xi32, #tpu.memory_space<vmem>>
        %dma_start3A_46 = tpu.memref_squeeze %dma_start3A_45 : memref<1x128xi32, #tpu.memory_space<vmem>> -> memref<128xi32, #tpu.memory_space<vmem>>
        %dma_start3A_47 = arith.constant 0 : i32
        %dma_start3A_48 = tpu.memref_slice %arg2[%add3A_35, %run_scoped3A_36, %dma_start3A_47] : memref<2500x2x128xi32, #tpu.memory_space<hbm>> -> memref<1x1x128xi32, #tpu.memory_space<hbm>>
        %dma_start3A_49 = tpu.memref_squeeze %dma_start3A_48 : memref<1x1x128xi32, #tpu.memory_space<hbm>> -> memref<128xi32, #tpu.memory_space<hbm>>
        tpu.enqueue_dma source(%dma_start3A_49 : memref<128xi32, #tpu.memory_space<hbm>>) target(%dma_start3A_46 : memref<128xi32, #tpu.memory_space<vmem>>) target_semaphore(%run_scoped3A_38 : memref<!tpu.dma_semaphore, #tpu.memory_space<semaphore_mem>>)
        %dma_wait3A = arith.constant 0 : i32
        %dma_wait3A_50 = tpu.memref_slice %arg4[%run_scoped3A_37, %dma_wait3A] : memref<79x128xi32, #tpu.memory_space<vmem>> -> memref<1x128xi32, #tpu.memory_space<vmem>>
        %dma_wait3A_51 = tpu.memref_squeeze %dma_wait3A_50 : memref<1x128xi32, #tpu.memory_space<vmem>> -> memref<128xi32, #tpu.memory_space<vmem>>
        %dma_wait3A_52 = arith.constant 0 : i32
        %dma_wait3A_53 = tpu.memref_slice %arg2[%add3A_35, %run_scoped3A_36, %dma_wait3A_52] : memref<2500x2x128xi32, #tpu.memory_space<hbm>> -> memref<1x1x128xi32, #tpu.memory_space<hbm>>
        %dma_wait3A_54 = tpu.memref_squeeze %dma_wait3A_53 : memref<1x1x128xi32, #tpu.memory_space<hbm>> -> memref<128xi32, #tpu.memory_space<hbm>>
        %dma_wait3A_55 = arith.constant 0 : i32
        %dma_wait3A_56 = tpu.memref_slice %arg4[%run_scoped3A_37, %dma_wait3A_55] : memref<79x128xi32, #tpu.memory_space<vmem>> -> memref<1x128xi32, #tpu.memory_space<vmem>>
        %dma_wait3A_57 = tpu.memref_squeeze %dma_wait3A_56 : memref<1x128xi32, #tpu.memory_space<vmem>> -> memref<128xi32, #tpu.memory_space<vmem>>
        %dma_wait3A_58 = arith.constant 0 : i32
        %dma_wait3A_59 = tpu.memref_slice %arg2[%add3A_35, %run_scoped3A_36, %dma_wait3A_58] : memref<2500x2x128xi32, #tpu.memory_space<hbm>> -> memref<1x1x128xi32, #tpu.memory_space<hbm>>
        %dma_wait3A_60 = tpu.memref_squeeze %dma_wait3A_59 : memref<1x1x128xi32, #tpu.memory_space<hbm>> -> memref<128xi32, #tpu.memory_space<hbm>>
        tpu.wait_dma2 semaphore(%run_scoped3A_38 : memref<!tpu.dma_semaphore, #tpu.memory_space<semaphore_mem>>) src(%dma_wait3A_60 : memref<128xi32, #tpu.memory_space<hbm>>) dst(%dma_wait3A_57 : memref<128xi32, #tpu.memory_space<vmem>>)
        tpu.yield
      }) : () -> ()
    } else {
    }
    %barrier3A = arith.constant 0 : index
    tpu.barrier barrier_id(%barrier3A)
    %scan3A_20 = arith.constant 0 : i32
    %scan3A_21 = arith.constant 0 : i32
    %scan3A_22 = arith.constant 78 : i32
    %scan3A_23 = arith.addi %scan3A_21, %scan3A_22 : i32
    %scan3A_24 = arith.constant 1 : i32
    scf.for %scan3A_34 = %scan3A_21 to %scan3A_23 step %scan3A_24  : i32 {
      "tpu.region"() ({
        %run_scoped3A_35 = tpu.sem_alloc : memref<!tpu.dma_semaphore, #tpu.memory_space<semaphore_mem>>
        %dma_start3A = arith.constant 0 : i32
        %dma_start3A_36 = tpu.memref_slice %arg4[%scan3A_34, %dma_start3A] : memref<79x128xi32, #tpu.memory_space<vmem>> -> memref<1x128xi32, #tpu.memory_space<vmem>>
        %dma_start3A_37 = tpu.memref_squeeze %dma_start3A_36 : memref<1x128xi32, #tpu.memory_space<vmem>> -> memref<128xi32, #tpu.memory_space<vmem>>
        %dma_start3A_38 = arith.constant 0 : i32
        %dma_start3A_39 = tpu.memref_slice %arg7[%dma_start3A_38] : memref<10240xf32, #tpu.memory_space<vmem_shared>> -> memref<10240xf32, #tpu.memory_space<vmem_shared>>
        tpu.enqueue_indirect_dma source(%arg5 : memref<128xf32, #tpu.memory_space<vmem>>) target(%dma_start3A_39 : memref<10240xf32, #tpu.memory_space<vmem_shared>>) offsets(%dma_start3A_37 : memref<128xi32, #tpu.memory_space<vmem>>) semaphore(%run_scoped3A_35 : memref<!tpu.dma_semaphore, #tpu.memory_space<semaphore_mem>>) {add = true}
        %dma_wait3A = arith.constant 0 : i32
        %dma_wait3A_40 = tpu.memref_slice %arg4[%scan3A_34, %dma_wait3A] : memref<79x128xi32, #tpu.memory_space<vmem>> -> memref<1x128xi32, #tpu.memory_space<vmem>>
        %dma_wait3A_41 = tpu.memref_squeeze %dma_wait3A_40 : memref<1x128xi32, #tpu.memory_space<vmem>> -> memref<128xi32, #tpu.memory_space<vmem>>
        %dma_wait3A_42 = arith.constant 0 : i32
        %dma_wait3A_43 = tpu.memref_slice %arg7[%dma_wait3A_42] : memref<10240xf32, #tpu.memory_space<vmem_shared>> -> memref<10240xf32, #tpu.memory_space<vmem_shared>>
        tpu.wait_indirect_dma semaphore(%run_scoped3A_35 : memref<!tpu.dma_semaphore, #tpu.memory_space<semaphore_mem>>) src(%arg5 : memref<128xf32, #tpu.memory_space<vmem>>) dst(%dma_wait3A_43 : memref<10240xf32, #tpu.memory_space<vmem_shared>>)
        tpu.yield
      }) : () -> ()
    }
    %scan3A_25 = arith.constant 78 : i32
    %convert_element_type3A_26 = arith.extui %lt3A_5 : i1 to i32
    %cond3A_27 = arith.constant 0 : i32
    %cond3A_28 = arith.cmpi ne, %convert_element_type3A_26, %cond3A_27 : i32
    scf.if %cond3A_28 {
      %run_scoped3A_34 = arith.constant 78 : i32
      "tpu.region"() ({
        %run_scoped3A_35 = tpu.sem_alloc : memref<!tpu.dma_semaphore, #tpu.memory_space<semaphore_mem>>
        %dma_start3A = arith.constant 0 : i32
        %dma_start3A_36 = tpu.memref_slice %arg4[%run_scoped3A_34, %dma_start3A] : memref<79x128xi32, #tpu.memory_space<vmem>> -> memref<1x128xi32, #tpu.memory_space<vmem>>
        %dma_start3A_37 = tpu.memref_squeeze %dma_start3A_36 : memref<1x128xi32, #tpu.memory_space<vmem>> -> memref<128xi32, #tpu.memory_space<vmem>>
        %dma_start3A_38 = arith.constant 0 : i32
        %dma_start3A_39 = tpu.memref_slice %arg7[%dma_start3A_38] : memref<10240xf32, #tpu.memory_space<vmem_shared>> -> memref<10240xf32, #tpu.memory_space<vmem_shared>>
        tpu.enqueue_indirect_dma source(%arg5 : memref<128xf32, #tpu.memory_space<vmem>>) target(%dma_start3A_39 : memref<10240xf32, #tpu.memory_space<vmem_shared>>) offsets(%dma_start3A_37 : memref<128xi32, #tpu.memory_space<vmem>>) semaphore(%run_scoped3A_35 : memref<!tpu.dma_semaphore, #tpu.memory_space<semaphore_mem>>) {add = true}
        %dma_wait3A = arith.constant 0 : i32
        %dma_wait3A_40 = tpu.memref_slice %arg4[%run_scoped3A_34, %dma_wait3A] : memref<79x128xi32, #tpu.memory_space<vmem>> -> memref<1x128xi32, #tpu.memory_space<vmem>>
        %dma_wait3A_41 = tpu.memref_squeeze %dma_wait3A_40 : memref<1x128xi32, #tpu.memory_space<vmem>> -> memref<128xi32, #tpu.memory_space<vmem>>
        %dma_wait3A_42 = arith.constant 0 : i32
        %dma_wait3A_43 = tpu.memref_slice %arg7[%dma_wait3A_42] : memref<10240xf32, #tpu.memory_space<vmem_shared>> -> memref<10240xf32, #tpu.memory_space<vmem_shared>>
        tpu.wait_indirect_dma semaphore(%run_scoped3A_35 : memref<!tpu.dma_semaphore, #tpu.memory_space<semaphore_mem>>) src(%arg5 : memref<128xf32, #tpu.memory_space<vmem>>) dst(%dma_wait3A_43 : memref<10240xf32, #tpu.memory_space<vmem_shared>>)
        tpu.yield
      }) : () -> ()
    } else {
    }
    %barrier3A_29 = arith.constant 0 : index
    tpu.barrier barrier_id(%barrier3A_29)
    %mul3A_30 = arith.constant 640 : i32
    %mul3A_31 = arith.muli %arg1, %mul3A_30 : i32
    %mul3A_32 = arith.constant 640 : i32
    %mul3A_33 = arith.muli %arg1, %mul3A_32 : i32
    "tpu.region"() ({
      %run_scoped3A_34 = tpu.sem_alloc : memref<!tpu.dma_semaphore, #tpu.memory_space<semaphore_mem>>
      %dma_start3A = tpu.memref_slice %arg3[%arg0, %mul3A_33] : memref<2x10240xf32, #tpu.memory_space<hbm>> -> memref<1x640xf32, #tpu.memory_space<hbm>>
      %dma_start3A_35 = tpu.memref_squeeze %dma_start3A : memref<1x640xf32, #tpu.memory_space<hbm>> -> memref<640xf32, #tpu.memory_space<hbm>>
      %dma_start3A_36 = tpu.memref_slice %arg7[%mul3A_31] : memref<10240xf32, #tpu.memory_space<vmem_shared>> -> memref<640xf32, #tpu.memory_space<vmem_shared>>
      tpu.enqueue_dma source(%dma_start3A_36 : memref<640xf32, #tpu.memory_space<vmem_shared>>) target(%dma_start3A_35 : memref<640xf32, #tpu.memory_space<hbm>>) target_semaphore(%run_scoped3A_34 : memref<!tpu.dma_semaphore, #tpu.memory_space<semaphore_mem>>)
      %dma_wait3A = tpu.memref_slice %arg3[%arg0, %mul3A_33] : memref<2x10240xf32, #tpu.memory_space<hbm>> -> memref<1x640xf32, #tpu.memory_space<hbm>>
      %dma_wait3A_37 = tpu.memref_squeeze %dma_wait3A : memref<1x640xf32, #tpu.memory_space<hbm>> -> memref<640xf32, #tpu.memory_space<hbm>>
      %dma_wait3A_38 = tpu.memref_slice %arg7[%mul3A_31] : memref<10240xf32, #tpu.memory_space<vmem_shared>> -> memref<640xf32, #tpu.memory_space<vmem_shared>>
      tpu.wait_dma2 semaphore(%run_scoped3A_34 : memref<!tpu.dma_semaphore, #tpu.memory_space<semaphore_mem>>) src(%dma_wait3A_38 : memref<640xf32, #tpu.memory_space<vmem_shared>>) dst(%dma_wait3A_37 : memref<640xf32, #tpu.memory_space<hbm>>)
      tpu.yield
    }) : () -> ()
    return
  }
}

#map = affine_map<(d0, d1) -> (0, 0)>
#map1 = affine_map<(d0, d1) -> (0, 0, 0)>
module attributes {stable_mosaic.version = 14 : i64} {
  func.func @_msg_body(%arg0: i32, %arg1: i32, %arg2: memref<10000x128xf32, #tpu.memory_space<hbm>>, %arg3: memref<2500x2x128xi32, #tpu.memory_space<hbm>>, %arg4: memref<2x10240x128xf32, #tpu.memory_space<hbm>>, %arg5: memref<79x128xi32, #tpu.memory_space<vmem>>, %arg6: memref<2x128xi32, #tpu.memory_space<vmem>>, %arg7: memref<128x128xf32, #tpu.memory_space<vmem>>, %arg8: memref<128x128xf32, #tpu.memory_space<vmem>>, %arg9: memref<10240x128xf32, #tpu.memory_space<vmem_shared>>, %arg10: memref<!tpu.dma_semaphore, #tpu.memory_space<semaphore_mem>>, %arg11: memref<!tpu.dma_semaphore, #tpu.memory_space<semaphore_mem>>, %arg12: memref<!tpu.dma_semaphore, #tpu.memory_space<semaphore_mem>>, %arg13: memref<!tpu.dma_semaphore, #tpu.memory_space<semaphore_mem>>) attributes {dimension_semantics = [#tpu.dimension_semantics<core_parallel>, #tpu.dimension_semantics<subcore_parallel>], iteration_bounds = array<i64: 2, 16>, scalar_prefetch = 0 : i64, scratch_operands = 9 : i64, tpu.core_type = #tpu.core_type<sc_vector_subcore>, window_params = [{transform_indices = #map}, {transform_indices = #map1}, {transform_indices = #map1}]} {
    %mul3A = arith.constant 2 : i32
    %mul3A_0 = arith.muli %arg1, %mul3A : i32
    %add3A = arith.addi %mul3A_0, %arg0 : i32
    %mul3A_1 = arith.constant 78 : i32
    %mul3A_2 = arith.muli %add3A, %mul3A_1 : i32
    %min3A = arith.constant 4 : i32
    %min3A_3 = arith.minsi %add3A, %min3A : i32
    %add3A_4 = arith.addi %mul3A_2, %min3A_3 : i32
    %lt3A = arith.constant 4 : i32
    %lt3A_5 = arith.cmpi slt, %add3A, %lt3A : i32
    %convert_element_type3A = arith.extui %lt3A_5 : i1 to i32
    %add3A_6 = arith.constant 78 : i32
    %add3A_7 = arith.addi %add3A_6, %convert_element_type3A : i32
    %scan3A = arith.constant 0 : i32
    %scan3A_8 = arith.constant 0 : i32
    %scan3A_9 = arith.constant 128 : i32
    %scan3A_10 = arith.addi %scan3A_8, %scan3A_9 : i32
    %scan3A_11 = arith.constant 1 : i32
    scf.for %scan3A_80 = %scan3A_8 to %scan3A_10 step %scan3A_11  : i32 {
      %scan3A_81 = arith.constant 0 : i32
      %scan3A_82 = arith.constant 0 : i32
      %scan3A_83 = arith.constant 8 : i32
      %scan3A_84 = arith.addi %scan3A_82, %scan3A_83 : i32
      %scan3A_85 = arith.constant 1 : i32
      scf.for %scan3A_87 = %scan3A_82 to %scan3A_84 step %scan3A_85  : i32 {
        %broadcast_in_dim3A = arith.constant 0.000000e+00 : f32
        %broadcast_in_dim3A_88 = vector.broadcast %broadcast_in_dim3A : f32 to vector<16xf32>
        %mul3A_89 = arith.constant 16 : i32
        %mul3A_90 = arith.muli %scan3A_87, %mul3A_89 : i32
        %swap3A = arith.index_cast %scan3A_80 : i32 to index
        %swap3A_91 = arith.index_cast %mul3A_90 : i32 to index
        %swap3A_92 = tpu.vector_load %arg7[%swap3A, %swap3A_91] {strides = array<i32>} : memref<128x128xf32, #tpu.memory_space<vmem>>, vector<1x16xf32>,
        %swap3A_93 = vector.shape_cast %swap3A_92 : vector<1x16xf32> to vector<16xf32>
        %swap3A_94 = vector.shape_cast %broadcast_in_dim3A_88 : vector<16xf32> to vector<1x16xf32>
        tpu.vector_store %arg7[%swap3A, %swap3A_91], %swap3A_94 {strides = array<i32>} : memref<128x128xf32, #tpu.memory_space<vmem>>, vector<1x16xf32>,
      }
      %scan3A_86 = arith.constant 8 : i32
    }
    %scan3A_12 = arith.constant 128 : i32
    %scan3A_13 = arith.constant 0 : i32
    %scan3A_14 = arith.constant 0 : i32
    %scan3A_15 = arith.constant 5 : i32
    %scan3A_16 = arith.addi %scan3A_14, %scan3A_15 : i32
    %scan3A_17 = arith.constant 1 : i32
    scf.for %scan3A_80 = %scan3A_14 to %scan3A_16 step %scan3A_17  : i32 {
      %mul3A_81 = arith.constant 640 : i32
      %mul3A_82 = arith.muli %arg1, %mul3A_81 : i32
      %mul3A_83 = arith.constant 128 : i32
      %mul3A_84 = arith.muli %scan3A_80, %mul3A_83 : i32
      %add3A_85 = arith.addi %mul3A_82, %mul3A_84 : i32
      "tpu.region"() ({
        %run_scoped3A_86 = tpu.sem_alloc : memref<!tpu.dma_semaphore, #tpu.memory_space<semaphore_mem>>
        %dma_start3A_87 = arith.constant 0 : i32
        %dma_start3A_88 = tpu.memref_slice %arg9[%add3A_85, %dma_start3A_87] : memref<10240x128xf32, #tpu.memory_space<vmem_shared>> -> memref<128x128xf32, #tpu.memory_space<vmem_shared>>
        %dma_start3A_89 = arith.constant 0 : i32
        %dma_start3A_90 = tpu.memref_slice %arg9[%add3A_85, %dma_start3A_89] : memref<10240x128xf32, #tpu.memory_space<vmem_shared>> -> memref<128x128xf32, #tpu.memory_space<vmem_shared>>
        tpu.enqueue_dma source(%arg7 : memref<128x128xf32, #tpu.memory_space<vmem>>) target(%dma_start3A_90 : memref<128x128xf32, #tpu.memory_space<vmem_shared>>) target_semaphore(%run_scoped3A_86 : memref<!tpu.dma_semaphore, #tpu.memory_space<semaphore_mem>>)
        %dma_wait3A = arith.constant 0 : i32
        %dma_wait3A_91 = tpu.memref_slice %arg9[%add3A_85, %dma_wait3A] : memref<10240x128xf32, #tpu.memory_space<vmem_shared>> -> memref<128x128xf32, #tpu.memory_space<vmem_shared>>
        %dma_wait3A_92 = arith.constant 0 : i32
        %dma_wait3A_93 = tpu.memref_slice %arg9[%add3A_85, %dma_wait3A_92] : memref<10240x128xf32, #tpu.memory_space<vmem_shared>> -> memref<128x128xf32, #tpu.memory_space<vmem_shared>>
        tpu.wait_dma2 semaphore(%run_scoped3A_86 : memref<!tpu.dma_semaphore, #tpu.memory_space<semaphore_mem>>) src(%arg7 : memref<128x128xf32, #tpu.memory_space<vmem>>) dst(%dma_wait3A_93 : memref<128x128xf32, #tpu.memory_space<vmem_shared>>)
        tpu.yield
      }) : () -> ()
    }
    %scan3A_18 = arith.constant 5 : i32
    %run_scoped3A = arith.constant 0 : i32
    "tpu.region"() ({
      %run_scoped3A_80 = tpu.sem_alloc : memref<!tpu.dma_semaphore, #tpu.memory_space<semaphore_mem>>
      %dma_start3A_81 = arith.constant 0 : i32
      %dma_start3A_82 = arith.constant 0 : i32
      %dma_start3A_83 = tpu.memref_slice %arg5[%dma_start3A_81, %dma_start3A_82] : memref<79x128xi32, #tpu.memory_space<vmem>> -> memref<78x128xi32, #tpu.memory_space<vmem>>
      %dma_start3A_84 = arith.constant 0 : i32
      %dma_start3A_85 = tpu.memref_slice %arg3[%add3A_4, %run_scoped3A, %dma_start3A_84] : memref<2500x2x128xi32, #tpu.memory_space<hbm>> -> memref<78x1x128xi32, #tpu.memory_space<hbm>>
      %dma_start3A_86 = tpu.memref_squeeze %dma_start3A_85 : memref<78x1x128xi32, #tpu.memory_space<hbm>> -> memref<78x128xi32, #tpu.memory_space<hbm>>
      %dma_start3A_87 = arith.constant 0 : i32
      %dma_start3A_88 = arith.constant 0 : i32
      %dma_start3A_89 = tpu.memref_slice %arg5[%dma_start3A_87, %dma_start3A_88] : memref<79x128xi32, #tpu.memory_space<vmem>> -> memref<78x128xi32, #tpu.memory_space<vmem>>
      %dma_start3A_90 = arith.constant 0 : i32
      %dma_start3A_91 = tpu.memref_slice %arg3[%add3A_4, %run_scoped3A, %dma_start3A_90] : memref<2500x2x128xi32, #tpu.memory_space<hbm>> -> memref<78x1x128xi32, #tpu.memory_space<hbm>>
      %dma_start3A_92 = tpu.memref_squeeze %dma_start3A_91 : memref<78x1x128xi32, #tpu.memory_space<hbm>> -> memref<78x128xi32, #tpu.memory_space<hbm>>
      tpu.enqueue_dma source(%dma_start3A_92 : memref<78x128xi32, #tpu.memory_space<hbm>>) target(%dma_start3A_89 : memref<78x128xi32, #tpu.memory_space<vmem>>) target_semaphore(%run_scoped3A_80 : memref<!tpu.dma_semaphore, #tpu.memory_space<semaphore_mem>>)
      %dma_wait3A = arith.constant 0 : i32
      %dma_wait3A_93 = arith.constant 0 : i32
      %dma_wait3A_94 = tpu.memref_slice %arg5[%dma_wait3A, %dma_wait3A_93] : memref<79x128xi32, #tpu.memory_space<vmem>> -> memref<78x128xi32, #tpu.memory_space<vmem>>
      %dma_wait3A_95 = arith.constant 0 : i32
      %dma_wait3A_96 = tpu.memref_slice %arg3[%add3A_4, %run_scoped3A, %dma_wait3A_95] : memref<2500x2x128xi32, #tpu.memory_space<hbm>> -> memref<78x1x128xi32, #tpu.memory_space<hbm>>
      %dma_wait3A_97 = tpu.memref_squeeze %dma_wait3A_96 : memref<78x1x128xi32, #tpu.memory_space<hbm>> -> memref<78x128xi32, #tpu.memory_space<hbm>>
      %dma_wait3A_98 = arith.constant 0 : i32
      %dma_wait3A_99 = arith.constant 0 : i32
      %dma_wait3A_100 = tpu.memref_slice %arg5[%dma_wait3A_98, %dma_wait3A_99] : memref<79x128xi32, #tpu.memory_space<vmem>> -> memref<78x128xi32, #tpu.memory_space<vmem>>
      %dma_wait3A_101 = arith.constant 0 : i32
      %dma_wait3A_102 = tpu.memref_slice %arg3[%add3A_4, %run_scoped3A, %dma_wait3A_101] : memref<2500x2x128xi32, #tpu.memory_space<hbm>> -> memref<78x1x128xi32, #tpu.memory_space<hbm>>
      %dma_wait3A_103 = tpu.memref_squeeze %dma_wait3A_102 : memref<78x1x128xi32, #tpu.memory_space<hbm>> -> memref<78x128xi32, #tpu.memory_space<hbm>>
      tpu.wait_dma2 semaphore(%run_scoped3A_80 : memref<!tpu.dma_semaphore, #tpu.memory_space<semaphore_mem>>) src(%dma_wait3A_103 : memref<78x128xi32, #tpu.memory_space<hbm>>) dst(%dma_wait3A_100 : memref<78x128xi32, #tpu.memory_space<vmem>>)
      tpu.yield
    }) : () -> ()
    %convert_element_type3A_19 = arith.extui %lt3A_5 : i1 to i32
    %cond3A = arith.constant 0 : i32
    %cond3A_20 = arith.cmpi ne, %convert_element_type3A_19, %cond3A : i32
    scf.if %cond3A_20 {
      %add3A_80 = arith.constant 78 : i32
      %add3A_81 = arith.addi %add3A_4, %add3A_80 : i32
      %run_scoped3A_82 = arith.constant 0 : i32
      %run_scoped3A_83 = arith.constant 78 : i32
      "tpu.region"() ({
        %run_scoped3A_84 = tpu.sem_alloc : memref<!tpu.dma_semaphore, #tpu.memory_space<semaphore_mem>>
        %dma_start3A_85 = arith.constant 0 : i32
        %dma_start3A_86 = tpu.memref_slice %arg5[%run_scoped3A_83, %dma_start3A_85] : memref<79x128xi32, #tpu.memory_space<vmem>> -> memref<1x128xi32, #tpu.memory_space<vmem>>
        %dma_start3A_87 = tpu.memref_squeeze %dma_start3A_86 : memref<1x128xi32, #tpu.memory_space<vmem>> -> memref<128xi32, #tpu.memory_space<vmem>>
        %dma_start3A_88 = arith.constant 0 : i32
        %dma_start3A_89 = tpu.memref_slice %arg3[%add3A_81, %run_scoped3A_82, %dma_start3A_88] : memref<2500x2x128xi32, #tpu.memory_space<hbm>> -> memref<1x1x128xi32, #tpu.memory_space<hbm>>
        %dma_start3A_90 = tpu.memref_squeeze %dma_start3A_89 : memref<1x1x128xi32, #tpu.memory_space<hbm>> -> memref<128xi32, #tpu.memory_space<hbm>>
        %dma_start3A_91 = arith.constant 0 : i32
        %dma_start3A_92 = tpu.memref_slice %arg5[%run_scoped3A_83, %dma_start3A_91] : memref<79x128xi32, #tpu.memory_space<vmem>> -> memref<1x128xi32, #tpu.memory_space<vmem>>
        %dma_start3A_93 = tpu.memref_squeeze %dma_start3A_92 : memref<1x128xi32, #tpu.memory_space<vmem>> -> memref<128xi32, #tpu.memory_space<vmem>>
        %dma_start3A_94 = arith.constant 0 : i32
        %dma_start3A_95 = tpu.memref_slice %arg3[%add3A_81, %run_scoped3A_82, %dma_start3A_94] : memref<2500x2x128xi32, #tpu.memory_space<hbm>> -> memref<1x1x128xi32, #tpu.memory_space<hbm>>
        %dma_start3A_96 = tpu.memref_squeeze %dma_start3A_95 : memref<1x1x128xi32, #tpu.memory_space<hbm>> -> memref<128xi32, #tpu.memory_space<hbm>>
        tpu.enqueue_dma source(%dma_start3A_96 : memref<128xi32, #tpu.memory_space<hbm>>) target(%dma_start3A_93 : memref<128xi32, #tpu.memory_space<vmem>>) target_semaphore(%run_scoped3A_84 : memref<!tpu.dma_semaphore, #tpu.memory_space<semaphore_mem>>)
        %dma_wait3A = arith.constant 0 : i32
        %dma_wait3A_97 = tpu.memref_slice %arg5[%run_scoped3A_83, %dma_wait3A] : memref<79x128xi32, #tpu.memory_space<vmem>> -> memref<1x128xi32, #tpu.memory_space<vmem>>
        %dma_wait3A_98 = tpu.memref_squeeze %dma_wait3A_97 : memref<1x128xi32, #tpu.memory_space<vmem>> -> memref<128xi32, #tpu.memory_space<vmem>>
        %dma_wait3A_99 = arith.constant 0 : i32
        %dma_wait3A_100 = tpu.memref_slice %arg3[%add3A_81, %run_scoped3A_82, %dma_wait3A_99] : memref<2500x2x128xi32, #tpu.memory_space<hbm>> -> memref<1x1x128xi32, #tpu.memory_space<hbm>>
        %dma_wait3A_101 = tpu.memref_squeeze %dma_wait3A_100 : memref<1x1x128xi32, #tpu.memory_space<hbm>> -> memref<128xi32, #tpu.memory_space<hbm>>
        %dma_wait3A_102 = arith.constant 0 : i32
        %dma_wait3A_103 = tpu.memref_slice %arg5[%run_scoped3A_83, %dma_wait3A_102] : memref<79x128xi32, #tpu.memory_space<vmem>> -> memref<1x128xi32, #tpu.memory_space<vmem>>
        %dma_wait3A_104 = tpu.memref_squeeze %dma_wait3A_103 : memref<1x128xi32, #tpu.memory_space<vmem>> -> memref<128xi32, #tpu.memory_space<vmem>>
        %dma_wait3A_105 = arith.constant 0 : i32
        %dma_wait3A_106 = tpu.memref_slice %arg3[%add3A_81, %run_scoped3A_82, %dma_wait3A_105] : memref<2500x2x128xi32, #tpu.memory_space<hbm>> -> memref<1x1x128xi32, #tpu.memory_space<hbm>>
        %dma_wait3A_107 = tpu.memref_squeeze %dma_wait3A_106 : memref<1x1x128xi32, #tpu.memory_space<hbm>> -> memref<128xi32, #tpu.memory_space<hbm>>
        tpu.wait_dma2 semaphore(%run_scoped3A_84 : memref<!tpu.dma_semaphore, #tpu.memory_space<semaphore_mem>>) src(%dma_wait3A_107 : memref<128xi32, #tpu.memory_space<hbm>>) dst(%dma_wait3A_104 : memref<128xi32, #tpu.memory_space<vmem>>)
        tpu.yield
      }) : () -> ()
    } else {
    }
    %barrier3A = arith.constant 0 : index
    tpu.barrier barrier_id(%barrier3A)
    %dma_start3A = arith.constant 0 : i32
    %dma_start3A_21 = arith.constant 0 : i32
    %dma_start3A_22 = tpu.memref_slice %arg5[%dma_start3A, %dma_start3A_21] : memref<79x128xi32, #tpu.memory_space<vmem>> -> memref<1x128xi32, #tpu.memory_space<vmem>>
    %dma_start3A_23 = tpu.memref_squeeze %dma_start3A_22 : memref<1x128xi32, #tpu.memory_space<vmem>> -> memref<128xi32, #tpu.memory_space<vmem>>
    %dma_start3A_24 = arith.constant 0 : i32
    %dma_start3A_25 = arith.constant 0 : i32
    %dma_start3A_26 = tpu.memref_slice %arg2[%dma_start3A_24, %dma_start3A_25] : memref<10000x128xf32, #tpu.memory_space<hbm>> -> memref<10000x128xf32, #tpu.memory_space<hbm>>
    tpu.enqueue_indirect_dma source(%dma_start3A_26 : memref<10000x128xf32, #tpu.memory_space<hbm>>) target(%arg7 : memref<128x128xf32, #tpu.memory_space<vmem>>) offsets(%dma_start3A_23 : memref<128xi32, #tpu.memory_space<vmem>>) semaphore(%arg10 : memref<!tpu.dma_semaphore, #tpu.memory_space<semaphore_mem>>)
    %dma_start3A_27 = arith.constant 1 : i32
    %dma_start3A_28 = arith.constant 0 : i32
    %dma_start3A_29 = arith.constant 0 : i32
    %dma_start3A_30 = tpu.memref_slice %arg6[%dma_start3A_28, %dma_start3A_29] : memref<2x128xi32, #tpu.memory_space<vmem>> -> memref<1x128xi32, #tpu.memory_space<vmem>>
    %dma_start3A_31 = tpu.memref_squeeze %dma_start3A_30 : memref<1x128xi32, #tpu.memory_space<vmem>> -> memref<128xi32, #tpu.memory_space<vmem>>
    %dma_start3A_32 = arith.constant 0 : i32
    %dma_start3A_33 = tpu.memref_slice %arg3[%add3A_4, %dma_start3A_27, %dma_start3A_32] : memref<2500x2x128xi32, #tpu.memory_space<hbm>> -> memref<1x1x128xi32, #tpu.memory_space<hbm>>
    %dma_start3A_34 = tpu.memref_squeeze %dma_start3A_33 : memref<1x1x128xi32, #tpu.memory_space<hbm>> -> memref<128xi32, #tpu.memory_space<hbm>>
    %dma_start3A_35 = arith.constant 0 : i32
    %dma_start3A_36 = tpu.memref_slice %arg6[%dma_start3A_28, %dma_start3A_35] : memref<2x128xi32, #tpu.memory_space<vmem>> -> memref<1x128xi32, #tpu.memory_space<vmem>>
    %dma_start3A_37 = tpu.memref_squeeze %dma_start3A_36 : memref<1x128xi32, #tpu.memory_space<vmem>> -> memref<128xi32, #tpu.memory_space<vmem>>
    %dma_start3A_38 = arith.constant 0 : i32
    %dma_start3A_39 = tpu.memref_slice %arg3[%add3A_4, %dma_start3A_27, %dma_start3A_38] : memref<2500x2x128xi32, #tpu.memory_space<hbm>> -> memref<1x1x128xi32, #tpu.memory_space<hbm>>
    %dma_start3A_40 = tpu.memref_squeeze %dma_start3A_39 : memref<1x1x128xi32, #tpu.memory_space<hbm>> -> memref<128xi32, #tpu.memory_space<hbm>>
    tpu.enqueue_dma source(%dma_start3A_40 : memref<128xi32, #tpu.memory_space<hbm>>) target(%dma_start3A_37 : memref<128xi32, #tpu.memory_space<vmem>>) target_semaphore(%arg12 : memref<!tpu.dma_semaphore, #tpu.memory_space<semaphore_mem>>)
    %dma_start3A_41 = arith.constant 1 : i32
    %dma_start3A_42 = arith.constant 0 : i32
    %dma_start3A_43 = tpu.memref_slice %arg5[%dma_start3A_41, %dma_start3A_42] : memref<79x128xi32, #tpu.memory_space<vmem>> -> memref<1x128xi32, #tpu.memory_space<vmem>>
    %dma_start3A_44 = tpu.memref_squeeze %dma_start3A_43 : memref<1x128xi32, #tpu.memory_space<vmem>> -> memref<128xi32, #tpu.memory_space<vmem>>
    %dma_start3A_45 = arith.constant 0 : i32
    %dma_start3A_46 = arith.constant 0 : i32
    %dma_start3A_47 = tpu.memref_slice %arg2[%dma_start3A_45, %dma_start3A_46] : memref<10000x128xf32, #tpu.memory_space<hbm>> -> memref<10000x128xf32, #tpu.memory_space<hbm>>
    tpu.enqueue_indirect_dma source(%dma_start3A_47 : memref<10000x128xf32, #tpu.memory_space<hbm>>) target(%arg8 : memref<128x128xf32, #tpu.memory_space<vmem>>) offsets(%dma_start3A_44 : memref<128xi32, #tpu.memory_space<vmem>>) semaphore(%arg11 : memref<!tpu.dma_semaphore, #tpu.memory_space<semaphore_mem>>)
    %add3A_48 = arith.constant 1 : i32
    %add3A_49 = arith.addi %add3A_4, %add3A_48 : i32
    %dma_start3A_50 = arith.constant 1 : i32
    %dma_start3A_51 = arith.constant 1 : i32
    %dma_start3A_52 = arith.constant 0 : i32
    %dma_start3A_53 = tpu.memref_slice %arg6[%dma_start3A_51, %dma_start3A_52] : memref<2x128xi32, #tpu.memory_space<vmem>> -> memref<1x128xi32, #tpu.memory_space<vmem>>
    %dma_start3A_54 = tpu.memref_squeeze %dma_start3A_53 : memref<1x128xi32, #tpu.memory_space<vmem>> -> memref<128xi32, #tpu.memory_space<vmem>>
    %dma_start3A_55 = arith.constant 0 : i32
    %dma_start3A_56 = tpu.memref_slice %arg3[%add3A_49, %dma_start3A_50, %dma_start3A_55] : memref<2500x2x128xi32, #tpu.memory_space<hbm>> -> memref<1x1x128xi32, #tpu.memory_space<hbm>>
    %dma_start3A_57 = tpu.memref_squeeze %dma_start3A_56 : memref<1x1x128xi32, #tpu.memory_space<hbm>> -> memref<128xi32, #tpu.memory_space<hbm>>
    %dma_start3A_58 = arith.constant 0 : i32
    %dma_start3A_59 = tpu.memref_slice %arg6[%dma_start3A_51, %dma_start3A_58] : memref<2x128xi32, #tpu.memory_space<vmem>> -> memref<1x128xi32, #tpu.memory_space<vmem>>
    %dma_start3A_60 = tpu.memref_squeeze %dma_start3A_59 : memref<1x128xi32, #tpu.memory_space<vmem>> -> memref<128xi32, #tpu.memory_space<vmem>>
    %dma_start3A_61 = arith.constant 0 : i32
    %dma_start3A_62 = tpu.memref_slice %arg3[%add3A_49, %dma_start3A_50, %dma_start3A_61] : memref<2500x2x128xi32, #tpu.memory_space<hbm>> -> memref<1x1x128xi32, #tpu.memory_space<hbm>>
    %dma_start3A_63 = tpu.memref_squeeze %dma_start3A_62 : memref<1x1x128xi32, #tpu.memory_space<hbm>> -> memref<128xi32, #tpu.memory_space<hbm>>
    tpu.enqueue_dma source(%dma_start3A_63 : memref<128xi32, #tpu.memory_space<hbm>>) target(%dma_start3A_60 : memref<128xi32, #tpu.memory_space<vmem>>) target_semaphore(%arg13 : memref<!tpu.dma_semaphore, #tpu.memory_space<semaphore_mem>>)
    %scan3A_64 = arith.constant 0 : i32
    %scan3A_65 = arith.constant 0 : i32
    %scan3A_66 = arith.constant 39 : i32
    %scan3A_67 = arith.addi %scan3A_65, %scan3A_66 : i32
    %scan3A_68 = arith.constant 1 : i32
    scf.for %scan3A_80 = %scan3A_65 to %scan3A_67 step %scan3A_68  : i32 {
      %mul3A_81 = arith.constant 2 : i32
      %mul3A_82 = arith.muli %scan3A_80, %mul3A_81 : i32
      %add3A_83 = arith.constant 1 : i32
      %add3A_84 = arith.addi %mul3A_82, %add3A_83 : i32
      %dma_wait3A = arith.constant 0 : i32
      %dma_wait3A_85 = tpu.memref_slice %arg5[%mul3A_82, %dma_wait3A] : memref<79x128xi32, #tpu.memory_space<vmem>> -> memref<1x128xi32, #tpu.memory_space<vmem>>
      %dma_wait3A_86 = tpu.memref_squeeze %dma_wait3A_85 : memref<1x128xi32, #tpu.memory_space<vmem>> -> memref<128xi32, #tpu.memory_space<vmem>>
      %dma_wait3A_87 = arith.constant 0 : i32
      %dma_wait3A_88 = arith.constant 0 : i32
      %dma_wait3A_89 = tpu.memref_slice %arg2[%dma_wait3A_87, %dma_wait3A_88] : memref<10000x128xf32, #tpu.memory_space<hbm>> -> memref<10000x128xf32, #tpu.memory_space<hbm>>
      tpu.wait_indirect_dma semaphore(%arg10 : memref<!tpu.dma_semaphore, #tpu.memory_space<semaphore_mem>>) src(%dma_wait3A_89 : memref<10000x128xf32, #tpu.memory_space<hbm>>) dst(%arg7 : memref<128x128xf32, #tpu.memory_space<vmem>>)
      %add3A_90 = arith.addi %add3A_4, %mul3A_82 : i32
      %dma_wait3A_91 = arith.constant 1 : i32
      %dma_wait3A_92 = arith.constant 0 : i32
      %dma_wait3A_93 = arith.constant 0 : i32
      %dma_wait3A_94 = tpu.memref_slice %arg6[%dma_wait3A_92, %dma_wait3A_93] : memref<2x128xi32, #tpu.memory_space<vmem>> -> memref<1x128xi32, #tpu.memory_space<vmem>>
      %dma_wait3A_95 = tpu.memref_squeeze %dma_wait3A_94 : memref<1x128xi32, #tpu.memory_space<vmem>> -> memref<128xi32, #tpu.memory_space<vmem>>
      %dma_wait3A_96 = arith.constant 0 : i32
      %dma_wait3A_97 = tpu.memref_slice %arg3[%add3A_90, %dma_wait3A_91, %dma_wait3A_96] : memref<2500x2x128xi32, #tpu.memory_space<hbm>> -> memref<1x1x128xi32, #tpu.memory_space<hbm>>
      %dma_wait3A_98 = tpu.memref_squeeze %dma_wait3A_97 : memref<1x1x128xi32, #tpu.memory_space<hbm>> -> memref<128xi32, #tpu.memory_space<hbm>>
      %dma_wait3A_99 = arith.constant 0 : i32
      %dma_wait3A_100 = tpu.memref_slice %arg6[%dma_wait3A_92, %dma_wait3A_99] : memref<2x128xi32, #tpu.memory_space<vmem>> -> memref<1x128xi32, #tpu.memory_space<vmem>>
      %dma_wait3A_101 = tpu.memref_squeeze %dma_wait3A_100 : memref<1x128xi32, #tpu.memory_space<vmem>> -> memref<128xi32, #tpu.memory_space<vmem>>
      %dma_wait3A_102 = arith.constant 0 : i32
      %dma_wait3A_103 = tpu.memref_slice %arg3[%add3A_90, %dma_wait3A_91, %dma_wait3A_102] : memref<2500x2x128xi32, #tpu.memory_space<hbm>> -> memref<1x1x128xi32, #tpu.memory_space<hbm>>
      %dma_wait3A_104 = tpu.memref_squeeze %dma_wait3A_103 : memref<1x1x128xi32, #tpu.memory_space<hbm>> -> memref<128xi32, #tpu.memory_space<hbm>>
      tpu.wait_dma2 semaphore(%arg12 : memref<!tpu.dma_semaphore, #tpu.memory_space<semaphore_mem>>) src(%dma_wait3A_104 : memref<128xi32, #tpu.memory_space<hbm>>) dst(%dma_wait3A_101 : memref<128xi32, #tpu.memory_space<vmem>>)
      %run_scoped3A_105 = arith.constant 0 : i32
      "tpu.region"() ({
        %run_scoped3A_140 = tpu.sem_alloc : memref<!tpu.dma_semaphore, #tpu.memory_space<semaphore_mem>>
        %dma_start3A_141 = arith.constant 0 : i32
        %dma_start3A_142 = tpu.memref_slice %arg6[%run_scoped3A_105, %dma_start3A_141] : memref<2x128xi32, #tpu.memory_space<vmem>> -> memref<1x128xi32, #tpu.memory_space<vmem>>
        %dma_start3A_143 = tpu.memref_squeeze %dma_start3A_142 : memref<1x128xi32, #tpu.memory_space<vmem>> -> memref<128xi32, #tpu.memory_space<vmem>>
        %dma_start3A_144 = arith.constant 0 : i32
        %dma_start3A_145 = arith.constant 0 : i32
        %dma_start3A_146 = tpu.memref_slice %arg9[%dma_start3A_144, %dma_start3A_145] : memref<10240x128xf32, #tpu.memory_space<vmem_shared>> -> memref<10240x128xf32, #tpu.memory_space<vmem_shared>>
        tpu.enqueue_indirect_dma source(%arg7 : memref<128x128xf32, #tpu.memory_space<vmem>>) target(%dma_start3A_146 : memref<10240x128xf32, #tpu.memory_space<vmem_shared>>) offsets(%dma_start3A_143 : memref<128xi32, #tpu.memory_space<vmem>>) semaphore(%run_scoped3A_140 : memref<!tpu.dma_semaphore, #tpu.memory_space<semaphore_mem>>) {add = true}
        %dma_wait3A_147 = arith.constant 0 : i32
        %dma_wait3A_148 = tpu.memref_slice %arg6[%run_scoped3A_105, %dma_wait3A_147] : memref<2x128xi32, #tpu.memory_space<vmem>> -> memref<1x128xi32, #tpu.memory_space<vmem>>
        %dma_wait3A_149 = tpu.memref_squeeze %dma_wait3A_148 : memref<1x128xi32, #tpu.memory_space<vmem>> -> memref<128xi32, #tpu.memory_space<vmem>>
        %dma_wait3A_150 = arith.constant 0 : i32
        %dma_wait3A_151 = arith.constant 0 : i32
        %dma_wait3A_152 = tpu.memref_slice %arg9[%dma_wait3A_150, %dma_wait3A_151] : memref<10240x128xf32, #tpu.memory_space<vmem_shared>> -> memref<10240x128xf32, #tpu.memory_space<vmem_shared>>
        tpu.wait_indirect_dma semaphore(%run_scoped3A_140 : memref<!tpu.dma_semaphore, #tpu.memory_space<semaphore_mem>>) src(%arg7 : memref<128x128xf32, #tpu.memory_space<vmem>>) dst(%dma_wait3A_152 : memref<10240x128xf32, #tpu.memory_space<vmem_shared>>)
        tpu.yield
      }) : () -> ()
      %add3A_106 = arith.constant 2 : i32
      %add3A_107 = arith.addi %mul3A_82, %add3A_106 : i32
      %lt3A_108 = arith.cmpi slt, %add3A_107, %add3A_7 : i32
      %convert_element_type3A_109 = arith.extui %lt3A_108 : i1 to i32
      %cond3A_110 = arith.constant 0 : i32
      %cond3A_111 = arith.cmpi ne, %convert_element_type3A_109, %cond3A_110 : i32
      scf.if %cond3A_111 {
        %add3A_140 = arith.constant 2 : i32
        %add3A_141 = arith.addi %mul3A_82, %add3A_140 : i32
        %dma_start3A_142 = arith.constant 0 : i32
        %dma_start3A_143 = tpu.memref_slice %arg5[%add3A_141, %dma_start3A_142] : memref<79x128xi32, #tpu.memory_space<vmem>> -> memref<1x128xi32, #tpu.memory_space<vmem>>
        %dma_start3A_144 = tpu.memref_squeeze %dma_start3A_143 : memref<1x128xi32, #tpu.memory_space<vmem>> -> memref<128xi32, #tpu.memory_space<vmem>>
        %dma_start3A_145 = arith.constant 0 : i32
        %dma_start3A_146 = arith.constant 0 : i32
        %dma_start3A_147 = tpu.memref_slice %arg2[%dma_start3A_145, %dma_start3A_146] : memref<10000x128xf32, #tpu.memory_space<hbm>> -> memref<10000x128xf32, #tpu.memory_space<hbm>>
        tpu.enqueue_indirect_dma source(%dma_start3A_147 : memref<10000x128xf32, #tpu.memory_space<hbm>>) target(%arg7 : memref<128x128xf32, #tpu.memory_space<vmem>>) offsets(%dma_start3A_144 : memref<128xi32, #tpu.memory_space<vmem>>) semaphore(%arg10 : memref<!tpu.dma_semaphore, #tpu.memory_space<semaphore_mem>>)
        %add3A_148 = arith.addi %add3A_4, %mul3A_82 : i32
        %add3A_149 = arith.constant 2 : i32
        %add3A_150 = arith.addi %add3A_148, %add3A_149 : i32
        %dma_start3A_151 = arith.constant 1 : i32
        %dma_start3A_152 = arith.constant 0 : i32
        %dma_start3A_153 = arith.constant 0 : i32
        %dma_start3A_154 = tpu.memref_slice %arg6[%dma_start3A_152, %dma_start3A_153] : memref<2x128xi32, #tpu.memory_space<vmem>> -> memref<1x128xi32, #tpu.memory_space<vmem>>
        %dma_start3A_155 = tpu.memref_squeeze %dma_start3A_154 : memref<1x128xi32, #tpu.memory_space<vmem>> -> memref<128xi32, #tpu.memory_space<vmem>>
        %dma_start3A_156 = arith.constant 0 : i32
        %dma_start3A_157 = tpu.memref_slice %arg3[%add3A_150, %dma_start3A_151, %dma_start3A_156] : memref<2500x2x128xi32, #tpu.memory_space<hbm>> -> memref<1x1x128xi32, #tpu.memory_space<hbm>>
        %dma_start3A_158 = tpu.memref_squeeze %dma_start3A_157 : memref<1x1x128xi32, #tpu.memory_space<hbm>> -> memref<128xi32, #tpu.memory_space<hbm>>
        %dma_start3A_159 = arith.constant 0 : i32
        %dma_start3A_160 = tpu.memref_slice %arg6[%dma_start3A_152, %dma_start3A_159] : memref<2x128xi32, #tpu.memory_space<vmem>> -> memref<1x128xi32, #tpu.memory_space<vmem>>
        %dma_start3A_161 = tpu.memref_squeeze %dma_start3A_160 : memref<1x128xi32, #tpu.memory_space<vmem>> -> memref<128xi32, #tpu.memory_space<vmem>>
        %dma_start3A_162 = arith.constant 0 : i32
        %dma_start3A_163 = tpu.memref_slice %arg3[%add3A_150, %dma_start3A_151, %dma_start3A_162] : memref<2500x2x128xi32, #tpu.memory_space<hbm>> -> memref<1x1x128xi32, #tpu.memory_space<hbm>>
        %dma_start3A_164 = tpu.memref_squeeze %dma_start3A_163 : memref<1x1x128xi32, #tpu.memory_space<hbm>> -> memref<128xi32, #tpu.memory_space<hbm>>
        tpu.enqueue_dma source(%dma_start3A_164 : memref<128xi32, #tpu.memory_space<hbm>>) target(%dma_start3A_161 : memref<128xi32, #tpu.memory_space<vmem>>) target_semaphore(%arg12 : memref<!tpu.dma_semaphore, #tpu.memory_space<semaphore_mem>>)
      } else {
      }
      %dma_wait3A_112 = arith.constant 0 : i32
      %dma_wait3A_113 = tpu.memref_slice %arg5[%add3A_84, %dma_wait3A_112] : memref<79x128xi32, #tpu.memory_space<vmem>> -> memref<1x128xi32, #tpu.memory_space<vmem>>
      %dma_wait3A_114 = tpu.memref_squeeze %dma_wait3A_113 : memref<1x128xi32, #tpu.memory_space<vmem>> -> memref<128xi32, #tpu.memory_space<vmem>>
      %dma_wait3A_115 = arith.constant 0 : i32
      %dma_wait3A_116 = arith.constant 0 : i32
      %dma_wait3A_117 = tpu.memref_slice %arg2[%dma_wait3A_115, %dma_wait3A_116] : memref<10000x128xf32, #tpu.memory_space<hbm>> -> memref<10000x128xf32, #tpu.memory_space<hbm>>
      tpu.wait_indirect_dma semaphore(%arg11 : memref<!tpu.dma_semaphore, #tpu.memory_space<semaphore_mem>>) src(%dma_wait3A_117 : memref<10000x128xf32, #tpu.memory_space<hbm>>) dst(%arg8 : memref<128x128xf32, #tpu.memory_space<vmem>>)
      %add3A_118 = arith.addi %add3A_4, %add3A_84 : i32
      %dma_wait3A_119 = arith.constant 1 : i32
      %dma_wait3A_120 = arith.constant 1 : i32
      %dma_wait3A_121 = arith.constant 0 : i32
      %dma_wait3A_122 = tpu.memref_slice %arg6[%dma_wait3A_120, %dma_wait3A_121] : memref<2x128xi32, #tpu.memory_space<vmem>> -> memref<1x128xi32, #tpu.memory_space<vmem>>
      %dma_wait3A_123 = tpu.memref_squeeze %dma_wait3A_122 : memref<1x128xi32, #tpu.memory_space<vmem>> -> memref<128xi32, #tpu.memory_space<vmem>>
      %dma_wait3A_124 = arith.constant 0 : i32
      %dma_wait3A_125 = tpu.memref_slice %arg3[%add3A_118, %dma_wait3A_119, %dma_wait3A_124] : memref<2500x2x128xi32, #tpu.memory_space<hbm>> -> memref<1x1x128xi32, #tpu.memory_space<hbm>>
      %dma_wait3A_126 = tpu.memref_squeeze %dma_wait3A_125 : memref<1x1x128xi32, #tpu.memory_space<hbm>> -> memref<128xi32, #tpu.memory_space<hbm>>
      %dma_wait3A_127 = arith.constant 0 : i32
      %dma_wait3A_128 = tpu.memref_slice %arg6[%dma_wait3A_120, %dma_wait3A_127] : memref<2x128xi32, #tpu.memory_space<vmem>> -> memref<1x128xi32, #tpu.memory_space<vmem>>
      %dma_wait3A_129 = tpu.memref_squeeze %dma_wait3A_128 : memref<1x128xi32, #tpu.memory_space<vmem>> -> memref<128xi32, #tpu.memory_space<vmem>>
      %dma_wait3A_130 = arith.constant 0 : i32
      %dma_wait3A_131 = tpu.memref_slice %arg3[%add3A_118, %dma_wait3A_119, %dma_wait3A_130] : memref<2500x2x128xi32, #tpu.memory_space<hbm>> -> memref<1x1x128xi32, #tpu.memory_space<hbm>>
      %dma_wait3A_132 = tpu.memref_squeeze %dma_wait3A_131 : memref<1x1x128xi32, #tpu.memory_space<hbm>> -> memref<128xi32, #tpu.memory_space<hbm>>
      tpu.wait_dma2 semaphore(%arg13 : memref<!tpu.dma_semaphore, #tpu.memory_space<semaphore_mem>>) src(%dma_wait3A_132 : memref<128xi32, #tpu.memory_space<hbm>>) dst(%dma_wait3A_129 : memref<128xi32, #tpu.memory_space<vmem>>)
      %run_scoped3A_133 = arith.constant 1 : i32
      "tpu.region"() ({
        %run_scoped3A_140 = tpu.sem_alloc : memref<!tpu.dma_semaphore, #tpu.memory_space<semaphore_mem>>
        %dma_start3A_141 = arith.constant 0 : i32
        %dma_start3A_142 = tpu.memref_slice %arg6[%run_scoped3A_133, %dma_start3A_141] : memref<2x128xi32, #tpu.memory_space<vmem>> -> memref<1x128xi32, #tpu.memory_space<vmem>>
        %dma_start3A_143 = tpu.memref_squeeze %dma_start3A_142 : memref<1x128xi32, #tpu.memory_space<vmem>> -> memref<128xi32, #tpu.memory_space<vmem>>
        %dma_start3A_144 = arith.constant 0 : i32
        %dma_start3A_145 = arith.constant 0 : i32
        %dma_start3A_146 = tpu.memref_slice %arg9[%dma_start3A_144, %dma_start3A_145] : memref<10240x128xf32, #tpu.memory_space<vmem_shared>> -> memref<10240x128xf32, #tpu.memory_space<vmem_shared>>
        tpu.enqueue_indirect_dma source(%arg8 : memref<128x128xf32, #tpu.memory_space<vmem>>) target(%dma_start3A_146 : memref<10240x128xf32, #tpu.memory_space<vmem_shared>>) offsets(%dma_start3A_143 : memref<128xi32, #tpu.memory_space<vmem>>) semaphore(%run_scoped3A_140 : memref<!tpu.dma_semaphore, #tpu.memory_space<semaphore_mem>>) {add = true}
        %dma_wait3A_147 = arith.constant 0 : i32
        %dma_wait3A_148 = tpu.memref_slice %arg6[%run_scoped3A_133, %dma_wait3A_147] : memref<2x128xi32, #tpu.memory_space<vmem>> -> memref<1x128xi32, #tpu.memory_space<vmem>>
        %dma_wait3A_149 = tpu.memref_squeeze %dma_wait3A_148 : memref<1x128xi32, #tpu.memory_space<vmem>> -> memref<128xi32, #tpu.memory_space<vmem>>
        %dma_wait3A_150 = arith.constant 0 : i32
        %dma_wait3A_151 = arith.constant 0 : i32
        %dma_wait3A_152 = tpu.memref_slice %arg9[%dma_wait3A_150, %dma_wait3A_151] : memref<10240x128xf32, #tpu.memory_space<vmem_shared>> -> memref<10240x128xf32, #tpu.memory_space<vmem_shared>>
        tpu.wait_indirect_dma semaphore(%run_scoped3A_140 : memref<!tpu.dma_semaphore, #tpu.memory_space<semaphore_mem>>) src(%arg8 : memref<128x128xf32, #tpu.memory_space<vmem>>) dst(%dma_wait3A_152 : memref<10240x128xf32, #tpu.memory_space<vmem_shared>>)
        tpu.yield
      }) : () -> ()
      %add3A_134 = arith.constant 2 : i32
      %add3A_135 = arith.addi %add3A_84, %add3A_134 : i32
      %lt3A_136 = arith.cmpi slt, %add3A_135, %add3A_7 : i32
      %convert_element_type3A_137 = arith.extui %lt3A_136 : i1 to i32
      %cond3A_138 = arith.constant 0 : i32
      %cond3A_139 = arith.cmpi ne, %convert_element_type3A_137, %cond3A_138 : i32
      scf.if %cond3A_139 {
        %add3A_140 = arith.constant 2 : i32
        %add3A_141 = arith.addi %add3A_84, %add3A_140 : i32
        %dma_start3A_142 = arith.constant 0 : i32
        %dma_start3A_143 = tpu.memref_slice %arg5[%add3A_141, %dma_start3A_142] : memref<79x128xi32, #tpu.memory_space<vmem>> -> memref<1x128xi32, #tpu.memory_space<vmem>>
        %dma_start3A_144 = tpu.memref_squeeze %dma_start3A_143 : memref<1x128xi32, #tpu.memory_space<vmem>> -> memref<128xi32, #tpu.memory_space<vmem>>
        %dma_start3A_145 = arith.constant 0 : i32
        %dma_start3A_146 = arith.constant 0 : i32
        %dma_start3A_147 = tpu.memref_slice %arg2[%dma_start3A_145, %dma_start3A_146] : memref<10000x128xf32, #tpu.memory_space<hbm>> -> memref<10000x128xf32, #tpu.memory_space<hbm>>
        tpu.enqueue_indirect_dma source(%dma_start3A_147 : memref<10000x128xf32, #tpu.memory_space<hbm>>) target(%arg8 : memref<128x128xf32, #tpu.memory_space<vmem>>) offsets(%dma_start3A_144 : memref<128xi32, #tpu.memory_space<vmem>>) semaphore(%arg11 : memref<!tpu.dma_semaphore, #tpu.memory_space<semaphore_mem>>)
        %add3A_148 = arith.addi %add3A_4, %add3A_84 : i32
        %add3A_149 = arith.constant 2 : i32
        %add3A_150 = arith.addi %add3A_148, %add3A_149 : i32
        %dma_start3A_151 = arith.constant 1 : i32
        %dma_start3A_152 = arith.constant 1 : i32
        %dma_start3A_153 = arith.constant 0 : i32
        %dma_start3A_154 = tpu.memref_slice %arg6[%dma_start3A_152, %dma_start3A_153] : memref<2x128xi32, #tpu.memory_space<vmem>> -> memref<1x128xi32, #tpu.memory_space<vmem>>
        %dma_start3A_155 = tpu.memref_squeeze %dma_start3A_154 : memref<1x128xi32, #tpu.memory_space<vmem>> -> memref<128xi32, #tpu.memory_space<vmem>>
        %dma_start3A_156 = arith.constant 0 : i32
        %dma_start3A_157 = tpu.memref_slice %arg3[%add3A_150, %dma_start3A_151, %dma_start3A_156] : memref<2500x2x128xi32, #tpu.memory_space<hbm>> -> memref<1x1x128xi32, #tpu.memory_space<hbm>>
        %dma_start3A_158 = tpu.memref_squeeze %dma_start3A_157 : memref<1x1x128xi32, #tpu.memory_space<hbm>> -> memref<128xi32, #tpu.memory_space<hbm>>
        %dma_start3A_159 = arith.constant 0 : i32
        %dma_start3A_160 = tpu.memref_slice %arg6[%dma_start3A_152, %dma_start3A_159] : memref<2x128xi32, #tpu.memory_space<vmem>> -> memref<1x128xi32, #tpu.memory_space<vmem>>
        %dma_start3A_161 = tpu.memref_squeeze %dma_start3A_160 : memref<1x128xi32, #tpu.memory_space<vmem>> -> memref<128xi32, #tpu.memory_space<vmem>>
        %dma_start3A_162 = arith.constant 0 : i32
        %dma_start3A_163 = tpu.memref_slice %arg3[%add3A_150, %dma_start3A_151, %dma_start3A_162] : memref<2500x2x128xi32, #tpu.memory_space<hbm>> -> memref<1x1x128xi32, #tpu.memory_space<hbm>>
        %dma_start3A_164 = tpu.memref_squeeze %dma_start3A_163 : memref<1x1x128xi32, #tpu.memory_space<hbm>> -> memref<128xi32, #tpu.memory_space<hbm>>
        tpu.enqueue_dma source(%dma_start3A_164 : memref<128xi32, #tpu.memory_space<hbm>>) target(%dma_start3A_161 : memref<128xi32, #tpu.memory_space<vmem>>) target_semaphore(%arg13 : memref<!tpu.dma_semaphore, #tpu.memory_space<semaphore_mem>>)
      } else {
      }
    }
    %scan3A_69 = arith.constant 39 : i32
    %convert_element_type3A_70 = arith.extui %lt3A_5 : i1 to i32
    %cond3A_71 = arith.constant 0 : i32
    %cond3A_72 = arith.cmpi ne, %convert_element_type3A_70, %cond3A_71 : i32
    scf.if %cond3A_72 {
      %dma_wait3A = arith.constant 78 : i32
      %dma_wait3A_80 = arith.constant 0 : i32
      %dma_wait3A_81 = tpu.memref_slice %arg5[%dma_wait3A, %dma_wait3A_80] : memref<79x128xi32, #tpu.memory_space<vmem>> -> memref<1x128xi32, #tpu.memory_space<vmem>>
      %dma_wait3A_82 = tpu.memref_squeeze %dma_wait3A_81 : memref<1x128xi32, #tpu.memory_space<vmem>> -> memref<128xi32, #tpu.memory_space<vmem>>
      %dma_wait3A_83 = arith.constant 0 : i32
      %dma_wait3A_84 = arith.constant 0 : i32
      %dma_wait3A_85 = tpu.memref_slice %arg2[%dma_wait3A_83, %dma_wait3A_84] : memref<10000x128xf32, #tpu.memory_space<hbm>> -> memref<10000x128xf32, #tpu.memory_space<hbm>>
      tpu.wait_indirect_dma semaphore(%arg10 : memref<!tpu.dma_semaphore, #tpu.memory_space<semaphore_mem>>) src(%dma_wait3A_85 : memref<10000x128xf32, #tpu.memory_space<hbm>>) dst(%arg7 : memref<128x128xf32, #tpu.memory_space<vmem>>)
      %add3A_86 = arith.constant 78 : i32
      %add3A_87 = arith.addi %add3A_4, %add3A_86 : i32
      %dma_wait3A_88 = arith.constant 1 : i32
      %dma_wait3A_89 = arith.constant 0 : i32
      %dma_wait3A_90 = arith.constant 0 : i32
      %dma_wait3A_91 = tpu.memref_slice %arg6[%dma_wait3A_89, %dma_wait3A_90] : memref<2x128xi32, #tpu.memory_space<vmem>> -> memref<1x128xi32, #tpu.memory_space<vmem>>
      %dma_wait3A_92 = tpu.memref_squeeze %dma_wait3A_91 : memref<1x128xi32, #tpu.memory_space<vmem>> -> memref<128xi32, #tpu.memory_space<vmem>>
      %dma_wait3A_93 = arith.constant 0 : i32
      %dma_wait3A_94 = tpu.memref_slice %arg3[%add3A_87, %dma_wait3A_88, %dma_wait3A_93] : memref<2500x2x128xi32, #tpu.memory_space<hbm>> -> memref<1x1x128xi32, #tpu.memory_space<hbm>>
      %dma_wait3A_95 = tpu.memref_squeeze %dma_wait3A_94 : memref<1x1x128xi32, #tpu.memory_space<hbm>> -> memref<128xi32, #tpu.memory_space<hbm>>
      %dma_wait3A_96 = arith.constant 0 : i32
      %dma_wait3A_97 = tpu.memref_slice %arg6[%dma_wait3A_89, %dma_wait3A_96] : memref<2x128xi32, #tpu.memory_space<vmem>> -> memref<1x128xi32, #tpu.memory_space<vmem>>
      %dma_wait3A_98 = tpu.memref_squeeze %dma_wait3A_97 : memref<1x128xi32, #tpu.memory_space<vmem>> -> memref<128xi32, #tpu.memory_space<vmem>>
      %dma_wait3A_99 = arith.constant 0 : i32
      %dma_wait3A_100 = tpu.memref_slice %arg3[%add3A_87, %dma_wait3A_88, %dma_wait3A_99] : memref<2500x2x128xi32, #tpu.memory_space<hbm>> -> memref<1x1x128xi32, #tpu.memory_space<hbm>>
      %dma_wait3A_101 = tpu.memref_squeeze %dma_wait3A_100 : memref<1x1x128xi32, #tpu.memory_space<hbm>> -> memref<128xi32, #tpu.memory_space<hbm>>
      tpu.wait_dma2 semaphore(%arg12 : memref<!tpu.dma_semaphore, #tpu.memory_space<semaphore_mem>>) src(%dma_wait3A_101 : memref<128xi32, #tpu.memory_space<hbm>>) dst(%dma_wait3A_98 : memref<128xi32, #tpu.memory_space<vmem>>)
      %run_scoped3A_102 = arith.constant 0 : i32
      "tpu.region"() ({
        %run_scoped3A_103 = tpu.sem_alloc : memref<!tpu.dma_semaphore, #tpu.memory_space<semaphore_mem>>
        %dma_start3A_104 = arith.constant 0 : i32
        %dma_start3A_105 = tpu.memref_slice %arg6[%run_scoped3A_102, %dma_start3A_104] : memref<2x128xi32, #tpu.memory_space<vmem>> -> memref<1x128xi32, #tpu.memory_space<vmem>>
        %dma_start3A_106 = tpu.memref_squeeze %dma_start3A_105 : memref<1x128xi32, #tpu.memory_space<vmem>> -> memref<128xi32, #tpu.memory_space<vmem>>
        %dma_start3A_107 = arith.constant 0 : i32
        %dma_start3A_108 = arith.constant 0 : i32
        %dma_start3A_109 = tpu.memref_slice %arg9[%dma_start3A_107, %dma_start3A_108] : memref<10240x128xf32, #tpu.memory_space<vmem_shared>> -> memref<10240x128xf32, #tpu.memory_space<vmem_shared>>
        tpu.enqueue_indirect_dma source(%arg7 : memref<128x128xf32, #tpu.memory_space<vmem>>) target(%dma_start3A_109 : memref<10240x128xf32, #tpu.memory_space<vmem_shared>>) offsets(%dma_start3A_106 : memref<128xi32, #tpu.memory_space<vmem>>) semaphore(%run_scoped3A_103 : memref<!tpu.dma_semaphore, #tpu.memory_space<semaphore_mem>>) {add = true}
        %dma_wait3A_110 = arith.constant 0 : i32
        %dma_wait3A_111 = tpu.memref_slice %arg6[%run_scoped3A_102, %dma_wait3A_110] : memref<2x128xi32, #tpu.memory_space<vmem>> -> memref<1x128xi32, #tpu.memory_space<vmem>>
        %dma_wait3A_112 = tpu.memref_squeeze %dma_wait3A_111 : memref<1x128xi32, #tpu.memory_space<vmem>> -> memref<128xi32, #tpu.memory_space<vmem>>
        %dma_wait3A_113 = arith.constant 0 : i32
        %dma_wait3A_114 = arith.constant 0 : i32
        %dma_wait3A_115 = tpu.memref_slice %arg9[%dma_wait3A_113, %dma_wait3A_114] : memref<10240x128xf32, #tpu.memory_space<vmem_shared>> -> memref<10240x128xf32, #tpu.memory_space<vmem_shared>>
        tpu.wait_indirect_dma semaphore(%run_scoped3A_103 : memref<!tpu.dma_semaphore, #tpu.memory_space<semaphore_mem>>) src(%arg7 : memref<128x128xf32, #tpu.memory_space<vmem>>) dst(%dma_wait3A_115 : memref<10240x128xf32, #tpu.memory_space<vmem_shared>>)
        tpu.yield
      }) : () -> ()
    } else {
    }
    %barrier3A_73 = arith.constant 0 : index
    tpu.barrier barrier_id(%barrier3A_73)
    %scan3A_74 = arith.constant 0 : i32
    %scan3A_75 = arith.constant 0 : i32
    %scan3A_76 = arith.constant 5 : i32
    %scan3A_77 = arith.addi %scan3A_75, %scan3A_76 : i32
    %scan3A_78 = arith.constant 1 : i32
    scf.for %scan3A_80 = %scan3A_75 to %scan3A_77 step %scan3A_78  : i32 {
      %mul3A_81 = arith.constant 640 : i32
      %mul3A_82 = arith.muli %arg1, %mul3A_81 : i32
      %mul3A_83 = arith.constant 128 : i32
      %mul3A_84 = arith.muli %scan3A_80, %mul3A_83 : i32
      %add3A_85 = arith.addi %mul3A_82, %mul3A_84 : i32
      "tpu.region"() ({
        %run_scoped3A_86 = tpu.sem_alloc : memref<!tpu.dma_semaphore, #tpu.memory_space<semaphore_mem>>
        %dma_start3A_87 = arith.constant 0 : i32
        %dma_start3A_88 = tpu.memref_slice %arg4[%arg0, %add3A_85, %dma_start3A_87] : memref<2x10240x128xf32, #tpu.memory_space<hbm>> -> memref<1x128x128xf32, #tpu.memory_space<hbm>>
        %dma_start3A_89 = tpu.memref_squeeze %dma_start3A_88 : memref<1x128x128xf32, #tpu.memory_space<hbm>> -> memref<128x128xf32, #tpu.memory_space<hbm>>
        %dma_start3A_90 = arith.constant 0 : i32
        %dma_start3A_91 = tpu.memref_slice %arg9[%add3A_85, %dma_start3A_90] : memref<10240x128xf32, #tpu.memory_space<vmem_shared>> -> memref<128x128xf32, #tpu.memory_space<vmem_shared>>
        tpu.enqueue_dma source(%dma_start3A_91 : memref<128x128xf32, #tpu.memory_space<vmem_shared>>) target(%dma_start3A_89 : memref<128x128xf32, #tpu.memory_space<hbm>>) target_semaphore(%run_scoped3A_86 : memref<!tpu.dma_semaphore, #tpu.memory_space<semaphore_mem>>)
        %dma_wait3A = arith.constant 0 : i32
        %dma_wait3A_92 = tpu.memref_slice %arg4[%arg0, %add3A_85, %dma_wait3A] : memref<2x10240x128xf32, #tpu.memory_space<hbm>> -> memref<1x128x128xf32, #tpu.memory_space<hbm>>
        %dma_wait3A_93 = tpu.memref_squeeze %dma_wait3A_92 : memref<1x128x128xf32, #tpu.memory_space<hbm>> -> memref<128x128xf32, #tpu.memory_space<hbm>>
        %dma_wait3A_94 = arith.constant 0 : i32
        %dma_wait3A_95 = tpu.memref_slice %arg9[%add3A_85, %dma_wait3A_94] : memref<10240x128xf32, #tpu.memory_space<vmem_shared>> -> memref<128x128xf32, #tpu.memory_space<vmem_shared>>
        tpu.wait_dma2 semaphore(%run_scoped3A_86 : memref<!tpu.dma_semaphore, #tpu.memory_space<semaphore_mem>>) src(%dma_wait3A_95 : memref<128x128xf32, #tpu.memory_space<vmem_shared>>) dst(%dma_wait3A_93 : memref<128x128xf32, #tpu.memory_space<hbm>>)
        tpu.yield
      }) : () -> ()
    }
    %scan3A_79 = arith.constant 5 : i32
    return
  }
}

module attributes {stable_mosaic.version = 14 : i64} {
  func.func @_tc1_body(%arg0: i32, %arg1: memref<2000x128xf32, #tpu.memory_space<vmem>>, %arg2: memref<128x128xf32, #tpu.memory_space<vmem>>, %arg3: memref<80x2x128xf32, #tpu.memory_space<vmem>>, %arg4: memref<2000x128xf32, #tpu.memory_space<vmem>>) attributes {dimension_semantics = [#tpu.dimension_semantics<arbitrary>], iteration_bounds = array<i64: 5>, scalar_prefetch = 0 : i64, scratch_operands = 0 : i64, tpu.core_type = #tpu.core_type<tc>, window_params = [{transform_indices = @transform_0, window_bounds = array<i64: 2000, 128>}, {pipeline_mode = #tpu.pipeline_mode<synchronous>, transform_indices = @transform_1, window_bounds = array<i64: 128, 128>}, {pipeline_mode = #tpu.pipeline_mode<synchronous>, transform_indices = @transform_2, window_bounds = array<i64: 80, 2, 128>}, {transform_indices = @transform_3, window_bounds = array<i64: 2000, 128>}]} {
    %get3A = arith.constant 0 : index
    %get3A_0 = arith.constant 0 : index
    %get3A_1 = arith.constant 0 : index
    %get3A_2 = vector.load %arg3[%get3A, %get3A_0, %get3A_1] : memref<80x2x128xf32, #tpu.memory_space<vmem>>, vector<80x1x128xf32>
    %get3A_3 = vector.shape_cast %get3A_2 : vector<80x1x128xf32> to vector<80x128xf32>
    %get3A_4 = arith.constant 0 : index
    %get3A_5 = arith.constant 1 : index
    %get3A_6 = arith.constant 0 : index
    %get3A_7 = vector.load %arg3[%get3A_4, %get3A_5, %get3A_6] : memref<80x2x128xf32, #tpu.memory_space<vmem>>, vector<80x1x128xf32>
    %get3A_8 = vector.shape_cast %get3A_7 : vector<80x1x128xf32> to vector<80x128xf32>
    %add3A = arith.addf %get3A_3, %get3A_8 : vector<80x128xf32>
    %mul3A = arith.constant 2000 : i32
    %mul3A_9 = arith.muli %arg0, %mul3A : i32
    %iota3A = tpu.iota {dimensions = array<i32: 0>} : vector<2000x80xi32>
    %add3A_10 = vector.broadcast %mul3A_9 : i32 to vector<2000x80xi32>
    %add3A_11 = arith.addi %iota3A, %add3A_10 : vector<2000x80xi32>
    %iota3A_12 = tpu.iota {dimensions = array<i32: 1>} : vector<2000x80xi32>
    %shift_right_arithmetic3A = arith.constant 7 : i32
    %shift_right_arithmetic3A_13 = vector.broadcast %shift_right_arithmetic3A : i32 to vector<2000x80xi32>
    %shift_right_arithmetic3A_14 = arith.shrsi %add3A_11, %shift_right_arithmetic3A_13 : vector<2000x80xi32>
    %eq3A = arith.cmpi eq, %iota3A_12, %shift_right_arithmetic3A_14 : vector<2000x80xi32>
    %jit3A = arith.constant 1.000000e+00 : f32
    %jit3A_15 = arith.constant 0.000000e+00 : f32
    %broadcast_in_dim3A = vector.broadcast %jit3A : f32 to vector<2000x80xf32>
    %broadcast_in_dim3A_16 = vector.broadcast %jit3A_15 : f32 to vector<2000x80xf32>
    %select_n3A = arith.select %eq3A, %broadcast_in_dim3A, %broadcast_in_dim3A_16 : vector<2000x80xi1>, vector<2000x80xf32>
    %dot_general3A = arith.constant dense<0.000000e+00> : vector<2000x128xf32>
    %dot_general3A_17 = tpu.matmul %select_n3A, %add3A, %dot_general3A {dimension_numbers = #tpu.dot_dimension_numbers<[1], [0], [0], [1], [0, 0, 1, 1], [], []>, transpose_lhs_hint = false} : vector<2000x80xf32>, vector<80x128xf32>, vector<2000x128xf32> -> vector<2000x128xf32>
    %iota3A_18 = tpu.iota {dimensions = array<i32: 0>} : vector<2000x128xi32>
    %add3A_19 = vector.broadcast %mul3A_9 : i32 to vector<2000x128xi32>
    %add3A_20 = arith.addi %iota3A_18, %add3A_19 : vector<2000x128xi32>
    %iota3A_21 = tpu.iota {dimensions = array<i32: 1>} : vector<2000x128xi32>
    %and3A = arith.constant 127 : i32
    %and3A_22 = vector.broadcast %and3A : i32 to vector<2000x128xi32>
    %and3A_23 = arith.andi %add3A_20, %and3A_22 : vector<2000x128xi32>
    %eq3A_24 = arith.cmpi eq, %iota3A_21, %and3A_23 : vector<2000x128xi32>
    %jit3A_25 = arith.constant 0.000000e+00 : f32
    %broadcast_in_dim3A_26 = vector.broadcast %jit3A_25 : f32 to vector<2000x128xf32>
    %select_n3A_27 = arith.select %eq3A_24, %dot_general3A_17, %broadcast_in_dim3A_26 : vector<2000x128xi1>, vector<2000x128xf32>
    %reduce_sum3A = arith.constant dense<0.000000e+00> : vector<2000xf32>
    %reduce_sum3A_28 = vector.multi_reduction <add>, %select_n3A_27, %reduce_sum3A [1] : vector<2000x128xf32> to vector<2000xf32>
    %broadcast_in_dim3A_29 = vector.shape_cast %reduce_sum3A_28 : vector<2000xf32> to vector<2000x1xf32>
    %add3A_30 = arith.constant 1.000000e+00 : f32
    %add3A_31 = vector.broadcast %add3A_30 : f32 to vector<2000x1xf32>
    %add3A_32 = arith.addf %broadcast_in_dim3A_29, %add3A_31 : vector<2000x1xf32>
    %sqrt3A = math.sqrt %add3A_32 : vector<2000x1xf32>
    %div3A = arith.constant 1.000000e+00 : f32
    %div3A_33 = vector.broadcast %div3A : f32 to vector<2000x1xf32>
    %div3A_34 = arith.divf %div3A_33, %sqrt3A : vector<2000x1xf32>
    %get3A_35 = arith.constant 0 : index
    %get3A_36 = arith.constant 0 : index
    %get3A_37 = vector.load %arg1[%get3A_35, %get3A_36] : memref<2000x128xf32, #tpu.memory_space<vmem>>, vector<2000x128xf32>
    %get3A_38 = arith.constant 0 : index
    %get3A_39 = arith.constant 0 : index
    %get3A_40 = vector.load %arg2[%get3A_38, %get3A_39] : memref<128x128xf32, #tpu.memory_space<vmem>>, vector<128x128xf32>
    %dot_general3A_41 = arith.constant dense<0.000000e+00> : vector<2000x128xf32>
    %dot_general3A_42 = tpu.matmul %get3A_37, %get3A_40, %dot_general3A_41 {dimension_numbers = #tpu.dot_dimension_numbers<[1], [0], [0], [1], [0, 0, 1, 1], [], []>, transpose_lhs_hint = false} : vector<2000x128xf32>, vector<128x128xf32>, vector<2000x128xf32> -> vector<2000x128xf32>
    %mul3A_43 = vector.broadcast %div3A_34 : vector<2000x1xf32> to vector<2000x128xf32>
    %mul3A_44 = arith.mulf %dot_general3A_42, %mul3A_43 : vector<2000x128xf32>
    %swap3A = arith.constant 0 : index
    %swap3A_45 = arith.constant 0 : index
    %swap3A_46 = vector.load %arg4[%swap3A, %swap3A_45] : memref<2000x128xf32, #tpu.memory_space<vmem>>, vector<2000x128xf32>
    tpu.vector_store %arg4[%swap3A, %swap3A_45], %mul3A_44 {strides = array<i32>} : memref<2000x128xf32, #tpu.memory_space<vmem>>, vector<2000x128xf32>,
    return
  }
  func.func @transform_0(%arg0: i32) -> (i32, i32) {
    %c0_i32 = arith.constant 0 : i32
    %c0_i32_0 = arith.constant 0 : i32
    return %arg0, %c0_i32 : i32, i32
  }
  func.func @transform_1(%arg0: i32) -> (i32, i32) {
    %c0_i32 = arith.constant 0 : i32
    %c0_i32_0 = arith.constant 0 : i32
    %c0_i32_1 = arith.constant 0 : i32
    return %c0_i32, %c0_i32_0 : i32, i32
  }
  func.func @transform_2(%arg0: i32) -> (i32, i32, i32) {
    %c0_i32 = arith.constant 0 : i32
    %c0_i32_0 = arith.constant 0 : i32
    %c0_i32_1 = arith.constant 0 : i32
    %c0_i32_2 = arith.constant 0 : i32
    return %c0_i32, %c0_i32_0, %c0_i32_1 : i32, i32, i32
  }
  func.func @transform_3(%arg0: i32) -> (i32, i32) {
    %c0_i32 = arith.constant 0 : i32
    %c0_i32_0 = arith.constant 0 : i32
    return %arg0, %c0_i32 : i32, i32
  }
}

module attributes {stable_mosaic.version = 14 : i64} {
  func.func @_tc2_body(%arg0: i32, %arg1: memref<2x2000x128xf32, #tpu.memory_space<vmem>>, %arg2: memref<2000x128xf32, #tpu.memory_space<vmem>>, %arg3: memref<80x2x128xf32, #tpu.memory_space<vmem>>, %arg4: memref<128xf32, #tpu.memory_space<vmem>>, %arg5: memref<128x128xf32, #tpu.memory_space<vmem>>, %arg6: memref<2000x128xf32, #tpu.memory_space<vmem>>) attributes {dimension_semantics = [#tpu.dimension_semantics<arbitrary>], iteration_bounds = array<i64: 5>, scalar_prefetch = 0 : i64, scratch_operands = 0 : i64, tpu.core_type = #tpu.core_type<tc>, window_params = [{transform_indices = @transform_0, window_bounds = array<i64: 2, 2000, 128>}, {transform_indices = @transform_1, window_bounds = array<i64: 2000, 128>}, {pipeline_mode = #tpu.pipeline_mode<synchronous>, transform_indices = @transform_2, window_bounds = array<i64: 80, 2, 128>}, {pipeline_mode = #tpu.pipeline_mode<synchronous>, transform_indices = @transform_3, window_bounds = array<i64: 128>}, {pipeline_mode = #tpu.pipeline_mode<synchronous>, transform_indices = @transform_4, window_bounds = array<i64: 128, 128>}, {transform_indices = @transform_5, window_bounds = array<i64: 2000, 128>}]} {
    %get3A = arith.constant 0 : index
    %get3A_0 = arith.constant 0 : index
    %get3A_1 = arith.constant 0 : index
    %get3A_2 = vector.load %arg3[%get3A, %get3A_0, %get3A_1] : memref<80x2x128xf32, #tpu.memory_space<vmem>>, vector<80x1x128xf32>
    %get3A_3 = vector.shape_cast %get3A_2 : vector<80x1x128xf32> to vector<80x128xf32>
    %get3A_4 = arith.constant 0 : index
    %get3A_5 = arith.constant 1 : index
    %get3A_6 = arith.constant 0 : index
    %get3A_7 = vector.load %arg3[%get3A_4, %get3A_5, %get3A_6] : memref<80x2x128xf32, #tpu.memory_space<vmem>>, vector<80x1x128xf32>
    %get3A_8 = vector.shape_cast %get3A_7 : vector<80x1x128xf32> to vector<80x128xf32>
    %add3A = arith.addf %get3A_3, %get3A_8 : vector<80x128xf32>
    %mul3A = arith.constant 2000 : i32
    %mul3A_9 = arith.muli %arg0, %mul3A : i32
    %iota3A = tpu.iota {dimensions = array<i32: 0>} : vector<2000x80xi32>
    %add3A_10 = vector.broadcast %mul3A_9 : i32 to vector<2000x80xi32>
    %add3A_11 = arith.addi %iota3A, %add3A_10 : vector<2000x80xi32>
    %iota3A_12 = tpu.iota {dimensions = array<i32: 1>} : vector<2000x80xi32>
    %shift_right_arithmetic3A = arith.constant 7 : i32
    %shift_right_arithmetic3A_13 = vector.broadcast %shift_right_arithmetic3A : i32 to vector<2000x80xi32>
    %shift_right_arithmetic3A_14 = arith.shrsi %add3A_11, %shift_right_arithmetic3A_13 : vector<2000x80xi32>
    %eq3A = arith.cmpi eq, %iota3A_12, %shift_right_arithmetic3A_14 : vector<2000x80xi32>
    %jit3A = arith.constant 1.000000e+00 : f32
    %jit3A_15 = arith.constant 0.000000e+00 : f32
    %broadcast_in_dim3A = vector.broadcast %jit3A : f32 to vector<2000x80xf32>
    %broadcast_in_dim3A_16 = vector.broadcast %jit3A_15 : f32 to vector<2000x80xf32>
    %select_n3A = arith.select %eq3A, %broadcast_in_dim3A, %broadcast_in_dim3A_16 : vector<2000x80xi1>, vector<2000x80xf32>
    %dot_general3A = arith.constant dense<0.000000e+00> : vector<2000x128xf32>
    %dot_general3A_17 = tpu.matmul %select_n3A, %add3A, %dot_general3A {dimension_numbers = #tpu.dot_dimension_numbers<[1], [0], [0], [1], [0, 0, 1, 1], [], []>, transpose_lhs_hint = false} : vector<2000x80xf32>, vector<80x128xf32>, vector<2000x128xf32> -> vector<2000x128xf32>
    %iota3A_18 = tpu.iota {dimensions = array<i32: 0>} : vector<2000x128xi32>
    %add3A_19 = vector.broadcast %mul3A_9 : i32 to vector<2000x128xi32>
    %add3A_20 = arith.addi %iota3A_18, %add3A_19 : vector<2000x128xi32>
    %iota3A_21 = tpu.iota {dimensions = array<i32: 1>} : vector<2000x128xi32>
    %and3A = arith.constant 127 : i32
    %and3A_22 = vector.broadcast %and3A : i32 to vector<2000x128xi32>
    %and3A_23 = arith.andi %add3A_20, %and3A_22 : vector<2000x128xi32>
    %eq3A_24 = arith.cmpi eq, %iota3A_21, %and3A_23 : vector<2000x128xi32>
    %jit3A_25 = arith.constant 0.000000e+00 : f32
    %broadcast_in_dim3A_26 = vector.broadcast %jit3A_25 : f32 to vector<2000x128xf32>
    %select_n3A_27 = arith.select %eq3A_24, %dot_general3A_17, %broadcast_in_dim3A_26 : vector<2000x128xi1>, vector<2000x128xf32>
    %reduce_sum3A = arith.constant dense<0.000000e+00> : vector<2000xf32>
    %reduce_sum3A_28 = vector.multi_reduction <add>, %select_n3A_27, %reduce_sum3A [1] : vector<2000x128xf32> to vector<2000xf32>
    %broadcast_in_dim3A_29 = vector.shape_cast %reduce_sum3A_28 : vector<2000xf32> to vector<2000x1xf32>
    %add3A_30 = arith.constant 1.000000e+00 : f32
    %add3A_31 = vector.broadcast %add3A_30 : f32 to vector<2000x1xf32>
    %add3A_32 = arith.addf %broadcast_in_dim3A_29, %add3A_31 : vector<2000x1xf32>
    %sqrt3A = math.sqrt %add3A_32 : vector<2000x1xf32>
    %div3A = arith.constant 1.000000e+00 : f32
    %div3A_33 = vector.broadcast %div3A : f32 to vector<2000x1xf32>
    %div3A_34 = arith.divf %div3A_33, %sqrt3A : vector<2000x1xf32>
    %get3A_35 = arith.constant 0 : index
    %get3A_36 = arith.constant 0 : index
    %get3A_37 = arith.constant 0 : index
    %get3A_38 = vector.load %arg1[%get3A_35, %get3A_36, %get3A_37] : memref<2x2000x128xf32, #tpu.memory_space<vmem>>, vector<1x2000x128xf32>
    %get3A_39 = vector.shape_cast %get3A_38 : vector<1x2000x128xf32> to vector<2000x128xf32>
    %get3A_40 = arith.constant 1 : index
    %get3A_41 = arith.constant 0 : index
    %get3A_42 = arith.constant 0 : index
    %get3A_43 = vector.load %arg1[%get3A_40, %get3A_41, %get3A_42] : memref<2x2000x128xf32, #tpu.memory_space<vmem>>, vector<1x2000x128xf32>
    %get3A_44 = vector.shape_cast %get3A_43 : vector<1x2000x128xf32> to vector<2000x128xf32>
    %add3A_45 = arith.addf %get3A_39, %get3A_44 : vector<2000x128xf32>
    %get3A_46 = arith.constant 0 : index
    %get3A_47 = arith.constant 0 : index
    %get3A_48 = vector.load %arg2[%get3A_46, %get3A_47] : memref<2000x128xf32, #tpu.memory_space<vmem>>, vector<2000x128xf32>
    %add3A_49 = arith.addf %add3A_45, %get3A_48 : vector<2000x128xf32>
    %mul3A_50 = vector.broadcast %div3A_34 : vector<2000x1xf32> to vector<2000x128xf32>
    %mul3A_51 = arith.mulf %add3A_49, %mul3A_50 : vector<2000x128xf32>
    %get3A_52 = arith.constant 0 : index
    %get3A_53 = vector.load %arg4[%get3A_52] : memref<128xf32, #tpu.memory_space<vmem>>, vector<128xf32>
    %broadcast_in_dim3A_54 = vector.shape_cast %get3A_53 : vector<128xf32> to vector<1x128xf32>
    %add3A_55 = vector.broadcast %broadcast_in_dim3A_54 : vector<1x128xf32> to vector<2000x128xf32>
    %add3A_56 = arith.addf %mul3A_51, %add3A_55 : vector<2000x128xf32>
    %max3A = arith.constant 0.000000e+00 : f32
    %max3A_57 = vector.broadcast %max3A : f32 to vector<2000x128xf32>
    %max3A_58 = arith.maximumf %add3A_56, %max3A_57 : vector<2000x128xf32>
    %get3A_59 = arith.constant 0 : index
    %get3A_60 = arith.constant 0 : index
    %get3A_61 = vector.load %arg5[%get3A_59, %get3A_60] : memref<128x128xf32, #tpu.memory_space<vmem>>, vector<128x128xf32>
    %dot_general3A_62 = arith.constant dense<0.000000e+00> : vector<2000x128xf32>
    %dot_general3A_63 = tpu.matmul %max3A_58, %get3A_61, %dot_general3A_62 {dimension_numbers = #tpu.dot_dimension_numbers<[1], [0], [0], [1], [0, 0, 1, 1], [], []>, transpose_lhs_hint = false} : vector<2000x128xf32>, vector<128x128xf32>, vector<2000x128xf32> -> vector<2000x128xf32>
    %mul3A_64 = vector.broadcast %div3A_34 : vector<2000x1xf32> to vector<2000x128xf32>
    %mul3A_65 = arith.mulf %dot_general3A_63, %mul3A_64 : vector<2000x128xf32>
    %swap3A = arith.constant 0 : index
    %swap3A_66 = arith.constant 0 : index
    %swap3A_67 = vector.load %arg6[%swap3A, %swap3A_66] : memref<2000x128xf32, #tpu.memory_space<vmem>>, vector<2000x128xf32>
    tpu.vector_store %arg6[%swap3A, %swap3A_66], %mul3A_65 {strides = array<i32>} : memref<2000x128xf32, #tpu.memory_space<vmem>>, vector<2000x128xf32>,
    return
  }
  func.func @transform_0(%arg0: i32) -> (i32, i32, i32) {
    %c0_i32 = arith.constant 0 : i32
    %c0_i32_0 = arith.constant 0 : i32
    %c0_i32_1 = arith.constant 0 : i32
    return %c0_i32, %arg0, %c0_i32_0 : i32, i32, i32
  }
  func.func @transform_1(%arg0: i32) -> (i32, i32) {
    %c0_i32 = arith.constant 0 : i32
    %c0_i32_0 = arith.constant 0 : i32
    return %arg0, %c0_i32 : i32, i32
  }
  func.func @transform_2(%arg0: i32) -> (i32, i32, i32) {
    %c0_i32 = arith.constant 0 : i32
    %c0_i32_0 = arith.constant 0 : i32
    %c0_i32_1 = arith.constant 0 : i32
    %c0_i32_2 = arith.constant 0 : i32
    return %c0_i32, %c0_i32_0, %c0_i32_1 : i32, i32, i32
  }
  func.func @transform_3(%arg0: i32) -> i32 {
    %c0_i32 = arith.constant 0 : i32
    %c0_i32_0 = arith.constant 0 : i32
    return %c0_i32 : i32
  }
  func.func @transform_4(%arg0: i32) -> (i32, i32) {
    %c0_i32 = arith.constant 0 : i32
    %c0_i32_0 = arith.constant 0 : i32
    %c0_i32_1 = arith.constant 0 : i32
    return %c0_i32, %c0_i32_0 : i32, i32
  }
  func.func @transform_5(%arg0: i32) -> (i32, i32) {
    %c0_i32 = arith.constant 0 : i32
    %c0_i32_0 = arith.constant 0 : i32
    return %arg0, %c0_i32 : i32, i32
  }
}

module attributes {stable_mosaic.version = 14 : i64} {
  func.func @_tc3_body(%arg0: i32, %arg1: memref<2x2000x128xf32, #tpu.memory_space<vmem>>, %arg2: memref<2000x128xf32, #tpu.memory_space<vmem>>, %arg3: memref<80x2x128xf32, #tpu.memory_space<vmem>>, %arg4: memref<128xf32, #tpu.memory_space<vmem>>, %arg5: memref<1x1x2000xf32, #tpu.memory_space<vmem>>, %arg6: memref<128x128xf32, #tpu.memory_space<vmem>>, %arg7: memref<128xf32, #tpu.memory_space<vmem>>, %arg8: memref<128x64xf32, #tpu.memory_space<vmem>>, %arg9: memref<64xf32, #tpu.memory_space<vmem>>, %arg10: memref<3x64xf32, #tpu.memory_space<vmem>>, %arg11: memref<3x1xf32, #tpu.memory_space<vmem>>, %arg12: memref<64xf32, #tpu.memory_space<vmem>>, %arg13: memref<1xf32, #tpu.memory_space<vmem>>, %arg14: memref<1xf32, #tpu.memory_space<vmem>>, %arg15: memref<64xf32, #tpu.memory_space<vmem>>, %arg16: memref<64x128xf32, #tpu.memory_space<vmem>>) attributes {dimension_semantics = [#tpu.dimension_semantics<arbitrary>], iteration_bounds = array<i64: 5>, scalar_prefetch = 0 : i64, scratch_operands = 1 : i64, tpu.core_type = #tpu.core_type<tc>, window_params = [{transform_indices = @transform_0, window_bounds = array<i64: 2, 2000, 128>}, {transform_indices = @transform_1, window_bounds = array<i64: 2000, 128>}, {pipeline_mode = #tpu.pipeline_mode<synchronous>, transform_indices = @transform_2, window_bounds = array<i64: 80, 2, 128>}, {pipeline_mode = #tpu.pipeline_mode<synchronous>, transform_indices = @transform_3, window_bounds = array<i64: 128>}, {transform_indices = @transform_4, window_bounds = array<i64: 1, 1, 2000>}, {pipeline_mode = #tpu.pipeline_mode<synchronous>, transform_indices = @transform_5, window_bounds = array<i64: 128, 128>}, {pipeline_mode = #tpu.pipeline_mode<synchronous>, transform_indices = @transform_6, window_bounds = array<i64: 128>}, {pipeline_mode = #tpu.pipeline_mode<synchronous>, transform_indices = @transform_7, window_bounds = array<i64: 128, 64>}, {pipeline_mode = #tpu.pipeline_mode<synchronous>, transform_indices = @transform_8, window_bounds = array<i64: 64>}, {pipeline_mode = #tpu.pipeline_mode<synchronous>, transform_indices = @transform_9, window_bounds = array<i64: 3, 64>}, {pipeline_mode = #tpu.pipeline_mode<synchronous>, transform_indices = @transform_10, window_bounds = array<i64: 3, 1>}, {pipeline_mode = #tpu.pipeline_mode<synchronous>, transform_indices = @transform_11, window_bounds = array<i64: 64>}, {pipeline_mode = #tpu.pipeline_mode<synchronous>, transform_indices = @transform_12, window_bounds = array<i64: 1>}, {pipeline_mode = #tpu.pipeline_mode<synchronous>, transform_indices = @transform_13, window_bounds = array<i64: 1>}, {pipeline_mode = #tpu.pipeline_mode<synchronous>, transform_indices = @transform_14, window_bounds = array<i64: 64>}]} {
    %eq3A = arith.constant 0 : i32
    %eq3A_0 = arith.cmpi eq, %arg0, %eq3A : i32
    %convert_element_type3A = arith.extui %eq3A_0 : i1 to i32
    %cond3A = arith.constant 0 : i32
    %cond3A_1 = arith.cmpi ne, %convert_element_type3A, %cond3A : i32
    scf.if %cond3A_1 {
      %broadcast_in_dim3A_86 = arith.constant 0.000000e+00 : f32
      %broadcast_in_dim3A_87 = vector.broadcast %broadcast_in_dim3A_86 : f32 to vector<64x128xf32>
      %swap3A_88 = arith.constant 0 : index
      %swap3A_89 = arith.constant 0 : index
      %swap3A_90 = vector.load %arg16[%swap3A_88, %swap3A_89] : memref<64x128xf32, #tpu.memory_space<vmem>>, vector<64x128xf32>
      tpu.vector_store %arg16[%swap3A_88, %swap3A_89], %broadcast_in_dim3A_87 {strides = array<i32>} : memref<64x128xf32, #tpu.memory_space<vmem>>, vector<64x128xf32>,
    } else {
    }
    %get3A = arith.constant 0 : index
    %get3A_2 = arith.constant 0 : index
    %get3A_3 = arith.constant 0 : index
    %get3A_4 = vector.load %arg3[%get3A, %get3A_2, %get3A_3] : memref<80x2x128xf32, #tpu.memory_space<vmem>>, vector<80x1x128xf32>
    %get3A_5 = vector.shape_cast %get3A_4 : vector<80x1x128xf32> to vector<80x128xf32>
    %get3A_6 = arith.constant 0 : index
    %get3A_7 = arith.constant 1 : index
    %get3A_8 = arith.constant 0 : index
    %get3A_9 = vector.load %arg3[%get3A_6, %get3A_7, %get3A_8] : memref<80x2x128xf32, #tpu.memory_space<vmem>>, vector<80x1x128xf32>
    %get3A_10 = vector.shape_cast %get3A_9 : vector<80x1x128xf32> to vector<80x128xf32>
    %add3A = arith.addf %get3A_5, %get3A_10 : vector<80x128xf32>
    %mul3A = arith.constant 2000 : i32
    %mul3A_11 = arith.muli %arg0, %mul3A : i32
    %iota3A = tpu.iota {dimensions = array<i32: 0>} : vector<2000x80xi32>
    %add3A_12 = vector.broadcast %mul3A_11 : i32 to vector<2000x80xi32>
    %add3A_13 = arith.addi %iota3A, %add3A_12 : vector<2000x80xi32>
    %iota3A_14 = tpu.iota {dimensions = array<i32: 1>} : vector<2000x80xi32>
    %shift_right_arithmetic3A = arith.constant 7 : i32
    %shift_right_arithmetic3A_15 = vector.broadcast %shift_right_arithmetic3A : i32 to vector<2000x80xi32>
    %shift_right_arithmetic3A_16 = arith.shrsi %add3A_13, %shift_right_arithmetic3A_15 : vector<2000x80xi32>
    %eq3A_17 = arith.cmpi eq, %iota3A_14, %shift_right_arithmetic3A_16 : vector<2000x80xi32>
    %jit3A = arith.constant 1.000000e+00 : f32
    %jit3A_18 = arith.constant 0.000000e+00 : f32
    %broadcast_in_dim3A = vector.broadcast %jit3A : f32 to vector<2000x80xf32>
    %broadcast_in_dim3A_19 = vector.broadcast %jit3A_18 : f32 to vector<2000x80xf32>
    %select_n3A = arith.select %eq3A_17, %broadcast_in_dim3A, %broadcast_in_dim3A_19 : vector<2000x80xi1>, vector<2000x80xf32>
    %dot_general3A = arith.constant dense<0.000000e+00> : vector<2000x128xf32>
    %dot_general3A_20 = tpu.matmul %select_n3A, %add3A, %dot_general3A {dimension_numbers = #tpu.dot_dimension_numbers<[1], [0], [0], [1], [0, 0, 1, 1], [], []>, transpose_lhs_hint = false} : vector<2000x80xf32>, vector<80x128xf32>, vector<2000x128xf32> -> vector<2000x128xf32>
    %iota3A_21 = tpu.iota {dimensions = array<i32: 0>} : vector<2000x128xi32>
    %add3A_22 = vector.broadcast %mul3A_11 : i32 to vector<2000x128xi32>
    %add3A_23 = arith.addi %iota3A_21, %add3A_22 : vector<2000x128xi32>
    %iota3A_24 = tpu.iota {dimensions = array<i32: 1>} : vector<2000x128xi32>
    %and3A = arith.constant 127 : i32
    %and3A_25 = vector.broadcast %and3A : i32 to vector<2000x128xi32>
    %and3A_26 = arith.andi %add3A_23, %and3A_25 : vector<2000x128xi32>
    %eq3A_27 = arith.cmpi eq, %iota3A_24, %and3A_26 : vector<2000x128xi32>
    %jit3A_28 = arith.constant 0.000000e+00 : f32
    %broadcast_in_dim3A_29 = vector.broadcast %jit3A_28 : f32 to vector<2000x128xf32>
    %select_n3A_30 = arith.select %eq3A_27, %dot_general3A_20, %broadcast_in_dim3A_29 : vector<2000x128xi1>, vector<2000x128xf32>
    %reduce_sum3A = arith.constant dense<0.000000e+00> : vector<2000xf32>
    %reduce_sum3A_31 = vector.multi_reduction <add>, %select_n3A_30, %reduce_sum3A [1] : vector<2000x128xf32> to vector<2000xf32>
    %broadcast_in_dim3A_32 = vector.shape_cast %reduce_sum3A_31 : vector<2000xf32> to vector<2000x1xf32>
    %add3A_33 = arith.constant 1.000000e+00 : f32
    %add3A_34 = vector.broadcast %add3A_33 : f32 to vector<2000x1xf32>
    %add3A_35 = arith.addf %broadcast_in_dim3A_32, %add3A_34 : vector<2000x1xf32>
    %sqrt3A = math.sqrt %add3A_35 : vector<2000x1xf32>
    %div3A = arith.constant 1.000000e+00 : f32
    %div3A_36 = vector.broadcast %div3A : f32 to vector<2000x1xf32>
    %div3A_37 = arith.divf %div3A_36, %sqrt3A : vector<2000x1xf32>
    %get3A_38 = arith.constant 0 : index
    %get3A_39 = arith.constant 0 : index
    %get3A_40 = arith.constant 0 : index
    %get3A_41 = vector.load %arg1[%get3A_38, %get3A_39, %get3A_40] : memref<2x2000x128xf32, #tpu.memory_space<vmem>>, vector<1x2000x128xf32>
    %get3A_42 = vector.shape_cast %get3A_41 : vector<1x2000x128xf32> to vector<2000x128xf32>
    %get3A_43 = arith.constant 1 : index
    %get3A_44 = arith.constant 0 : index
    %get3A_45 = arith.constant 0 : index
    %get3A_46 = vector.load %arg1[%get3A_43, %get3A_44, %get3A_45] : memref<2x2000x128xf32, #tpu.memory_space<vmem>>, vector<1x2000x128xf32>
    %get3A_47 = vector.shape_cast %get3A_46 : vector<1x2000x128xf32> to vector<2000x128xf32>
    %add3A_48 = arith.addf %get3A_42, %get3A_47 : vector<2000x128xf32>
    %get3A_49 = arith.constant 0 : index
    %get3A_50 = arith.constant 0 : index
    %get3A_51 = vector.load %arg2[%get3A_49, %get3A_50] : memref<2000x128xf32, #tpu.memory_space<vmem>>, vector<2000x128xf32>
    %add3A_52 = arith.addf %add3A_48, %get3A_51 : vector<2000x128xf32>
    %mul3A_53 = vector.broadcast %div3A_37 : vector<2000x1xf32> to vector<2000x128xf32>
    %mul3A_54 = arith.mulf %add3A_52, %mul3A_53 : vector<2000x128xf32>
    %get3A_55 = arith.constant 0 : index
    %get3A_56 = vector.load %arg4[%get3A_55] : memref<128xf32, #tpu.memory_space<vmem>>, vector<128xf32>
    %broadcast_in_dim3A_57 = vector.shape_cast %get3A_56 : vector<128xf32> to vector<1x128xf32>
    %add3A_58 = vector.broadcast %broadcast_in_dim3A_57 : vector<1x128xf32> to vector<2000x128xf32>
    %add3A_59 = arith.addf %mul3A_54, %add3A_58 : vector<2000x128xf32>
    %max3A = arith.constant 0.000000e+00 : f32
    %max3A_60 = vector.broadcast %max3A : f32 to vector<2000x128xf32>
    %max3A_61 = arith.maximumf %add3A_59, %max3A_60 : vector<2000x128xf32>
    %get3A_62 = arith.constant 0 : index
    %get3A_63 = arith.constant 0 : index
    %get3A_64 = arith.constant 0 : index
    %get3A_65 = vector.load %arg5[%get3A_62, %get3A_63, %get3A_64] : memref<1x1x2000xf32, #tpu.memory_space<vmem>>, vector<1x1x2000xf32>
    %get3A_66 = vector.shape_cast %get3A_65 : vector<1x1x2000xf32> to vector<1x2000xf32>
    %iota3A_67 = tpu.iota {dimensions = array<i32: 0>} : vector<64x2000xi32>
    %convert_element_type3A_68 = arith.sitofp %iota3A_67 : vector<64x2000xi32> to vector<64x2000xf32>
    %eq3A_69 = vector.broadcast %get3A_66 : vector<1x2000xf32> to vector<64x2000xf32>
    %eq3A_70 = arith.cmpf oeq, %convert_element_type3A_68, %eq3A_69 : vector<64x2000xf32>
    %convert_element_type3A_71 = arith.extui %eq3A_70 : vector<64x2000xi1> to vector<64x2000xi32>
    %convert_element_type3A_72 = arith.sitofp %convert_element_type3A_71 : vector<64x2000xi32> to vector<64x2000xf32>
    %get3A_73 = arith.constant 0 : index
    %get3A_74 = arith.constant 0 : index
    %get3A_75 = vector.load %arg16[%get3A_73, %get3A_74] : memref<64x128xf32, #tpu.memory_space<vmem>>, vector<64x128xf32>
    %dot_general3A_76 = arith.constant dense<0.000000e+00> : vector<64x128xf32>
    %dot_general3A_77 = tpu.matmul %convert_element_type3A_72, %max3A_61, %dot_general3A_76 {dimension_numbers = #tpu.dot_dimension_numbers<[1], [0], [0], [1], [0, 0, 1, 1], [], []>, transpose_lhs_hint = false} : vector<64x2000xf32>, vector<2000x128xf32>, vector<64x128xf32> -> vector<64x128xf32>
    %add3A_78 = arith.addf %get3A_75, %dot_general3A_77 : vector<64x128xf32>
    %swap3A = arith.constant 0 : index
    %swap3A_79 = arith.constant 0 : index
    %swap3A_80 = vector.load %arg16[%swap3A, %swap3A_79] : memref<64x128xf32, #tpu.memory_space<vmem>>, vector<64x128xf32>
    tpu.vector_store %arg16[%swap3A, %swap3A_79], %add3A_78 {strides = array<i32>} : memref<64x128xf32, #tpu.memory_space<vmem>>, vector<64x128xf32>,
    %eq3A_81 = arith.constant 4 : i32
    %eq3A_82 = arith.cmpi eq, %arg0, %eq3A_81 : i32
    %convert_element_type3A_83 = arith.extui %eq3A_82 : i1 to i32
    %cond3A_84 = arith.constant 0 : i32
    %cond3A_85 = arith.cmpi ne, %convert_element_type3A_83, %cond3A_84 : i32
    scf.if %cond3A_85 {
      %get3A_86 = arith.constant 0 : index
      %get3A_87 = arith.constant 0 : index
      %get3A_88 = vector.load %arg16[%get3A_86, %get3A_87] : memref<64x128xf32, #tpu.memory_space<vmem>>, vector<64x128xf32>
      %max3A_89 = arith.constant 0.000000e+00 : f32
      %max3A_90 = vector.broadcast %max3A_89 : f32 to vector<64x128xf32>
      %max3A_91 = arith.maximumf %get3A_88, %max3A_90 : vector<64x128xf32>
      %get3A_92 = arith.constant 0 : index
      %get3A_93 = arith.constant 0 : index
      %get3A_94 = vector.load %arg6[%get3A_92, %get3A_93] : memref<128x128xf32, #tpu.memory_space<vmem>>, vector<128x128xf32>
      %dot_general3A_95 = arith.constant dense<0.000000e+00> : vector<64x128xf32>
      %dot_general3A_96 = tpu.matmul %max3A_91, %get3A_94, %dot_general3A_95 {dimension_numbers = #tpu.dot_dimension_numbers<[1], [0], [0], [1], [0, 0, 1, 1], [], []>, transpose_lhs_hint = false} : vector<64x128xf32>, vector<128x128xf32>, vector<64x128xf32> -> vector<64x128xf32>
      %get3A_97 = arith.constant 0 : index
      %get3A_98 = vector.load %arg7[%get3A_97] : memref<128xf32, #tpu.memory_space<vmem>>, vector<128xf32>
      %broadcast_in_dim3A_99 = vector.shape_cast %get3A_98 : vector<128xf32> to vector<1x128xf32>
      %add3A_100 = vector.broadcast %broadcast_in_dim3A_99 : vector<1x128xf32> to vector<64x128xf32>
      %add3A_101 = arith.addf %dot_general3A_96, %add3A_100 : vector<64x128xf32>
      %max3A_102 = arith.constant 0.000000e+00 : f32
      %max3A_103 = vector.broadcast %max3A_102 : f32 to vector<64x128xf32>
      %max3A_104 = arith.maximumf %add3A_101, %max3A_103 : vector<64x128xf32>
      %get3A_105 = arith.constant 0 : index
      %get3A_106 = arith.constant 0 : index
      %get3A_107 = vector.load %arg8[%get3A_105, %get3A_106] : memref<128x64xf32, #tpu.memory_space<vmem>>, vector<128x64xf32>
      %dot_general3A_108 = arith.constant dense<0.000000e+00> : vector<64x64xf32>
      %dot_general3A_109 = tpu.matmul %max3A_104, %get3A_107, %dot_general3A_108 {dimension_numbers = #tpu.dot_dimension_numbers<[1], [0], [0], [1], [0, 0, 1, 1], [], []>, transpose_lhs_hint = false} : vector<64x128xf32>, vector<128x64xf32>, vector<64x64xf32> -> vector<64x64xf32>
      %get3A_110 = arith.constant 0 : index
      %get3A_111 = vector.load %arg9[%get3A_110] : memref<64xf32, #tpu.memory_space<vmem>>, vector<64xf32>
      %broadcast_in_dim3A_112 = vector.shape_cast %get3A_111 : vector<64xf32> to vector<1x64xf32>
      %add3A_113 = vector.broadcast %broadcast_in_dim3A_112 : vector<1x64xf32> to vector<64x64xf32>
      %add3A_114 = arith.addf %dot_general3A_109, %add3A_113 : vector<64x64xf32>
      %max3A_115 = arith.constant 0.000000e+00 : f32
      %max3A_116 = vector.broadcast %max3A_115 : f32 to vector<64x64xf32>
      %max3A_117 = arith.maximumf %add3A_114, %max3A_116 : vector<64x64xf32>
      %get3A_118 = arith.constant 0 : index
      %get3A_119 = arith.constant 0 : index
      %get3A_120 = vector.load %arg10[%get3A_118, %get3A_119] : memref<3x64xf32, #tpu.memory_space<vmem>>, vector<3x64xf32>
      %transpose3A = tpu.transpose %max3A_117, [1, 0] : vector<64x64xf32> -> vector<64x64xf32>
      %dot_general3A_121 = arith.constant dense<0.000000e+00> : vector<3x64xf32>
      %dot_general3A_122 = tpu.matmul %get3A_120, %transpose3A, %dot_general3A_121 {dimension_numbers = #tpu.dot_dimension_numbers<[1], [0], [0], [1], [0, 0, 1, 1], [], []>, transpose_lhs_hint = false} : vector<3x64xf32>, vector<64x64xf32>, vector<3x64xf32> -> vector<3x64xf32>
      %get3A_123 = arith.constant 0 : index
      %get3A_124 = arith.constant 0 : index
      %get3A_125 = vector.load %arg11[%get3A_123, %get3A_124] : memref<3x1xf32, #tpu.memory_space<vmem>>, vector<3x1xf32>
      %add3A_126 = vector.broadcast %get3A_125 : vector<3x1xf32> to vector<3x64xf32>
      %add3A_127 = arith.addf %dot_general3A_122, %add3A_126 : vector<3x64xf32>
      %slice3A = vector.extract_strided_slice %add3A_127 {offsets = [0, 0], sizes = [1, 64], strides = [1, 1]} : vector<3x64xf32> to vector<1x64xf32>
      %squeeze3A = vector.shape_cast %slice3A : vector<1x64xf32> to vector<64xf32>
      %slice3A_128 = vector.extract_strided_slice %add3A_127 {offsets = [1, 0], sizes = [1, 64], strides = [1, 1]} : vector<3x64xf32> to vector<1x64xf32>
      %squeeze3A_129 = vector.shape_cast %slice3A_128 : vector<1x64xf32> to vector<64xf32>
      %slice3A_130 = vector.extract_strided_slice %add3A_127 {offsets = [2, 0], sizes = [1, 64], strides = [1, 1]} : vector<3x64xf32> to vector<1x64xf32>
      %squeeze3A_131 = vector.shape_cast %slice3A_130 : vector<1x64xf32> to vector<64xf32>
      %get3A_132 = arith.constant 0 : index
      %get3A_133 = vector.load %arg12[%get3A_132] : memref<64xf32, #tpu.memory_space<vmem>>, vector<64xf32>
      %add3A_134 = arith.addf %get3A_133, %squeeze3A_131 : vector<64xf32>
      %div3A_135 = arith.divf %squeeze3A_129, %add3A_134 : vector<64xf32>
      %sub3A = arith.subf %squeeze3A, %div3A_135 : vector<64xf32>
      %get3A_136 = arith.constant 0 : index
      %get3A_137 = vector.load %arg13[%get3A_136] : memref<1xf32, #tpu.memory_space<vmem>>, vector<1xf32>
      %sub3A_138 = vector.broadcast %get3A_137 : vector<1xf32> to vector<64xf32>
      %sub3A_139 = arith.subf %sub3A, %sub3A_138 : vector<64xf32>
      %get3A_140 = arith.constant 0 : index
      %get3A_141 = vector.load %arg14[%get3A_140] : memref<1xf32, #tpu.memory_space<vmem>>, vector<1xf32>
      %div3A_142 = vector.broadcast %get3A_141 : vector<1xf32> to vector<64xf32>
      %div3A_143 = arith.divf %sub3A_139, %div3A_142 : vector<64xf32>
      %swap3A_144 = arith.constant 0 : index
      %swap3A_145 = vector.load %arg15[%swap3A_144] : memref<64xf32, #tpu.memory_space<vmem>>, vector<64xf32>
      tpu.vector_store %arg15[%swap3A_144], %div3A_143 {strides = array<i32>} : memref<64xf32, #tpu.memory_space<vmem>>, vector<64xf32>,
    } else {
    }
    return
  }
  func.func @transform_0(%arg0: i32) -> (i32, i32, i32) {
    %c0_i32 = arith.constant 0 : i32
    %c0_i32_0 = arith.constant 0 : i32
    %c0_i32_1 = arith.constant 0 : i32
    return %c0_i32, %arg0, %c0_i32_0 : i32, i32, i32
  }
  func.func @transform_1(%arg0: i32) -> (i32, i32) {
    %c0_i32 = arith.constant 0 : i32
    %c0_i32_0 = arith.constant 0 : i32
    return %arg0, %c0_i32 : i32, i32
  }
  func.func @transform_2(%arg0: i32) -> (i32, i32, i32) {
    %c0_i32 = arith.constant 0 : i32
    %c0_i32_0 = arith.constant 0 : i32
    %c0_i32_1 = arith.constant 0 : i32
    %c0_i32_2 = arith.constant 0 : i32
    return %c0_i32, %c0_i32_0, %c0_i32_1 : i32, i32, i32
  }
  func.func @transform_3(%arg0: i32) -> i32 {
    %c0_i32 = arith.constant 0 : i32
    %c0_i32_0 = arith.constant 0 : i32
    return %c0_i32 : i32
  }
  func.func @transform_4(%arg0: i32) -> (i32, i32, i32) {
    %c0_i32 = arith.constant 0 : i32
    %c0_i32_0 = arith.constant 0 : i32
    %c0_i32_1 = arith.constant 0 : i32
    return %arg0, %c0_i32, %c0_i32_0 : i32, i32, i32
  }
  func.func @transform_5(%arg0: i32) -> (i32, i32) {
    %c0_i32 = arith.constant 0 : i32
    %c0_i32_0 = arith.constant 0 : i32
    %c0_i32_1 = arith.constant 0 : i32
    return %c0_i32, %c0_i32_0 : i32, i32
  }
  func.func @transform_6(%arg0: i32) -> i32 {
    %c0_i32 = arith.constant 0 : i32
    %c0_i32_0 = arith.constant 0 : i32
    return %c0_i32 : i32
  }
  func.func @transform_7(%arg0: i32) -> (i32, i32) {
    %c0_i32 = arith.constant 0 : i32
    %c0_i32_0 = arith.constant 0 : i32
    %c0_i32_1 = arith.constant 0 : i32
    return %c0_i32, %c0_i32_0 : i32, i32
  }
  func.func @transform_8(%arg0: i32) -> i32 {
    %c0_i32 = arith.constant 0 : i32
    %c0_i32_0 = arith.constant 0 : i32
    return %c0_i32 : i32
  }
  func.func @transform_9(%arg0: i32) -> (i32, i32) {
    %c0_i32 = arith.constant 0 : i32
    %c0_i32_0 = arith.constant 0 : i32
    %c0_i32_1 = arith.constant 0 : i32
    return %c0_i32, %c0_i32_0 : i32, i32
  }
  func.func @transform_10(%arg0: i32) -> (i32, i32) {
    %c0_i32 = arith.constant 0 : i32
    %c0_i32_0 = arith.constant 0 : i32
    %c0_i32_1 = arith.constant 0 : i32
    return %c0_i32, %c0_i32_0 : i32, i32
  }
  func.func @transform_11(%arg0: i32) -> i32 {
    %c0_i32 = arith.constant 0 : i32
    %c0_i32_0 = arith.constant 0 : i32
    return %c0_i32 : i32
  }
  func.func @transform_12(%arg0: i32) -> i32 {
    %c0_i32 = arith.constant 0 : i32
    %c0_i32_0 = arith.constant 0 : i32
    return %c0_i32 : i32
  }
  func.func @transform_13(%arg0: i32) -> i32 {
    %c0_i32 = arith.constant 0 : i32
    %c0_i32_0 = arith.constant 0 : i32
    return %c0_i32 : i32
  }
  func.func @transform_14(%arg0: i32) -> i32 {
    %c0_i32 = arith.constant 0 : i32
    %c0_i32_0 = arith.constant 0 : i32
    return %c0_i32 : i32
  }
}

</mosaic_0001>

<sc_bundles>
// kernel: kernel.11.cloned.1.call-start
scs
__scs_entry_jumppad:
0x0: {  	(pc) =	sbr.rel $0x88, $3  }
0x1: {  	(tag) =	ssettag $0x0;
	lr =	simm.s32 $0x1  }
0x2: {  	[smem:$0x3F91] =	sst lr;
	_ =	strace $0xD0000000  }
0x3: {  	_ = 	snop  }
0x4: {  	_ = 	snop  }
0x5: {  	_ = 	snop  }
0x6: {  	_ = 	snop  }
0x7: {  	_ = 	snop  }
__scs_overlays_trampoline_lowered:
0x8: {  	[smem:$0x3FA0] =	sst s0  }
0x9: {  	[smem:$0x3FA1] =	sst s1  }
0xa: {  	[smem:$0x3FA2] =	sst s2  }
0xb: {  	[smem:$0x3FA3] =	sst s3  }
0xc: {  	[smem:$0x3FA4] =	sst s4  }
0xd: {  	[smem:$0x3FA5] =	sst s5  }
0xe: {  	[smem:$0x3FA6] =	sst s6  }
0xf: {  	[smem:$0x3FA7] =	sst s7  }
0x10: {  	[smem:$0x3FA8] =	sst s8  }
0x11: {  	[smem:$0x3FA9] =	sst s9;
	s0 =	simm.s32 @!p0 $0x0  }
0x12: {  	s1 =	sld [smem:$0x3F8F];
	s0 =	simm.s32 @p0 $0x1  }
0x13: {  	[smem:$0x3FAA] =	sst s0;
	s0 =	simm.s32 @!p1 $0x0  }
0x14: {  	s2 =	sld [smem:$0x3F8E];
	s0 =	simm.s32 @p1 $0x1  }
0x15: {  	[smem:$0x3FAB] =	sst s0;
	s0 =	simm.s32 @!p2 $0x0  }
0x16: {  	s3 =	sld [smem:$0x3FDB];
	s0 =	simm.s32 @p2 $0x1  }
0x17: {  	s4 =	simm.s32 $0x1BF5;
	[smem:$0x3FAD] =	sst s0  }
0x18: {  	s0 =	sld [smem:$0x3F90];
	_ =	swait.ge [sflag:s4], $0x0  }
0x19: {  	s7 =	sld [smem:$0x3F91]  }
0x1a: {  	s8 =	sadd.s32 $0xFFFFE003, lr  }
0x1b: {  	s9 =	sadd.s32 $0xFFFFFEF7, lr;
	s5 =	simm.s32 $0xFFFFFFFF;
	p2 =	slt.u32 s8, $0xFFFFF086  }
0x1c: {  	p1 =	slt.u32 s9, $0xF7A;
	s5 =	simm.s32 @!p2 $0x0  }
0x1d: {  	s5 =	simm.s32 @p1 $0x1;
	p0 =	seq.s32 s7, s2  }
0x1e: {  	s7 =	smul.u32 @!p0 $0xF7A, s2;
	p2 =	seq.s32 @!p0 s5, $0x0  }
0x1f: {  	s9 =	smul.u32 $0xF7A, s1;
	s8 =	simm.s32 @!p0 $0x1BF5;
	p2 =	por !p2, p0  }
0x20: {  	[sflag:s8] =	ssyncset.s32 @!p0 $0xFFFFF086;
	s6 =	sadd.s32 @!p0 s3, s7;
	s7 =	simm.s32 @!p0 $0x108  }
0x21: {  	s3 =	sadd.s32 s3, s9;
	s6 =	sadd.s32 @!p0 $0x88, s6;
	s7 =	simm.s32 @p2 $0x1082  }
0x22: {  	[simem:s7], [sflag:s8] =	dma.local @!p0 [hbm:s6], $0xF7A  }
0x23: {  	s9 =	sor.u32 $0xD0000000, s2;
	s6 =	simm.s32 $0x108;
	_ =	swait.ge @!p0 [sflag:s8], $0x0  }
0x24: {  	s3 =	sadd.s32 $0x88, s3;
	s6 =	simm.s32 @!p1 $0x1082;
	[sflag:s4] =	ssyncset.s32 $0xFFFFF086  }
0x25: {  	[simem:s6], [sflag:s4] =	dma.local [hbm:s3], $0xF7A  }
0x26: {  	[smem:$0x3F91] =	sst s1;
	(tag) =	ssettag s2;
	_ =	strace s9  }
0x27: {  	s1 =	sld [smem:$0x3FA1]  }
0x28: {  	s2 =	sld [smem:$0x3FA2]  }
0x29: {  	s4 =	sld [smem:$0x3FA4]  }
0x2a: {  	p0 =	seq.s32 s5, $0x0;
	s5 =	sld [smem:$0x3FA5]  }
0x2b: {  	s6 =	sld [smem:$0x3FA6]  }
0x2c: {  	s7 =	sld [smem:$0x3FA7]  }
0x2d: {  	s3 =	simm.s32 $0x108;
	s8 =	sld [smem:$0x3FA8]  }
0x2e: {  	s3 =	simm.s32 @!p0 $0x1082;
	s9 =	sld [smem:$0x3FA9]  }
0x2f: {  	lr =	sadd.s32 s0, s3;
	s0 =	sld [smem:$0x3FA0]  }
0x30: {  	s3 =	sld [smem:$0x3FA3]  }
0x31: {  	[smem:$0x3FAC] =	sst s10  }
0x32: {  	s10 =	sld [smem:$0x3FAA];
	_ =	sdelay $0x3  }
0x33: {  	p0 =	seq.s32 s10, $0x1;
	s10 =	sld [smem:$0x3FAC];
	_ =	sdelay $0x3  }
0x34: {  	[smem:$0x3FAC] =	sst s10  }
0x35: {  	s10 =	sld [smem:$0x3FAB];
	_ =	sdelay $0x3  }
0x36: {  	p1 =	seq.s32 s10, $0x1;
	s10 =	sld [smem:$0x3FAC];
	_ =	sdelay $0x3  }
0x37: {  	[smem:$0x3FAC] =	sst s10  }
0x38: {  	s10 =	sld [smem:$0x3FAD]  }
0x39: {  	_ = 	snop;
	(pc) =	sbr.ind lr, $3  }
0x3a: {  	_ = 	snop  }
0x3b: {  	_ = 	snop  }
0x3c: {  	p2 =	seq.s32 s10, $0x1;
	s10 =	sld [smem:$0x3FAC]  }
0x3d: {  	_ =	shalt  }
0x3e: {  	_ =	shalt  }
0x3f: {  	_ =	shalt  }
0x40: {  	_ =	shalt  }
0x41: {  	_ =	shalt  }
0x42: {  	_ =	shalt  }
0x43: {  	_ =	shalt  }
0x44: {  	_ =	shalt  }
0x45: {  	_ =	shalt  }
0x46: {  	_ =	shalt  }
0x47: {  	_ =	shalt  }
0x48: {  	_ =	shalt  }
0x49: {  	_ =	shalt  }
0x4a: {  	_ =	shalt  }
0x4b: {  	_ =	shalt  }
0x4c: {  	_ =	shalt  }
0x4d: {  	_ =	shalt  }
0x4e: {  	_ =	shalt  }
0x4f: {  	_ =	shalt  }
0x50: {  	_ =	shalt  }
0x51: {  	_ =	shalt  }
0x52: {  	_ =	shalt  }
0x53: {  	_ =	shalt  }
0x54: {  	_ =	shalt  }
0x55: {  	_ =	shalt  }
0x56: {  	_ =	shalt  }
0x57: {  	_ =	shalt  }
0x58: {  	_ =	shalt  }
0x59: {  	_ =	shalt  }
0x5a: {  	_ =	shalt  }
0x5b: {  	_ =	shalt  }
0x5c: {  	_ =	shalt  }
0x5d: {  	_ =	shalt  }
0x5e: {  	_ =	shalt  }
0x5f: {  	_ =	shalt  }
0x60: {  	_ =	shalt  }
0x61: {  	_ =	shalt  }
0x62: {  	_ =	shalt  }
0x63: {  	_ =	shalt  }
0x64: {  	_ =	shalt  }
0x65: {  	_ =	shalt  }
0x66: {  	_ =	shalt  }
0x67: {  	_ =	shalt  }
0x68: {  	_ =	shalt  }
0x69: {  	_ =	shalt  }
0x6a: {  	_ =	shalt  }
0x6b: {  	_ =	shalt  }
0x6c: {  	_ =	shalt  }
0x6d: {  	_ =	shalt  }
0x6e: {  	_ =	shalt  }
0x6f: {  	_ =	shalt  }
0x70: {  	_ =	shalt  }
0x71: {  	_ =	shalt  }
0x72: {  	_ =	shalt  }
0x73: {  	_ =	shalt  }
0x74: {  	_ =	shalt  }
0x75: {  	_ =	shalt  }
0x76: {  	_ =	shalt  }
0x77: {  	_ =	shalt  }
0x78: {  	_ =	shalt  }
0x79: {  	_ =	shalt  }
0x7a: {  	_ =	shalt  }
0x7b: {  	_ =	shalt  }
0x7c: {  	_ =	shalt  }
0x7d: {  	_ =	shalt  }
0x7e: {  	_ =	shalt  }
0x7f: {  	_ =	shalt  }
0x80: {  	_ =	shalt  }
0x81: {  	_ =	shalt  }
0x82: {  	_ =	shalt  }
0x83: {  	_ =	shalt  }
0x84: {  	_ =	shalt  }
0x85: {  	_ =	shalt  }
0x86: {  	_ =	shalt  }
0x87: {  	_ =	shalt  }
.Lfunc_end0:
.L_simem_size_0:
called_computation.1_lowered:
.L_overlay_start_0:
0x88: {  	s2 =	sld [smem:$0x3FD9]  }
0x89: {  	s3 =	sld [smem:$0x3FFE];
	_ =	sdelay $0x1  }
0x8a: {  	s1 =	srdreg.scid  }
0x8b: {  	s0 =	sand.u32 $0x1, s1  }
0x8c: {  	s17 =	sshll.u32 s0, $0xA;
	s2 =	sadd.s32 s3, s2  }
0x8d: {  	s2 =	sadd.s32 s2, s17  }
0x8e: {  	[smem:$0x3FB8] =	sst s2  }
0x8f: {  	_ = 	snop  }
0x90: {  	s2 =	sld [smem:$0x3FC8];
	(tm) =	ssettm $0x1  }
0x91: {  	s18 =	sld [smem:$0x3FFB];
	_ =	sdelay $0x3  }
0x92: {  	_ =	strace s18  }
0x93: {  	s3 =	sld [smem:$0x3FFC];
	_ =	sdelay $0x3  }
0x94: {  	_ =	strace s3  }
0x95: {  	s3 =	sld [smem:$0x3FFD];
	_ =	sdelay $0x3  }
0x96: {  	_ =	strace s3  }
0x97: {  	_ =	strace $0x8FFFFFFF  }
0x98: {  	s19 =	sld [smem:$0x3FDB];
	_ =	sdelay $0x1  }
0x99: {  	s4 =	simm.s32 $_scs_section_size  }
0x9a: {  	s5 =	simm.s32 $_size__tile_overlayer_lowered;
	s6 =	simm.s32 $_tile_overlayer_lowered  }
0x9b: {  	s22 =	simm.s32 $0x1BFF;
	s21 =	sshll.u32 s6, $0x1;
	s3 =	sadd.s32 s4, s19  }
0x9c: {  	s7 =	simm.s32 $0x0;
	s20 =	sshll.u32 s5, $0x1;
	s5 =	sadd.s32 s21, s3  }
0x9d: {  	[timem:s7], [sflag:s22] =	dma.local [hbm:s5], s20  }
0x9e: {  	_ =	swait.ge [sflag:s22], s20  }
0x9f: {  	s4 =	ssub.s32 $0x0, s20;
	[sflag:s22] =	ssyncset.done $0x0  }
0xa0: {  	[sflag:s22] =	ssyncadd.s32 s4;
	_ =	sdelay $0x1  }
0xa1: {  	s23 =	simm.s32 $0x1B8B  }
0xa2: {  	_ =	swait.ge [sflag:s23], $0x1  }
0xa3: {  	[sflag:s23] =	ssyncset.done $0x0  }
0xa4: {  	s25 =	simm.s32 $0x1B8E;
	s24 =	sld [smem:$0x3FFE];
	[sflag:s23] =	ssyncadd.s32 $0xFFFFFFFF  }
0xa5: {  	s26 =	simm.s32 $execute0_lowered;
	[smem:$0x3FD2] =	sst s25  }
0xa6: {  	s5 =	sshll.u32 s26, $0x1;
	_ =	strace $0x80000049;
	[dreg:$0x1] =	wrdreg $0xFFFFFFFF  }
0xa7: {  	s28 =	simm.s32 $_size_execute0_lowered;
	s3 =	sadd.s32 s3, s5;
	[dreg:$0x0] =	wrdreg $0x0  }
0xa8: {  	s5 =	sshll.u32 s28, $0x1;
	[dreg:$0x2] =	wrdreg s3  }
0xa9: {  	[dreg:$0x3] =	wrdreg s5  }
0xaa: {  	[dreg:$0x4] =	wrdreg $0xC0  }
0xab: {  	_ =	task [dreg:s7], $0x5FFFF  }
0xac: {  	[dreg:$0x1] =	wrdreg $0xFFFFFFFF  }
0xad: {  	[dreg:$0x0] =	wrdreg $0x60  }
0xae: {  	[dreg:$0x2] =	wrdreg s24  }
0xaf: {  	[dreg:$0x3] =	wrdreg s2  }
0xb0: {  	[dreg:$0x4] =	wrdreg $0xA9000  }
0xb1: {  	[dreg:$0x5] =	wrdreg $0x9  }
0xb2: {  	_ =	task.clear_ibuf [dreg:s7], $0x6FFFF;
	_ =	strace $0x90000049  }
0xb3: {  	s29 =	simm.s32 $0x9;
	_ =	strace $0x8000004B  }
0xb4: {  	_ =	swait.ge [sflag:s29], $0x1  }
0xb5: {  	[sflag:s29] =	ssyncadd.s32 $0xFFFFFFFF  }
0xb6: {  	_ =	strace $0x9000004B  }
0xb7: {  	_ =	sfence  }
0xb8: {  	s30 =	sld [smem:$0x0];
	_ =	sdelay $0x2  }
0xb9: {  	s31 =	sshll.u32 s1, $0xD;
	s1 =	sshrl.u32 s1, $0x2  }
0xba: {  	s3 =	sand.u32 $0x4000, s31;
	s1 =	sadd.s32 s1, s30  }
0xbb: {  	s0 =	sor.u32 s3, s0;
	s1 =	sshll.u32 s1, $0x11  }
0xbc: {  	s0 =	sor.u32 s1, s0  }
0xbd: {  	s0 =	sadd.s32 $0x8F2B, s0  }
0xbe: {  	[sflag:s0] =	ssyncadd.remote.s32 $0x1  }
0xbf: {  	_ =	sfence.sel $0xFFFF  }
0xc0: {  	[dreg:$0x0] =	wrdreg $0xFFFFFFFF;
	(pc) =	sbr.abs _section_cstart, $3  }
0xc1: {  	[dreg:$0x1] =	wrdreg $0xFFFFFFFF  }
0xc2: {  	_ =	task.clear_ibuf [dreg:s7], $0x2FFFF;
	_ =	strace $0x9FFFFFFF  }
0xc3: {  	(tm) =	ssettm $0x7FFFFFFF  }
tec
execute0_lowered:
.L_overlay_start_1:
0x0: {  	(tag) =	ssettag $0x1  }
0x1: {  	s0 =	rddreg [dreg:$0x0]  }
0x2: {  	s1 =	rddreg [dreg:$0x1]  }
0x3: {  	s2 =	rddreg [dreg:$0x2]  }
0x4: {  	s4 =	srdreg.scid;
	s15 =	stileid.u32  }
0x5: {  	s3 =	simm.s32 $0x0;
	s28 =	simm.s32 $0x5;
	s29 =	simm.s32 $0x80  }
0x6: {  	s31 =	simm.s32 $0x2800;
	s30 =	simm.s32 $0x1;
	s7 =	sand.u32 $0x1, s4  }
0x7: {  	s18 =	sshll.u32 s15, $0x1;
	[smem:$0x7FF] =	sst s3;
	s8 =	smul.u32 $0x50000, s15  }
0x8: {  	s4 =	sadd.s32 $0x3400, s0;
	s0 =	sadd.s32 $0x2A600, s0;
	s12 =	smul.u32 $0x14000, s15  }
0x9: {  	p0 =	sgt.u32 s15, $0x1;
	s5 =	sor.u32 s7, s18;
	s11 =	smul.u32 $0x140000, s7  }
0xa: {  	_ =	strace $0x8000004A;
	s9 =	ssub.s32 $0x2, s7;
	s7 =	smul.u32 $0x9C0, s7  }
0xb: {  	s6 =	smul.u32 $0x4E, s5;
	s10 =	smin.u32 s5, $0x4;
	s19 =	sshrl.u32 s9, $0x1  }
0xc: {  	s20 =	sshrl.u32 s8, $0x2;
	s24 =	sadd.s32 $0x4000, s12;
	s26 =	sadd.s32 $0x8000, s12  }
0xd: {  	s9 =	ssub.s32 s9, s19;
	s5 =	sadd.s32 s20, s2;
	s21 =	sadd.s32 s11, s12  }
0xe: {  	s25 =	sadd.s32 s11, s24;
	s16 =	sadd.s32 s11, s26;
	s6 =	sadd.s32 s10, s6  }
0xf: {  	s8 =	sshrl.u32 s21, $0x3;
	s9 =	smax.u32 s9, $0x1;
	s14 =	sadd.s32 $0x4000, s5  }
0x10: {  	s17 =	sshrl.u32 s16, $0x3;
	s6 =	sshll.u32 s6, $0x5;
	[dreg:$0x8] =	wrdreg s9  }
0x11: {  	s8 =	sadd.s32 s0, s8;
	[dreg:$0x9] =	wrdreg s14;
	s9 =	sshrl.u32 s25, $0x3  }
0x12: {  	s6 =	sadd.s32 s1, s6;
	[dreg:$0x7] =	wrdreg s8;
	s9 =	sadd.s32 s0, s9  }
0x13: {  	s21 =	sshll.u32 s10, $0x5;
	s13 =	sadd.s32 $0x9C0, s6;
	[dreg:$0xa] =	wrdreg s9  }
0x14: {  	s10 =	simm.s32 $0x0;
	s22 =	sadd.s32 $0x10, s6;
	[dreg:$0x4] =	wrdreg s13  }
0x15: {  	s8 =	simm.s32 $0x2;
	s23 =	sadd.s32 $0x30, s6;
	[dreg:$0x5] =	wrdreg s22  }
0x16: {  	s9 =	sadd.s32 s0, s17;
	s17 =	sadd.s32 $0x8000, s5;
	[dreg:$0x6] =	wrdreg s23  }
0x17: {  	s22 =	sadd.s32 $0xC000, s12;
	[dreg:$0xb] =	wrdreg s9;
	s12 =	sadd.s32 $0x10000, s12  }
0x18: {  	s23 =	sadd.s32 s24, s2;
	s24 =	sadd.s32 s26, s2;
	s18 =	sadd.s32 s11, s22  }
0x19: {  	s11 =	sadd.s32 s11, s12;
	s25 =	sadd.s32 s22, s2;
	s26 =	sadd.s32 s12, s2  }
0x1a: {  	s22 =	sshrl.u32 s23, $0x3;
	s23 =	sshrl.u32 s24, $0x3;
	s9 =	sshrl.u32 s18, $0x3  }
0x1b: {  	s18 =	smul.u32 $0x1380, s15;
	s19 =	sshrl.u32 s11, $0x3;
	s24 =	sshrl.u32 s25, $0x3  }
0x1c: {  	s25 =	sshrl.u32 s26, $0x3;
	s26 =	simm.s32 $0x2900;
	s9 =	sadd.s32 s0, s9  }
0x1d: {  	s16 =	sadd.s32 s0, s19;
	s19 =	sadd.s32 $0x10000, s5;
	[dreg:$0xc] =	wrdreg s9  }
0x1e: {  	s20 =	sadd.s32 s18, s1;
	s18 =	sadd.s32 $0xC000, s5;
	s1 =	simm.s32 $0x2880  }
0x1f: {  	s9 =	simm.s32 $0x4;
	s0 =	sadd.s32 s7, s20;
	s7 =	simm.s32 $0x3  }
0x20: {  	v0 =	vimm.f32 $0.0e+00;
	s20 =	sadd.s32 s21, s0;
	s21 =	sadd.s32 $0x9D0, s6;
	s0 =	simm.s32 $0x6900  }
.LBB2_1:
0x21: {  	s11 =	simm.s32 $0x0;
	s12 =	simm.s32 $0x200  }
.LBB2_2:
0x22: {  	p1 =	sne.s32 s12, $0xFE00;
	[tilespmem:s11+$0x2970] =	vst v0  }
0x23: {  	[tilespmem:s11+$0x2900] =	vst v0  }
0x24: {  	[tilespmem:s11+$0x2910] =	vst v0  }
.Ltmp0:
0x25: {  	[tilespmem:s11+$0x2920] =	vst v0;
	(pc) =	sbr.rel @p1 .LBB2_2-.Ltmp0, $4  }
0x26: {  	[tilespmem:s11+$0x2930] =	vst v0  }
0x27: {  	[tilespmem:s11+$0x2940] =	vst v0  }
0x28: {  	[tilespmem:s11+$0x2950] =	vst v0  }
0x29: {  	[tilespmem:s11+$0x2960] =	vst v0;
	s11 =	sshra.s32 s12, $0x2;
	s12 =	sadd.s32 $0x200, s12  }
0x2a: {  	[tilespmem:s11+$0x2970] =	vst v0  }
0x2b: {  	[tilespmem:s11+$0x2900] =	vst v0  }
0x2c: {  	[tilespmem:s11+$0x2910] =	vst v0  }
0x2d: {  	[tilespmem:s11+$0x2920] =	vst v0  }
0x2e: {  	[tilespmem:s11+$0x2930] =	vst v0  }
0x2f: {  	[tilespmem:s11+$0x2940] =	vst v0  }
0x30: {  	[tilespmem:s11+$0x2950] =	vst v0  }
0x31: {  	[tilespmem:s11+$0x2960] =	vst v0  }
0x32: {  	[spmem:s5] =	stream.linear.scatter [tilespmem:s26], [sflag:$0x5], $0x4000, $0x38;
	[tilespmem:$0x1E900] =	vst v63  }
0x33: {  	_ =	swait.ge [sflag:s28], $0x4000  }
0x34: {  	[sflag:s28] =	ssyncset.done $0x0  }
0x35: {  	s15 =	rddreg [dreg:$0x9];
	[sflag:s28] =	ssyncadd.s32 $0xFFFFC000  }
0x36: {  	[spmem:s15] =	stream.linear.scatter [tilespmem:s26], [sflag:$0x5], $0x4000, $0x38;
	[tilespmem:$0x1E900] =	vst v63  }
0x37: {  	_ =	swait.ge [sflag:s28], $0x4000  }
0x38: {  	[sflag:s28] =	ssyncset.done $0x0  }
0x39: {  	[sflag:s28] =	ssyncadd.s32 $0xFFFFC000  }
0x3a: {  	[spmem:s17] =	stream.linear.scatter [tilespmem:s26], [sflag:$0x5], $0x4000, $0x38;
	[tilespmem:$0x1E900] =	vst v63  }
0x3b: {  	_ =	swait.ge [sflag:s28], $0x4000  }
0x3c: {  	[sflag:s28] =	ssyncset.done $0x0  }
0x3d: {  	[sflag:s28] =	ssyncadd.s32 $0xFFFFC000  }
0x3e: {  	[spmem:s18] =	stream.linear.scatter [tilespmem:s26], [sflag:$0x5], $0x4000, $0x38;
	[tilespmem:$0x1E900] =	vst v63  }
0x3f: {  	_ =	swait.ge [sflag:s28], $0x4000  }
0x40: {  	[sflag:s28] =	ssyncset.done $0x0  }
0x41: {  	[sflag:s28] =	ssyncadd.s32 $0xFFFFC000  }
0x42: {  	[spmem:s19] =	stream.linear.scatter [tilespmem:s26], [sflag:$0x5], $0x4000, $0x38;
	[tilespmem:$0x1E900] =	vst v63  }
0x43: {  	_ =	swait.ge [sflag:s28], $0x4000  }
0x44: {  	[sflag:s28] =	ssyncset.done $0x0  }
0x45: {  	s12 =	simm.s32 $0x100;
	[sflag:s28] =	ssyncadd.s32 $0xFFFFC000  }
0x46: {  	[tilespmem:s3], [sflag:$0x5] =	stream.strided.gather [hbm4b:s6+s29], $0x2700, s12, s29, $0x38;
	[tilespmem:$0x1E900] =	vst v63  }
0x47: {  	_ =	swait.ge [sflag:s28], $0x2700  }
0x48: {  	s11 =	simm.s32 @!p0 $0x0;
	[sflag:s28] =	ssyncset.done $0x0  }
0x49: {  	s12 =	simm.s32 @!p0 $0x2700;
	s13 =	rddreg [dreg:$0x4];
	[sflag:s28] =	ssyncadd.s32 $0xFFFFD900  }
0x4a: {  	[tilespmem:s12], [sflag:$0x5] =	stream.linear.gather @!p0 [hbm4b:s13+s11], $0x80, $0x38;
	[tilespmem:$0x1E900] =	vst v63  }
0x4b: {  	s11 =	simm.s32 @!p0 $0x5  }
0x4c: {  	_ =	swait.ge @!p0 [sflag:s11], $0x80  }
0x4d: {  	[sflag:s11] =	ssyncset.done @!p0 $0x0  }
0x4e: {  	[sflag:s11] =	ssyncadd.s32 @!p0 $0xFFFFFF80  }
0x4f: {  	s13 =	simm.s32 $0x0;
	[bflag:$0x0] =	sbarrier.arrive $0xFFFF  }
0x50: {  	[tilespmem:s26], [sflag:$0x1] =	stream.indirect.gather [hbm4b:s4+s29], $0x80, s13, s29, $0xb8;
	[tilespmem:$0x1E900] =	vst v63  }
0x51: {  	s14 =	rddreg [dreg:$0x5]  }
0x52: {  	[tilespmem:s31], [sflag:$0x3] =	stream.linear.gather [hbm4b:s14+s13], $0x80, $0x38;
	[tilespmem:$0x1E900] =	vst v63  }
0x53: {  	_ = 	snop  }
0x54: {  	[tilespmem:s0], [sflag:$0x2] =	stream.indirect.gather [hbm4b:s4+s29], $0x80, s29, s29, $0xb8;
	[tilespmem:$0x1E900] =	vst v63  }
0x55: {  	s15 =	rddreg [dreg:$0x6]  }
0x56: {  	[tilespmem:s1], [sflag:$0x4] =	stream.linear.gather [hbm4b:s15+s13], $0x80, $0x38;
	[tilespmem:$0x1E900] =	vst v63  }
0x57: {  	_ =	swait.ge [sflag:s30], $0x4000  }
0x58: {  	[sflag:s30] =	ssyncset.done $0x0  }
0x59: {  	[sflag:s30] =	ssyncadd.s32 $0xFFFFC000  }
0x5a: {  	_ =	swait.ge [sflag:s7], $0x80  }
0x5b: {  	[sflag:s7] =	ssyncset.done $0x0  }
0x5c: {  	[sflag:s7] =	ssyncadd.s32 $0xFFFFFF80  }
0x5d: {  	[spmem:s2] =	stream.indirect.scatter.add.f32 [tilespmem:s26], [sflag:$0x5], $0x80, s31, s29, $0xb8;
	[tilespmem:$0x1E900] =	vst v63  }
0x5e: {  	_ =	swait.ge [sflag:s28], $0x4000  }
0x5f: {  	[sflag:s28] =	ssyncset.done $0x0  }
0x60: {  	s12 =	simm.s32 $0x100;
	s13 =	sadd.s32 $0xFFFFF680, s20;
	[sflag:s28] =	ssyncadd.s32 $0xFFFFC000  }
0x61: {  	[tilespmem:s26], [sflag:$0x1] =	stream.indirect.gather [hbm4b:s4+s29], $0x80, s12, s29, $0xb8;
	[tilespmem:$0x1E900] =	vst v63  }
0x62: {  	s14 =	sadd.s32 $0x9D0, s13  }
0x63: {  	[tilespmem:s31], [sflag:$0x3] =	stream.linear.gather [hbm4b:s14+s3], $0x80, $0x38;
	[tilespmem:$0x1E900] =	vst v63  }
0x64: {  	_ =	swait.ge [sflag:s8], $0x4000  }
0x65: {  	[sflag:s8] =	ssyncset.done $0x0  }
0x66: {  	[sflag:s8] =	ssyncadd.s32 $0xFFFFC000  }
0x67: {  	_ =	swait.ge [sflag:s9], $0x80  }
0x68: {  	[sflag:s9] =	ssyncset.done $0x0  }
0x69: {  	[sflag:s9] =	ssyncadd.s32 $0xFFFFFF80  }
0x6a: {  	[spmem:s2] =	stream.indirect.scatter.add.f32 [tilespmem:s0], [sflag:$0x5], $0x80, s1, s29, $0xb8;
	[tilespmem:$0x1E900] =	vst v63  }
0x6b: {  	_ =	swait.ge [sflag:s28], $0x4000  }
0x6c: {  	s11 =	simm.s32 $0x400;
	s15 =	simm.s32 $0x180;
	[sflag:s28] =	ssyncset.done $0x0  }
0x6d: {  	s13 =	sadd.s32 $0x9F0, s13;
	s12 =	simm.s32 $0xFFFFF6C0;
	[sflag:s28] =	ssyncadd.s32 $0xFFFFC000  }
0x6e: {  	[tilespmem:s0], [sflag:$0x2] =	stream.indirect.gather [hbm4b:s4+s29], $0x80, s15, s29, $0xb8;
	[tilespmem:$0x1E900] =	vst v63  }
.LBB2_4:
0x6f: {  	[tilespmem:s1], [sflag:$0x4] =	stream.linear.gather [hbm4b:s13+s3], $0x80, $0x38;
	[tilespmem:$0x1E900] =	vst v63  }
0x70: {  	s13 =	smov.u32 s11  }
0x71: {  	p1 =	sne.s32 s11, $0x9400;
	s11 =	sadd.s32 $0x400, s11;
	_ =	swait.ge [sflag:s30], $0x4000  }
0x72: {  	[sflag:s30] =	ssyncset.done $0x0  }
0x73: {  	[sflag:s30] =	ssyncadd.s32 $0xFFFFC000  }
0x74: {  	_ =	swait.ge [sflag:s7], $0x80  }
0x75: {  	[sflag:s7] =	ssyncset.done $0x0  }
0x76: {  	[sflag:s7] =	ssyncadd.s32 $0xFFFFFF80  }
0x77: {  	[spmem:s2] =	stream.indirect.scatter.add.f32 [tilespmem:s26], [sflag:$0x5], $0x80, s31, s29, $0xb8;
	[tilespmem:$0x1E900] =	vst v63  }
0x78: {  	_ =	swait.ge [sflag:s28], $0x4000  }
0x79: {  	s13 =	sshra.s32 s13, $0x2;
	[sflag:s28] =	ssyncset.done $0x0  }
0x7a: {  	s15 =	sadd.s32 s12, s20;
	s14 =	sadd.s32 $0x100, s13;
	[sflag:s28] =	ssyncadd.s32 $0xFFFFC000  }
0x7b: {  	[tilespmem:s26], [sflag:$0x1] =	stream.indirect.gather [hbm4b:s4+s29], $0x80, s14, s29, $0xb8;
	[tilespmem:$0x1E900] =	vst v63  }
0x7c: {  	s14 =	sadd.s32 $0x9D0, s15  }
0x7d: {  	[tilespmem:s31], [sflag:$0x3] =	stream.linear.gather [hbm4b:s14+s3], $0x80, $0x38;
	[tilespmem:$0x1E900] =	vst v63  }
0x7e: {  	_ =	swait.ge [sflag:s8], $0x4000  }
0x7f: {  	[sflag:s8] =	ssyncset.done $0x0  }
0x80: {  	[sflag:s8] =	ssyncadd.s32 $0xFFFFC000  }
0x81: {  	_ =	swait.ge [sflag:s9], $0x80  }
0x82: {  	[sflag:s9] =	ssyncset.done $0x0  }
0x83: {  	[sflag:s9] =	ssyncadd.s32 $0xFFFFFF80  }
0x84: {  	[spmem:s2] =	stream.indirect.scatter.add.f32 [tilespmem:s0], [sflag:$0x5], $0x80, s1, s29, $0xb8;
	[tilespmem:$0x1E900] =	vst v63  }
.Ltmp1:
0x85: {  	_ =	swait.ge [sflag:s28], $0x4000;
	(pc) =	sbr.rel @p1 .LBB2_4-.Ltmp1, $4  }
0x86: {  	[sflag:s28] =	ssyncset.done $0x0  }
0x87: {  	s13 =	sadd.s32 $0x180, s13;
	[sflag:s28] =	ssyncadd.s32 $0xFFFFC000  }
0x88: {  	[tilespmem:s0], [sflag:$0x2] =	stream.indirect.gather [hbm4b:s4+s29], $0x80, s13, s29, $0xb8;
	[tilespmem:$0x1E900] =	vst v63  }
0x89: {  	s12 =	sadd.s32 $0x40, s12;
	s13 =	sadd.s32 $0x9F0, s15  }
0x8a: {  	[tilespmem:s1], [sflag:$0x4] =	stream.linear.gather [hbm4b:s13+s3], $0x80, $0x38;
	[tilespmem:$0x1E900] =	vst v63  }
0x8b: {  	_ =	swait.ge [sflag:s30], $0x4000  }
0x8c: {  	[sflag:s30] =	ssyncset.done $0x0  }
0x8d: {  	[sflag:s30] =	ssyncadd.s32 $0xFFFFC000  }
0x8e: {  	_ =	swait.ge [sflag:s7], $0x80  }
0x8f: {  	[sflag:s7] =	ssyncset.done $0x0  }
0x90: {  	[sflag:s7] =	ssyncadd.s32 $0xFFFFFF80  }
0x91: {  	[spmem:s2] =	stream.indirect.scatter.add.f32 [tilespmem:s26], [sflag:$0x5], $0x80, s31, s29, $0xb8;
	[tilespmem:$0x1E900] =	vst v63  }
0x92: {  	_ =	swait.ge [sflag:s28], $0x4000  }
0x93: {  	[sflag:s28] =	ssyncset.done $0x0  }
0x94: {  	s11 =	simm.s32 @p0 $0x2;
	[sflag:s28] =	ssyncadd.s32 $0xFFFFC000  }
0x95: {  	_ =	swait.ge @p0 [sflag:s11], $0x4000  }
0x96: {  	[sflag:s11] =	ssyncset.done @p0 $0x0  }
0x97: {  	[sflag:s11] =	ssyncadd.s32 @p0 $0xFFFFC000;
	s11 =	simm.s32 @p0 $0x4  }
0x98: {  	_ =	swait.ge @p0 [sflag:s11], $0x80  }
0x99: {  	s12 =	simm.s32 @p0 $0x2880;
	[sflag:s11] =	ssyncset.done @p0 $0x0  }
0x9a: {  	s13 =	simm.s32 @p0 $0x6900;
	[sflag:s11] =	ssyncadd.s32 @p0 $0xFFFFFF80;
	s11 =	simm.s32 @p0 $0x80  }
0x9b: {  	[spmem:s2] =	stream.indirect.scatter.add.f32 @p0 [tilespmem:s13], [sflag:$0x5], $0x80, s12, s11, $0xb8;
	[tilespmem:$0x1E900] =	vst v63  }
0x9c: {  	s11 =	simm.s32 @!p0 $0x80;
	s12 =	simm.s32 @!p0 $0x2700;
	s13 =	simm.s32 @!p0 $0x2900  }
0x9d: {  	[tilespmem:s13], [sflag:$0x1] =	stream.indirect.gather @!p0 [hbm4b:s4+s11], $0x80, s12, s11, $0xb8;
	[tilespmem:$0x1E900] =	vst v63  }
0x9e: {  	s14 =	simm.s32 @!p0 $0x2800;
	s12 =	simm.s32 @!p0 $0x0  }
0x9f: {  	[tilespmem:s14], [sflag:$0x3] =	stream.linear.gather @!p0 [hbm4b:s21+s12], $0x80, $0x38;
	[tilespmem:$0x1E900] =	vst v63  }
0xa0: {  	s12 =	simm.s32 @!p0 $0x2  }
0xa1: {  	_ =	swait.ge @!p0 [sflag:s12], $0x4000  }
0xa2: {  	[sflag:s12] =	ssyncset.done @!p0 $0x0  }
0xa3: {  	[sflag:s12] =	ssyncadd.s32 @!p0 $0xFFFFC000;
	s12 =	simm.s32 @!p0 $0x4  }
0xa4: {  	_ =	swait.ge @!p0 [sflag:s12], $0x80  }
0xa5: {  	[sflag:s12] =	ssyncset.done @!p0 $0x0  }
0xa6: {  	s15 =	simm.s32 @!p0 $0x6900;
	[sflag:s12] =	ssyncadd.s32 @!p0 $0xFFFFFF80;
	s12 =	simm.s32 @!p0 $0x2880  }
0xa7: {  	[spmem:s2] =	stream.indirect.scatter.add.f32 @!p0 [tilespmem:s15], [sflag:$0x5], $0x80, s12, s11, $0xb8;
	[tilespmem:$0x1E900] =	vst v63  }
0xa8: {  	s12 =	simm.s32 @!p0 $0x5  }
0xa9: {  	_ =	swait.ge @!p0 [sflag:s12], $0x4000  }
0xaa: {  	[sflag:s12] =	ssyncset.done @!p0 $0x0  }
0xab: {  	[sflag:s12] =	ssyncadd.s32 @!p0 $0xFFFFC000;
	s12 =	simm.s32 @!p0 $0x1  }
0xac: {  	_ =	swait.ge @!p0 [sflag:s12], $0x4000  }
0xad: {  	[sflag:s12] =	ssyncset.done @!p0 $0x0  }
0xae: {  	[sflag:s12] =	ssyncadd.s32 @!p0 $0xFFFFC000;
	s12 =	simm.s32 @!p0 $0x3  }
0xaf: {  	_ =	swait.ge @!p0 [sflag:s12], $0x80  }
0xb0: {  	[sflag:s12] =	ssyncset.done @!p0 $0x0  }
0xb1: {  	[sflag:s12] =	ssyncadd.s32 @!p0 $0xFFFFFF80  }
0xb2: {  	[spmem:s2] =	stream.indirect.scatter.add.f32 @!p0 [tilespmem:s13], [sflag:$0x5], $0x80, s14, s11, $0xb8;
	[tilespmem:$0x1E900] =	vst v63  }
0xb3: {  	_ =	swait.ge [sflag:s28], $0x4000  }
0xb4: {  	[sflag:s28] =	ssyncset.done $0x0  }
0xb5: {  	s12 =	stileid.u32;
	[sflag:s28] =	ssyncadd.s32 $0xFFFFC000  }
0xb6: {  	s11 =	sshll.u32 s12, $0x6;
	[bflag:$0x0] =	sbarrier.arrive $0xFFFF  }
0xb7: {  	s13 =	sshrl.u32 s5, $0x3;
	s11 =	sor.u32 $0x1C05, s11;
	s14 =	rddreg [dreg:$0x7]  }
0xb8: {  	[hbm:s14], [sflag:s11] =	dma.local [spmem:s13], $0x800  }
0xb9: {  	_ =	swait.ge [sflag:s28], $0x800  }
0xba: {  	[sflag:s28] =	ssyncset.done $0x0  }
0xbb: {  	s15 =	rddreg [dreg:$0xa];
	[sflag:s28] =	ssyncadd.s32 $0xFFFFF800  }
0xbc: {  	[hbm:s15], [sflag:s11] =	dma.local [spmem:s22], $0x800  }
0xbd: {  	_ =	swait.ge [sflag:s28], $0x800  }
0xbe: {  	[sflag:s28] =	ssyncset.done $0x0  }
0xbf: {  	s13 =	rddreg [dreg:$0xb];
	[sflag:s28] =	ssyncadd.s32 $0xFFFFF800  }
0xc0: {  	[hbm:s13], [sflag:s11] =	dma.local [spmem:s23], $0x800  }
0xc1: {  	_ =	swait.ge [sflag:s28], $0x800  }
0xc2: {  	[sflag:s28] =	ssyncset.done $0x0  }
0xc3: {  	s14 =	rddreg [dreg:$0xc];
	[sflag:s28] =	ssyncadd.s32 $0xFFFFF800  }
0xc4: {  	[hbm:s14], [sflag:s11] =	dma.local [spmem:s24], $0x800  }
0xc5: {  	_ =	swait.ge [sflag:s28], $0x800  }
0xc6: {  	[sflag:s28] =	ssyncset.done $0x0  }
0xc7: {  	[sflag:s28] =	ssyncadd.s32 $0xFFFFF800  }
0xc8: {  	[hbm:s16], [sflag:s11] =	dma.local [spmem:s25], $0x800  }
0xc9: {  	_ =	swait.ge [sflag:s28], $0x800  }
0xca: {  	s10 =	sadd.s32 $0x1, s10;
	s15 =	rddreg [dreg:$0x8]  }
0xcb: {  	p1 =	sne.s32 s10, s15  }
.Ltmp2:
0xcc: {  	_ = 	snop;
	(pc) =	sbr.rel @p1 .LBB2_1-.Ltmp2, $3  }
0xcd: {  	_ =	sdelay $0x1  }
0xce: {  	[sflag:s28] =	ssyncset.done $0x0  }
0xcf: {  	[sflag:s28] =	ssyncadd.s32 $0xFFFFF800  }
0xd0: {  	_ =	sfence.sel $0x180000  }
0xd1: {  	[bflag:$0x0] =	sbarrier.arrive $0xFFFF  }
0xd2: {  	_ =	strace $0x9000004A  }
0xd3: {  	s0 =	stileid.u32;
	[bflag:$0x2] =	sbarrier.arrive $0xFFFF  }
0xd4: {  	p0 =	sne.s32 s0, $0x0;
	s0 =	rddreg [dreg:$0x3]  }
0xd5: {  	s0 =	sadd.s32 @!p0 $0x100000, s0  }
0xd6: {  	[sflag:s0] =	ssyncadd.tile.s32 @!p0 $0x1;
	_ =	shalt  }
.Lfunc_end2:
_tile_overlayer_lowered:
.L_overlay_start_2:
0xd7: {  	(tag) =	ssettag $0x2  }
0xd8: {  	s0 =	rddreg [dreg:$0x0];
	s2 =	stileid.u32  }
0xd9: {  	s1 =	rddreg [dreg:$0x1];
	p0 =	sne.s32 s2, $0x0  }
0xda: {  	s3 =	rddreg [dreg:$0x2];
	[bflag:$0x3] =	sbarrier.arrive $0xFFFF;
	s2 =	simm.s32 @!p0 $0x1C05  }
0xdb: {  	[timem:s3], [sflag:s2] =	dma.local @!p0 [hbm:s0], s1  }
0xdc: {  	s0 =	simm.s32 @!p0 $0x5  }
0xdd: {  	_ =	swait.ge @!p0 [sflag:s0], s1  }
0xde: {  	s1 =	ssub.s32 @!p0 $0x0, s1;
	[sflag:s0] =	ssyncset.done @!p0 $0x0  }
0xdf: {  	[sflag:s0] =	ssyncadd.s32 @!p0 s1  }
0xe0: {  	[bflag:$0x3] =	sbarrier.arrive $0xFFFF  }
0xe1: {  	_ =	shalt  }

// kernel: kernel.14.cloned.1.call-start
scs
__scs_entry_jumppad:
0x0: {  	(pc) =	sbr.rel $0x88, $3  }
0x1: {  	(tag) =	ssettag $0x0;
	lr =	simm.s32 $0x1  }
0x2: {  	[smem:$0x3F91] =	sst lr;
	_ =	strace $0xD0000000  }
0x3: {  	_ = 	snop  }
0x4: {  	_ = 	snop  }
0x5: {  	_ = 	snop  }
0x6: {  	_ = 	snop  }
0x7: {  	_ = 	snop  }
__scs_overlays_trampoline_lowered:
0x8: {  	[smem:$0x3FA0] =	sst s0  }
0x9: {  	[smem:$0x3FA1] =	sst s1  }
0xa: {  	[smem:$0x3FA2] =	sst s2  }
0xb: {  	[smem:$0x3FA3] =	sst s3  }
0xc: {  	[smem:$0x3FA4] =	sst s4  }
0xd: {  	[smem:$0x3FA5] =	sst s5  }
0xe: {  	[smem:$0x3FA6] =	sst s6  }
0xf: {  	[smem:$0x3FA7] =	sst s7  }
0x10: {  	[smem:$0x3FA8] =	sst s8  }
0x11: {  	[smem:$0x3FA9] =	sst s9;
	s0 =	simm.s32 @!p0 $0x0  }
0x12: {  	s1 =	sld [smem:$0x3F8F];
	s0 =	simm.s32 @p0 $0x1  }
0x13: {  	[smem:$0x3FAA] =	sst s0;
	s0 =	simm.s32 @!p1 $0x0  }
0x14: {  	s2 =	sld [smem:$0x3F8E];
	s0 =	simm.s32 @p1 $0x1  }
0x15: {  	[smem:$0x3FAB] =	sst s0;
	s0 =	simm.s32 @!p2 $0x0  }
0x16: {  	s3 =	sld [smem:$0x3FDB];
	s0 =	simm.s32 @p2 $0x1  }
0x17: {  	s4 =	simm.s32 $0x1BF5;
	[smem:$0x3FAD] =	sst s0  }
0x18: {  	s0 =	sld [smem:$0x3F90];
	_ =	swait.ge [sflag:s4], $0x0  }
0x19: {  	s7 =	sld [smem:$0x3F91]  }
0x1a: {  	s8 =	sadd.s32 $0xFFFFE003, lr  }
0x1b: {  	s9 =	sadd.s32 $0xFFFFFEF7, lr;
	s5 =	simm.s32 $0xFFFFFFFF;
	p2 =	slt.u32 s8, $0xFFFFF086  }
0x1c: {  	p1 =	slt.u32 s9, $0xF7A;
	s5 =	simm.s32 @!p2 $0x0  }
0x1d: {  	s5 =	simm.s32 @p1 $0x1;
	p0 =	seq.s32 s7, s2  }
0x1e: {  	s7 =	smul.u32 @!p0 $0xF7A, s2;
	p2 =	seq.s32 @!p0 s5, $0x0  }
0x1f: {  	s9 =	smul.u32 $0xF7A, s1;
	s8 =	simm.s32 @!p0 $0x1BF5;
	p2 =	por !p2, p0  }
0x20: {  	[sflag:s8] =	ssyncset.s32 @!p0 $0xFFFFF086;
	s6 =	sadd.s32 @!p0 s3, s7;
	s7 =	simm.s32 @!p0 $0x108  }
0x21: {  	s3 =	sadd.s32 s3, s9;
	s6 =	sadd.s32 @!p0 $0x88, s6;
	s7 =	simm.s32 @p2 $0x1082  }
0x22: {  	[simem:s7], [sflag:s8] =	dma.local @!p0 [hbm:s6], $0xF7A  }
0x23: {  	s9 =	sor.u32 $0xD0000000, s2;
	s6 =	simm.s32 $0x108;
	_ =	swait.ge @!p0 [sflag:s8], $0x0  }
0x24: {  	s3 =	sadd.s32 $0x88, s3;
	s6 =	simm.s32 @!p1 $0x1082;
	[sflag:s4] =	ssyncset.s32 $0xFFFFF086  }
0x25: {  	[simem:s6], [sflag:s4] =	dma.local [hbm:s3], $0xF7A  }
0x26: {  	[smem:$0x3F91] =	sst s1;
	(tag) =	ssettag s2;
	_ =	strace s9  }
0x27: {  	s1 =	sld [smem:$0x3FA1]  }
0x28: {  	s2 =	sld [smem:$0x3FA2]  }
0x29: {  	s4 =	sld [smem:$0x3FA4]  }
0x2a: {  	p0 =	seq.s32 s5, $0x0;
	s5 =	sld [smem:$0x3FA5]  }
0x2b: {  	s6 =	sld [smem:$0x3FA6]  }
0x2c: {  	s7 =	sld [smem:$0x3FA7]  }
0x2d: {  	s3 =	simm.s32 $0x108;
	s8 =	sld [smem:$0x3FA8]  }
0x2e: {  	s3 =	simm.s32 @!p0 $0x1082;
	s9 =	sld [smem:$0x3FA9]  }
0x2f: {  	lr =	sadd.s32 s0, s3;
	s0 =	sld [smem:$0x3FA0]  }
0x30: {  	s3 =	sld [smem:$0x3FA3]  }
0x31: {  	[smem:$0x3FAC] =	sst s10  }
0x32: {  	s10 =	sld [smem:$0x3FAA];
	_ =	sdelay $0x3  }
0x33: {  	p0 =	seq.s32 s10, $0x1;
	s10 =	sld [smem:$0x3FAC];
	_ =	sdelay $0x3  }
0x34: {  	[smem:$0x3FAC] =	sst s10  }
0x35: {  	s10 =	sld [smem:$0x3FAB];
	_ =	sdelay $0x3  }
0x36: {  	p1 =	seq.s32 s10, $0x1;
	s10 =	sld [smem:$0x3FAC];
	_ =	sdelay $0x3  }
0x37: {  	[smem:$0x3FAC] =	sst s10  }
0x38: {  	s10 =	sld [smem:$0x3FAD]  }
0x39: {  	_ = 	snop;
	(pc) =	sbr.ind lr, $3  }
0x3a: {  	_ = 	snop  }
0x3b: {  	_ = 	snop  }
0x3c: {  	p2 =	seq.s32 s10, $0x1;
	s10 =	sld [smem:$0x3FAC]  }
0x3d: {  	_ =	shalt  }
0x3e: {  	_ =	shalt  }
0x3f: {  	_ =	shalt  }
0x40: {  	_ =	shalt  }
0x41: {  	_ =	shalt  }
0x42: {  	_ =	shalt  }
0x43: {  	_ =	shalt  }
0x44: {  	_ =	shalt  }
0x45: {  	_ =	shalt  }
0x46: {  	_ =	shalt  }
0x47: {  	_ =	shalt  }
0x48: {  	_ =	shalt  }
0x49: {  	_ =	shalt  }
0x4a: {  	_ =	shalt  }
0x4b: {  	_ =	shalt  }
0x4c: {  	_ =	shalt  }
0x4d: {  	_ =	shalt  }
0x4e: {  	_ =	shalt  }
0x4f: {  	_ =	shalt  }
0x50: {  	_ =	shalt  }
0x51: {  	_ =	shalt  }
0x52: {  	_ =	shalt  }
0x53: {  	_ =	shalt  }
0x54: {  	_ =	shalt  }
0x55: {  	_ =	shalt  }
0x56: {  	_ =	shalt  }
0x57: {  	_ =	shalt  }
0x58: {  	_ =	shalt  }
0x59: {  	_ =	shalt  }
0x5a: {  	_ =	shalt  }
0x5b: {  	_ =	shalt  }
0x5c: {  	_ =	shalt  }
0x5d: {  	_ =	shalt  }
0x5e: {  	_ =	shalt  }
0x5f: {  	_ =	shalt  }
0x60: {  	_ =	shalt  }
0x61: {  	_ =	shalt  }
0x62: {  	_ =	shalt  }
0x63: {  	_ =	shalt  }
0x64: {  	_ =	shalt  }
0x65: {  	_ =	shalt  }
0x66: {  	_ =	shalt  }
0x67: {  	_ =	shalt  }
0x68: {  	_ =	shalt  }
0x69: {  	_ =	shalt  }
0x6a: {  	_ =	shalt  }
0x6b: {  	_ =	shalt  }
0x6c: {  	_ =	shalt  }
0x6d: {  	_ =	shalt  }
0x6e: {  	_ =	shalt  }
0x6f: {  	_ =	shalt  }
0x70: {  	_ =	shalt  }
0x71: {  	_ =	shalt  }
0x72: {  	_ =	shalt  }
0x73: {  	_ =	shalt  }
0x74: {  	_ =	shalt  }
0x75: {  	_ =	shalt  }
0x76: {  	_ =	shalt  }
0x77: {  	_ =	shalt  }
0x78: {  	_ =	shalt  }
0x79: {  	_ =	shalt  }
0x7a: {  	_ =	shalt  }
0x7b: {  	_ =	shalt  }
0x7c: {  	_ =	shalt  }
0x7d: {  	_ =	shalt  }
0x7e: {  	_ =	shalt  }
0x7f: {  	_ =	shalt  }
0x80: {  	_ =	shalt  }
0x81: {  	_ =	shalt  }
0x82: {  	_ =	shalt  }
0x83: {  	_ =	shalt  }
0x84: {  	_ =	shalt  }
0x85: {  	_ =	shalt  }
0x86: {  	_ =	shalt  }
0x87: {  	_ =	shalt  }
.Lfunc_end0:
.L_simem_size_0:
called_computation.2_lowered:
.L_overlay_start_0:
0x88: {  	s2 =	sld [smem:$0x3FD9]  }
0x89: {  	s3 =	sld [smem:$0x3FFE];
	_ =	sdelay $0x1  }
0x8a: {  	s1 =	srdreg.scid  }
0x8b: {  	s0 =	sand.u32 $0x1, s1  }
0x8c: {  	s17 =	sshll.u32 s0, $0xA;
	s2 =	sadd.s32 s3, s2  }
0x8d: {  	s2 =	sadd.s32 s2, s17  }
0x8e: {  	[smem:$0x3FB8] =	sst s2  }
0x8f: {  	_ = 	snop  }
0x90: {  	s2 =	sld [smem:$0x3FC8];
	(tm) =	ssettm $0x1  }
0x91: {  	s18 =	sld [smem:$0x3FFB];
	_ =	sdelay $0x3  }
0x92: {  	_ =	strace s18  }
0x93: {  	s3 =	sld [smem:$0x3FFC];
	_ =	sdelay $0x3  }
0x94: {  	_ =	strace s3  }
0x95: {  	s3 =	sld [smem:$0x3FFD];
	_ =	sdelay $0x3  }
0x96: {  	_ =	strace s3  }
0x97: {  	_ =	strace $0x8FFFFFFF  }
0x98: {  	s19 =	sld [smem:$0x3FDB];
	_ =	sdelay $0x1  }
0x99: {  	s4 =	simm.s32 $_scs_section_size  }
0x9a: {  	s5 =	simm.s32 $_size__tile_overlayer_lowered;
	s6 =	simm.s32 $_tile_overlayer_lowered  }
0x9b: {  	s22 =	simm.s32 $0x1BFF;
	s21 =	sshll.u32 s6, $0x1;
	s3 =	sadd.s32 s4, s19  }
0x9c: {  	s7 =	simm.s32 $0x0;
	s20 =	sshll.u32 s5, $0x1;
	s5 =	sadd.s32 s21, s3  }
0x9d: {  	[timem:s7], [sflag:s22] =	dma.local [hbm:s5], s20  }
0x9e: {  	_ =	swait.ge [sflag:s22], s20  }
0x9f: {  	s4 =	ssub.s32 $0x0, s20;
	[sflag:s22] =	ssyncset.done $0x0  }
0xa0: {  	[sflag:s22] =	ssyncadd.s32 s4;
	_ =	sdelay $0x1  }
0xa1: {  	s23 =	simm.s32 $0x1B8B  }
0xa2: {  	_ =	swait.ge [sflag:s23], $0x1  }
0xa3: {  	[sflag:s23] =	ssyncset.done $0x0  }
0xa4: {  	s25 =	simm.s32 $0x1B8E;
	s24 =	sld [smem:$0x3FFE];
	[sflag:s23] =	ssyncadd.s32 $0xFFFFFFFF  }
0xa5: {  	s26 =	simm.s32 $execute0_lowered;
	[smem:$0x3FD2] =	sst s25  }
0xa6: {  	s5 =	sshll.u32 s26, $0x1;
	_ =	strace $0x8000004C;
	[dreg:$0x1] =	wrdreg $0xFFFFFFFF  }
0xa7: {  	s28 =	simm.s32 $_size_execute0_lowered;
	s3 =	sadd.s32 s3, s5;
	[dreg:$0x0] =	wrdreg $0x0  }
0xa8: {  	s5 =	sshll.u32 s28, $0x1;
	[dreg:$0x2] =	wrdreg s3  }
0xa9: {  	[dreg:$0x3] =	wrdreg s5  }
0xaa: {  	[dreg:$0x4] =	wrdreg $0xC0  }
0xab: {  	_ =	task [dreg:s7], $0x5FFFF  }
0xac: {  	[dreg:$0x1] =	wrdreg $0xFFFFFFFF  }
0xad: {  	[dreg:$0x0] =	wrdreg $0x60  }
0xae: {  	[dreg:$0x2] =	wrdreg s24  }
0xaf: {  	[dreg:$0x3] =	wrdreg s2  }
0xb0: {  	[dreg:$0x4] =	wrdreg $0xA9000  }
0xb1: {  	[dreg:$0x5] =	wrdreg $0x9  }
0xb2: {  	_ =	task.clear_ibuf [dreg:s7], $0x6FFFF;
	_ =	strace $0x9000004C  }
0xb3: {  	s29 =	simm.s32 $0x9;
	_ =	strace $0x8000004E  }
0xb4: {  	_ =	swait.ge [sflag:s29], $0x1  }
0xb5: {  	[sflag:s29] =	ssyncadd.s32 $0xFFFFFFFF  }
0xb6: {  	_ =	strace $0x9000004E  }
0xb7: {  	_ =	sfence  }
0xb8: {  	s30 =	sld [smem:$0x0];
	_ =	sdelay $0x2  }
0xb9: {  	s31 =	sshll.u32 s1, $0xD;
	s1 =	sshrl.u32 s1, $0x2  }
0xba: {  	s3 =	sand.u32 $0x4000, s31;
	s1 =	sadd.s32 s1, s30  }
0xbb: {  	s0 =	sor.u32 s3, s0;
	s1 =	sshll.u32 s1, $0x11  }
0xbc: {  	s0 =	sor.u32 s1, s0  }
0xbd: {  	s0 =	sadd.s32 $0x8F2B, s0  }
0xbe: {  	[sflag:s0] =	ssyncadd.remote.s32 $0x1  }
0xbf: {  	_ =	sfence.sel $0xFFFF  }
0xc0: {  	[dreg:$0x0] =	wrdreg $0xFFFFFFFF;
	(pc) =	sbr.abs _section_cstart, $3  }
0xc1: {  	[dreg:$0x1] =	wrdreg $0xFFFFFFFF  }
0xc2: {  	_ =	task.clear_ibuf [dreg:s7], $0x2FFFF;
	_ =	strace $0x9FFFFFFF  }
0xc3: {  	(tm) =	ssettm $0x7FFFFFFF  }
tec
execute0_lowered:
.L_overlay_start_1:
0x0: {  	(tag) =	ssettag $0x1  }
0x1: {  	s0 =	rddreg [dreg:$0x0]  }
0x2: {  	s1 =	rddreg [dreg:$0x1]  }
0x3: {  	s2 =	rddreg [dreg:$0x2]  }
0x4: {  	s4 =	srdreg.scid;
	s15 =	stileid.u32  }
0x5: {  	s3 =	simm.s32 $0x0;
	s28 =	simm.s32 $0x5;
	s29 =	simm.s32 $0x80  }
0x6: {  	s31 =	simm.s32 $0x2800;
	s30 =	simm.s32 $0x1;
	s7 =	sand.u32 $0x1, s4  }
0x7: {  	s18 =	sshll.u32 s15, $0x1;
	[smem:$0x7FF] =	sst s3;
	s8 =	smul.u32 $0x50000, s15  }
0x8: {  	s4 =	sadd.s32 $0x3400, s0;
	s0 =	sadd.s32 $0x2A600, s0;
	s12 =	smul.u32 $0x14000, s15  }
0x9: {  	p0 =	sgt.u32 s15, $0x1;
	s5 =	sor.u32 s7, s18;
	s11 =	smul.u32 $0x140000, s7  }
0xa: {  	_ =	strace $0x8000004D;
	s9 =	ssub.s32 $0x2, s7;
	s7 =	smul.u32 $0x9C0, s7  }
0xb: {  	s6 =	smul.u32 $0x4E, s5;
	s10 =	smin.u32 s5, $0x4;
	s19 =	sshrl.u32 s9, $0x1  }
0xc: {  	s20 =	sshrl.u32 s8, $0x2;
	s24 =	sadd.s32 $0x4000, s12;
	s26 =	sadd.s32 $0x8000, s12  }
0xd: {  	s9 =	ssub.s32 s9, s19;
	s5 =	sadd.s32 s20, s2;
	s21 =	sadd.s32 s11, s12  }
0xe: {  	s25 =	sadd.s32 s11, s24;
	s16 =	sadd.s32 s11, s26;
	s6 =	sadd.s32 s10, s6  }
0xf: {  	s8 =	sshrl.u32 s21, $0x3;
	s9 =	smax.u32 s9, $0x1;
	s14 =	sadd.s32 $0x4000, s5  }
0x10: {  	s17 =	sshrl.u32 s16, $0x3;
	s6 =	sshll.u32 s6, $0x5;
	[dreg:$0x8] =	wrdreg s9  }
0x11: {  	s8 =	sadd.s32 s0, s8;
	[dreg:$0x9] =	wrdreg s14;
	s9 =	sshrl.u32 s25, $0x3  }
0x12: {  	s6 =	sadd.s32 s1, s6;
	[dreg:$0x7] =	wrdreg s8;
	s9 =	sadd.s32 s0, s9  }
0x13: {  	s21 =	sshll.u32 s10, $0x5;
	s13 =	sadd.s32 $0x9C0, s6;
	[dreg:$0xa] =	wrdreg s9  }
0x14: {  	s10 =	simm.s32 $0x0;
	s22 =	sadd.s32 $0x10, s6;
	[dreg:$0x4] =	wrdreg s13  }
0x15: {  	s8 =	simm.s32 $0x2;
	s23 =	sadd.s32 $0x30, s6;
	[dreg:$0x5] =	wrdreg s22  }
0x16: {  	s9 =	sadd.s32 s0, s17;
	s17 =	sadd.s32 $0x8000, s5;
	[dreg:$0x6] =	wrdreg s23  }
0x17: {  	s22 =	sadd.s32 $0xC000, s12;
	[dreg:$0xb] =	wrdreg s9;
	s12 =	sadd.s32 $0x10000, s12  }
0x18: {  	s23 =	sadd.s32 s24, s2;
	s24 =	sadd.s32 s26, s2;
	s18 =	sadd.s32 s11, s22  }
0x19: {  	s11 =	sadd.s32 s11, s12;
	s25 =	sadd.s32 s22, s2;
	s26 =	sadd.s32 s12, s2  }
0x1a: {  	s22 =	sshrl.u32 s23, $0x3;
	s23 =	sshrl.u32 s24, $0x3;
	s9 =	sshrl.u32 s18, $0x3  }
0x1b: {  	s18 =	smul.u32 $0x1380, s15;
	s19 =	sshrl.u32 s11, $0x3;
	s24 =	sshrl.u32 s25, $0x3  }
0x1c: {  	s25 =	sshrl.u32 s26, $0x3;
	s26 =	simm.s32 $0x2900;
	s9 =	sadd.s32 s0, s9  }
0x1d: {  	s16 =	sadd.s32 s0, s19;
	s19 =	sadd.s32 $0x10000, s5;
	[dreg:$0xc] =	wrdreg s9  }
0x1e: {  	s20 =	sadd.s32 s18, s1;
	s18 =	sadd.s32 $0xC000, s5;
	s1 =	simm.s32 $0x2880  }
0x1f: {  	s9 =	simm.s32 $0x4;
	s0 =	sadd.s32 s7, s20;
	s7 =	simm.s32 $0x3  }
0x20: {  	v0 =	vimm.f32 $0.0e+00;
	s20 =	sadd.s32 s21, s0;
	s21 =	sadd.s32 $0x9D0, s6;
	s0 =	simm.s32 $0x6900  }
.LBB2_1:
0x21: {  	s11 =	simm.s32 $0x0;
	s12 =	simm.s32 $0x200  }
.LBB2_2:
0x22: {  	p1 =	sne.s32 s12, $0xFE00;
	[tilespmem:s11+$0x2970] =	vst v0  }
0x23: {  	[tilespmem:s11+$0x2900] =	vst v0  }
0x24: {  	[tilespmem:s11+$0x2910] =	vst v0  }
.Ltmp0:
0x25: {  	[tilespmem:s11+$0x2920] =	vst v0;
	(pc) =	sbr.rel @p1 .LBB2_2-.Ltmp0, $4  }
0x26: {  	[tilespmem:s11+$0x2930] =	vst v0  }
0x27: {  	[tilespmem:s11+$0x2940] =	vst v0  }
0x28: {  	[tilespmem:s11+$0x2950] =	vst v0  }
0x29: {  	[tilespmem:s11+$0x2960] =	vst v0;
	s11 =	sshra.s32 s12, $0x2;
	s12 =	sadd.s32 $0x200, s12  }
0x2a: {  	[tilespmem:s11+$0x2970] =	vst v0  }
0x2b: {  	[tilespmem:s11+$0x2900] =	vst v0  }
0x2c: {  	[tilespmem:s11+$0x2910] =	vst v0  }
0x2d: {  	[tilespmem:s11+$0x2920] =	vst v0  }
0x2e: {  	[tilespmem:s11+$0x2930] =	vst v0  }
0x2f: {  	[tilespmem:s11+$0x2940] =	vst v0  }
0x30: {  	[tilespmem:s11+$0x2950] =	vst v0  }
0x31: {  	[tilespmem:s11+$0x2960] =	vst v0  }
0x32: {  	[spmem:s5] =	stream.linear.scatter [tilespmem:s26], [sflag:$0x5], $0x4000, $0x38;
	[tilespmem:$0x1E900] =	vst v63  }
0x33: {  	_ =	swait.ge [sflag:s28], $0x4000  }
0x34: {  	[sflag:s28] =	ssyncset.done $0x0  }
0x35: {  	s15 =	rddreg [dreg:$0x9];
	[sflag:s28] =	ssyncadd.s32 $0xFFFFC000  }
0x36: {  	[spmem:s15] =	stream.linear.scatter [tilespmem:s26], [sflag:$0x5], $0x4000, $0x38;
	[tilespmem:$0x1E900] =	vst v63  }
0x37: {  	_ =	swait.ge [sflag:s28], $0x4000  }
0x38: {  	[sflag:s28] =	ssyncset.done $0x0  }
0x39: {  	[sflag:s28] =	ssyncadd.s32 $0xFFFFC000  }
0x3a: {  	[spmem:s17] =	stream.linear.scatter [tilespmem:s26], [sflag:$0x5], $0x4000, $0x38;
	[tilespmem:$0x1E900] =	vst v63  }
0x3b: {  	_ =	swait.ge [sflag:s28], $0x4000  }
0x3c: {  	[sflag:s28] =	ssyncset.done $0x0  }
0x3d: {  	[sflag:s28] =	ssyncadd.s32 $0xFFFFC000  }
0x3e: {  	[spmem:s18] =	stream.linear.scatter [tilespmem:s26], [sflag:$0x5], $0x4000, $0x38;
	[tilespmem:$0x1E900] =	vst v63  }
0x3f: {  	_ =	swait.ge [sflag:s28], $0x4000  }
0x40: {  	[sflag:s28] =	ssyncset.done $0x0  }
0x41: {  	[sflag:s28] =	ssyncadd.s32 $0xFFFFC000  }
0x42: {  	[spmem:s19] =	stream.linear.scatter [tilespmem:s26], [sflag:$0x5], $0x4000, $0x38;
	[tilespmem:$0x1E900] =	vst v63  }
0x43: {  	_ =	swait.ge [sflag:s28], $0x4000  }
0x44: {  	[sflag:s28] =	ssyncset.done $0x0  }
0x45: {  	s12 =	simm.s32 $0x100;
	[sflag:s28] =	ssyncadd.s32 $0xFFFFC000  }
0x46: {  	[tilespmem:s3], [sflag:$0x5] =	stream.strided.gather [hbm4b:s6+s29], $0x2700, s12, s29, $0x38;
	[tilespmem:$0x1E900] =	vst v63  }
0x47: {  	_ =	swait.ge [sflag:s28], $0x2700  }
0x48: {  	s11 =	simm.s32 @!p0 $0x0;
	[sflag:s28] =	ssyncset.done $0x0  }
0x49: {  	s12 =	simm.s32 @!p0 $0x2700;
	s13 =	rddreg [dreg:$0x4];
	[sflag:s28] =	ssyncadd.s32 $0xFFFFD900  }
0x4a: {  	[tilespmem:s12], [sflag:$0x5] =	stream.linear.gather @!p0 [hbm4b:s13+s11], $0x80, $0x38;
	[tilespmem:$0x1E900] =	vst v63  }
0x4b: {  	s11 =	simm.s32 @!p0 $0x5  }
0x4c: {  	_ =	swait.ge @!p0 [sflag:s11], $0x80  }
0x4d: {  	[sflag:s11] =	ssyncset.done @!p0 $0x0  }
0x4e: {  	[sflag:s11] =	ssyncadd.s32 @!p0 $0xFFFFFF80  }
0x4f: {  	s13 =	simm.s32 $0x0;
	[bflag:$0x0] =	sbarrier.arrive $0xFFFF  }
0x50: {  	[tilespmem:s26], [sflag:$0x1] =	stream.indirect.gather [hbm4b:s4+s29], $0x80, s13, s29, $0xb8;
	[tilespmem:$0x1E900] =	vst v63  }
0x51: {  	s14 =	rddreg [dreg:$0x5]  }
0x52: {  	[tilespmem:s31], [sflag:$0x3] =	stream.linear.gather [hbm4b:s14+s13], $0x80, $0x38;
	[tilespmem:$0x1E900] =	vst v63  }
0x53: {  	_ = 	snop  }
0x54: {  	[tilespmem:s0], [sflag:$0x2] =	stream.indirect.gather [hbm4b:s4+s29], $0x80, s29, s29, $0xb8;
	[tilespmem:$0x1E900] =	vst v63  }
0x55: {  	s15 =	rddreg [dreg:$0x6]  }
0x56: {  	[tilespmem:s1], [sflag:$0x4] =	stream.linear.gather [hbm4b:s15+s13], $0x80, $0x38;
	[tilespmem:$0x1E900] =	vst v63  }
0x57: {  	_ =	swait.ge [sflag:s30], $0x4000  }
0x58: {  	[sflag:s30] =	ssyncset.done $0x0  }
0x59: {  	[sflag:s30] =	ssyncadd.s32 $0xFFFFC000  }
0x5a: {  	_ =	swait.ge [sflag:s7], $0x80  }
0x5b: {  	[sflag:s7] =	ssyncset.done $0x0  }
0x5c: {  	[sflag:s7] =	ssyncadd.s32 $0xFFFFFF80  }
0x5d: {  	[spmem:s2] =	stream.indirect.scatter.add.f32 [tilespmem:s26], [sflag:$0x5], $0x80, s31, s29, $0xb8;
	[tilespmem:$0x1E900] =	vst v63  }
0x5e: {  	_ =	swait.ge [sflag:s28], $0x4000  }
0x5f: {  	[sflag:s28] =	ssyncset.done $0x0  }
0x60: {  	s12 =	simm.s32 $0x100;
	s13 =	sadd.s32 $0xFFFFF680, s20;
	[sflag:s28] =	ssyncadd.s32 $0xFFFFC000  }
0x61: {  	[tilespmem:s26], [sflag:$0x1] =	stream.indirect.gather [hbm4b:s4+s29], $0x80, s12, s29, $0xb8;
	[tilespmem:$0x1E900] =	vst v63  }
0x62: {  	s14 =	sadd.s32 $0x9D0, s13  }
0x63: {  	[tilespmem:s31], [sflag:$0x3] =	stream.linear.gather [hbm4b:s14+s3], $0x80, $0x38;
	[tilespmem:$0x1E900] =	vst v63  }
0x64: {  	_ =	swait.ge [sflag:s8], $0x4000  }
0x65: {  	[sflag:s8] =	ssyncset.done $0x0  }
0x66: {  	[sflag:s8] =	ssyncadd.s32 $0xFFFFC000  }
0x67: {  	_ =	swait.ge [sflag:s9], $0x80  }
0x68: {  	[sflag:s9] =	ssyncset.done $0x0  }
0x69: {  	[sflag:s9] =	ssyncadd.s32 $0xFFFFFF80  }
0x6a: {  	[spmem:s2] =	stream.indirect.scatter.add.f32 [tilespmem:s0], [sflag:$0x5], $0x80, s1, s29, $0xb8;
	[tilespmem:$0x1E900] =	vst v63  }
0x6b: {  	_ =	swait.ge [sflag:s28], $0x4000  }
0x6c: {  	s11 =	simm.s32 $0x400;
	s15 =	simm.s32 $0x180;
	[sflag:s28] =	ssyncset.done $0x0  }
0x6d: {  	s13 =	sadd.s32 $0x9F0, s13;
	s12 =	simm.s32 $0xFFFFF6C0;
	[sflag:s28] =	ssyncadd.s32 $0xFFFFC000  }
0x6e: {  	[tilespmem:s0], [sflag:$0x2] =	stream.indirect.gather [hbm4b:s4+s29], $0x80, s15, s29, $0xb8;
	[tilespmem:$0x1E900] =	vst v63  }
.LBB2_4:
0x6f: {  	[tilespmem:s1], [sflag:$0x4] =	stream.linear.gather [hbm4b:s13+s3], $0x80, $0x38;
	[tilespmem:$0x1E900] =	vst v63  }
0x70: {  	s13 =	smov.u32 s11  }
0x71: {  	p1 =	sne.s32 s11, $0x9400;
	s11 =	sadd.s32 $0x400, s11;
	_ =	swait.ge [sflag:s30], $0x4000  }
0x72: {  	[sflag:s30] =	ssyncset.done $0x0  }
0x73: {  	[sflag:s30] =	ssyncadd.s32 $0xFFFFC000  }
0x74: {  	_ =	swait.ge [sflag:s7], $0x80  }
0x75: {  	[sflag:s7] =	ssyncset.done $0x0  }
0x76: {  	[sflag:s7] =	ssyncadd.s32 $0xFFFFFF80  }
0x77: {  	[spmem:s2] =	stream.indirect.scatter.add.f32 [tilespmem:s26], [sflag:$0x5], $0x80, s31, s29, $0xb8;
	[tilespmem:$0x1E900] =	vst v63  }
0x78: {  	_ =	swait.ge [sflag:s28], $0x4000  }
0x79: {  	s13 =	sshra.s32 s13, $0x2;
	[sflag:s28] =	ssyncset.done $0x0  }
0x7a: {  	s15 =	sadd.s32 s12, s20;
	s14 =	sadd.s32 $0x100, s13;
	[sflag:s28] =	ssyncadd.s32 $0xFFFFC000  }
0x7b: {  	[tilespmem:s26], [sflag:$0x1] =	stream.indirect.gather [hbm4b:s4+s29], $0x80, s14, s29, $0xb8;
	[tilespmem:$0x1E900] =	vst v63  }
0x7c: {  	s14 =	sadd.s32 $0x9D0, s15  }
0x7d: {  	[tilespmem:s31], [sflag:$0x3] =	stream.linear.gather [hbm4b:s14+s3], $0x80, $0x38;
	[tilespmem:$0x1E900] =	vst v63  }
0x7e: {  	_ =	swait.ge [sflag:s8], $0x4000  }
0x7f: {  	[sflag:s8] =	ssyncset.done $0x0  }
0x80: {  	[sflag:s8] =	ssyncadd.s32 $0xFFFFC000  }
0x81: {  	_ =	swait.ge [sflag:s9], $0x80  }
0x82: {  	[sflag:s9] =	ssyncset.done $0x0  }
0x83: {  	[sflag:s9] =	ssyncadd.s32 $0xFFFFFF80  }
0x84: {  	[spmem:s2] =	stream.indirect.scatter.add.f32 [tilespmem:s0], [sflag:$0x5], $0x80, s1, s29, $0xb8;
	[tilespmem:$0x1E900] =	vst v63  }
.Ltmp1:
0x85: {  	_ =	swait.ge [sflag:s28], $0x4000;
	(pc) =	sbr.rel @p1 .LBB2_4-.Ltmp1, $4  }
0x86: {  	[sflag:s28] =	ssyncset.done $0x0  }
0x87: {  	s13 =	sadd.s32 $0x180, s13;
	[sflag:s28] =	ssyncadd.s32 $0xFFFFC000  }
0x88: {  	[tilespmem:s0], [sflag:$0x2] =	stream.indirect.gather [hbm4b:s4+s29], $0x80, s13, s29, $0xb8;
	[tilespmem:$0x1E900] =	vst v63  }
0x89: {  	s12 =	sadd.s32 $0x40, s12;
	s13 =	sadd.s32 $0x9F0, s15  }
0x8a: {  	[tilespmem:s1], [sflag:$0x4] =	stream.linear.gather [hbm4b:s13+s3], $0x80, $0x38;
	[tilespmem:$0x1E900] =	vst v63  }
0x8b: {  	_ =	swait.ge [sflag:s30], $0x4000  }
0x8c: {  	[sflag:s30] =	ssyncset.done $0x0  }
0x8d: {  	[sflag:s30] =	ssyncadd.s32 $0xFFFFC000  }
0x8e: {  	_ =	swait.ge [sflag:s7], $0x80  }
0x8f: {  	[sflag:s7] =	ssyncset.done $0x0  }
0x90: {  	[sflag:s7] =	ssyncadd.s32 $0xFFFFFF80  }
0x91: {  	[spmem:s2] =	stream.indirect.scatter.add.f32 [tilespmem:s26], [sflag:$0x5], $0x80, s31, s29, $0xb8;
	[tilespmem:$0x1E900] =	vst v63  }
0x92: {  	_ =	swait.ge [sflag:s28], $0x4000  }
0x93: {  	[sflag:s28] =	ssyncset.done $0x0  }
0x94: {  	s11 =	simm.s32 @p0 $0x2;
	[sflag:s28] =	ssyncadd.s32 $0xFFFFC000  }
0x95: {  	_ =	swait.ge @p0 [sflag:s11], $0x4000  }
0x96: {  	[sflag:s11] =	ssyncset.done @p0 $0x0  }
0x97: {  	[sflag:s11] =	ssyncadd.s32 @p0 $0xFFFFC000;
	s11 =	simm.s32 @p0 $0x4  }
0x98: {  	_ =	swait.ge @p0 [sflag:s11], $0x80  }
0x99: {  	s12 =	simm.s32 @p0 $0x2880;
	[sflag:s11] =	ssyncset.done @p0 $0x0  }
0x9a: {  	s13 =	simm.s32 @p0 $0x6900;
	[sflag:s11] =	ssyncadd.s32 @p0 $0xFFFFFF80;
	s11 =	simm.s32 @p0 $0x80  }
0x9b: {  	[spmem:s2] =	stream.indirect.scatter.add.f32 @p0 [tilespmem:s13], [sflag:$0x5], $0x80, s12, s11, $0xb8;
	[tilespmem:$0x1E900] =	vst v63  }
0x9c: {  	s11 =	simm.s32 @!p0 $0x80;
	s12 =	simm.s32 @!p0 $0x2700;
	s13 =	simm.s32 @!p0 $0x2900  }
0x9d: {  	[tilespmem:s13], [sflag:$0x1] =	stream.indirect.gather @!p0 [hbm4b:s4+s11], $0x80, s12, s11, $0xb8;
	[tilespmem:$0x1E900] =	vst v63  }
0x9e: {  	s14 =	simm.s32 @!p0 $0x2800;
	s12 =	simm.s32 @!p0 $0x0  }
0x9f: {  	[tilespmem:s14], [sflag:$0x3] =	stream.linear.gather @!p0 [hbm4b:s21+s12], $0x80, $0x38;
	[tilespmem:$0x1E900] =	vst v63  }
0xa0: {  	s12 =	simm.s32 @!p0 $0x2  }
0xa1: {  	_ =	swait.ge @!p0 [sflag:s12], $0x4000  }
0xa2: {  	[sflag:s12] =	ssyncset.done @!p0 $0x0  }
0xa3: {  	[sflag:s12] =	ssyncadd.s32 @!p0 $0xFFFFC000;
	s12 =	simm.s32 @!p0 $0x4  }
0xa4: {  	_ =	swait.ge @!p0 [sflag:s12], $0x80  }
0xa5: {  	[sflag:s12] =	ssyncset.done @!p0 $0x0  }
0xa6: {  	s15 =	simm.s32 @!p0 $0x6900;
	[sflag:s12] =	ssyncadd.s32 @!p0 $0xFFFFFF80;
	s12 =	simm.s32 @!p0 $0x2880  }
0xa7: {  	[spmem:s2] =	stream.indirect.scatter.add.f32 @!p0 [tilespmem:s15], [sflag:$0x5], $0x80, s12, s11, $0xb8;
	[tilespmem:$0x1E900] =	vst v63  }
0xa8: {  	s12 =	simm.s32 @!p0 $0x5  }
0xa9: {  	_ =	swait.ge @!p0 [sflag:s12], $0x4000  }
0xaa: {  	[sflag:s12] =	ssyncset.done @!p0 $0x0  }
0xab: {  	[sflag:s12] =	ssyncadd.s32 @!p0 $0xFFFFC000;
	s12 =	simm.s32 @!p0 $0x1  }
0xac: {  	_ =	swait.ge @!p0 [sflag:s12], $0x4000  }
0xad: {  	[sflag:s12] =	ssyncset.done @!p0 $0x0  }
0xae: {  	[sflag:s12] =	ssyncadd.s32 @!p0 $0xFFFFC000;
	s12 =	simm.s32 @!p0 $0x3  }
0xaf: {  	_ =	swait.ge @!p0 [sflag:s12], $0x80  }
0xb0: {  	[sflag:s12] =	ssyncset.done @!p0 $0x0  }
0xb1: {  	[sflag:s12] =	ssyncadd.s32 @!p0 $0xFFFFFF80  }
0xb2: {  	[spmem:s2] =	stream.indirect.scatter.add.f32 @!p0 [tilespmem:s13], [sflag:$0x5], $0x80, s14, s11, $0xb8;
	[tilespmem:$0x1E900] =	vst v63  }
0xb3: {  	_ =	swait.ge [sflag:s28], $0x4000  }
0xb4: {  	[sflag:s28] =	ssyncset.done $0x0  }
0xb5: {  	s12 =	stileid.u32;
	[sflag:s28] =	ssyncadd.s32 $0xFFFFC000  }
0xb6: {  	s11 =	sshll.u32 s12, $0x6;
	[bflag:$0x0] =	sbarrier.arrive $0xFFFF  }
0xb7: {  	s13 =	sshrl.u32 s5, $0x3;
	s11 =	sor.u32 $0x1C05, s11;
	s14 =	rddreg [dreg:$0x7]  }
0xb8: {  	[hbm:s14], [sflag:s11] =	dma.local [spmem:s13], $0x800  }
0xb9: {  	_ =	swait.ge [sflag:s28], $0x800  }
0xba: {  	[sflag:s28] =	ssyncset.done $0x0  }
0xbb: {  	s15 =	rddreg [dreg:$0xa];
	[sflag:s28] =	ssyncadd.s32 $0xFFFFF800  }
0xbc: {  	[hbm:s15], [sflag:s11] =	dma.local [spmem:s22], $0x800  }
0xbd: {  	_ =	swait.ge [sflag:s28], $0x800  }
0xbe: {  	[sflag:s28] =	ssyncset.done $0x0  }
0xbf: {  	s13 =	rddreg [dreg:$0xb];
	[sflag:s28] =	ssyncadd.s32 $0xFFFFF800  }
0xc0: {  	[hbm:s13], [sflag:s11] =	dma.local [spmem:s23], $0x800  }
0xc1: {  	_ =	swait.ge [sflag:s28], $0x800  }
0xc2: {  	[sflag:s28] =	ssyncset.done $0x0  }
0xc3: {  	s14 =	rddreg [dreg:$0xc];
	[sflag:s28] =	ssyncadd.s32 $0xFFFFF800  }
0xc4: {  	[hbm:s14], [sflag:s11] =	dma.local [spmem:s24], $0x800  }
0xc5: {  	_ =	swait.ge [sflag:s28], $0x800  }
0xc6: {  	[sflag:s28] =	ssyncset.done $0x0  }
0xc7: {  	[sflag:s28] =	ssyncadd.s32 $0xFFFFF800  }
0xc8: {  	[hbm:s16], [sflag:s11] =	dma.local [spmem:s25], $0x800  }
0xc9: {  	_ =	swait.ge [sflag:s28], $0x800  }
0xca: {  	s10 =	sadd.s32 $0x1, s10;
	s15 =	rddreg [dreg:$0x8]  }
0xcb: {  	p1 =	sne.s32 s10, s15  }
.Ltmp2:
0xcc: {  	_ = 	snop;
	(pc) =	sbr.rel @p1 .LBB2_1-.Ltmp2, $3  }
0xcd: {  	_ =	sdelay $0x1  }
0xce: {  	[sflag:s28] =	ssyncset.done $0x0  }
0xcf: {  	[sflag:s28] =	ssyncadd.s32 $0xFFFFF800  }
0xd0: {  	_ =	sfence.sel $0x180000  }
0xd1: {  	[bflag:$0x0] =	sbarrier.arrive $0xFFFF  }
0xd2: {  	_ =	strace $0x9000004D  }
0xd3: {  	s0 =	stileid.u32;
	[bflag:$0x2] =	sbarrier.arrive $0xFFFF  }
0xd4: {  	p0 =	sne.s32 s0, $0x0;
	s0 =	rddreg [dreg:$0x3]  }
0xd5: {  	s0 =	sadd.s32 @!p0 $0x100000, s0  }
0xd6: {  	[sflag:s0] =	ssyncadd.tile.s32 @!p0 $0x1;
	_ =	shalt  }
.Lfunc_end2:
_tile_overlayer_lowered:
.L_overlay_start_2:
0xd7: {  	(tag) =	ssettag $0x2  }
0xd8: {  	s0 =	rddreg [dreg:$0x0];
	s2 =	stileid.u32  }
0xd9: {  	s1 =	rddreg [dreg:$0x1];
	p0 =	sne.s32 s2, $0x0  }
0xda: {  	s3 =	rddreg [dreg:$0x2];
	[bflag:$0x3] =	sbarrier.arrive $0xFFFF;
	s2 =	simm.s32 @!p0 $0x1C05  }
0xdb: {  	[timem:s3], [sflag:s2] =	dma.local @!p0 [hbm:s0], s1  }
0xdc: {  	s0 =	simm.s32 @!p0 $0x5  }
0xdd: {  	_ =	swait.ge @!p0 [sflag:s0], s1  }
0xde: {  	s1 =	ssub.s32 @!p0 $0x0, s1;
	[sflag:s0] =	ssyncset.done @!p0 $0x0  }
0xdf: {  	[sflag:s0] =	ssyncadd.s32 @!p0 s1  }
0xe0: {  	[bflag:$0x3] =	sbarrier.arrive $0xFFFF  }
0xe1: {  	_ =	shalt  }

// kernel: kernel.8.cloned.1.call-start
scs
__scs_entry_jumppad:
0x0: {  	(pc) =	sbr.rel $0x88, $3  }
0x1: {  	(tag) =	ssettag $0x0;
	lr =	simm.s32 $0x1  }
0x2: {  	[smem:$0x3F91] =	sst lr;
	_ =	strace $0xD0000000  }
0x3: {  	_ = 	snop  }
0x4: {  	_ = 	snop  }
0x5: {  	_ = 	snop  }
0x6: {  	_ = 	snop  }
0x7: {  	_ = 	snop  }
__scs_overlays_trampoline_lowered:
0x8: {  	[smem:$0x3FA0] =	sst s0  }
0x9: {  	[smem:$0x3FA1] =	sst s1  }
0xa: {  	[smem:$0x3FA2] =	sst s2  }
0xb: {  	[smem:$0x3FA3] =	sst s3  }
0xc: {  	[smem:$0x3FA4] =	sst s4  }
0xd: {  	[smem:$0x3FA5] =	sst s5  }
0xe: {  	[smem:$0x3FA6] =	sst s6  }
0xf: {  	[smem:$0x3FA7] =	sst s7  }
0x10: {  	[smem:$0x3FA8] =	sst s8  }
0x11: {  	[smem:$0x3FA9] =	sst s9;
	s0 =	simm.s32 @!p0 $0x0  }
0x12: {  	s1 =	sld [smem:$0x3F8F];
	s0 =	simm.s32 @p0 $0x1  }
0x13: {  	[smem:$0x3FAA] =	sst s0;
	s0 =	simm.s32 @!p1 $0x0  }
0x14: {  	s2 =	sld [smem:$0x3F8E];
	s0 =	simm.s32 @p1 $0x1  }
0x15: {  	[smem:$0x3FAB] =	sst s0;
	s0 =	simm.s32 @!p2 $0x0  }
0x16: {  	s3 =	sld [smem:$0x3FDB];
	s0 =	simm.s32 @p2 $0x1  }
0x17: {  	s4 =	simm.s32 $0x1BF5;
	[smem:$0x3FAD] =	sst s0  }
0x18: {  	s0 =	sld [smem:$0x3F90];
	_ =	swait.ge [sflag:s4], $0x0  }
0x19: {  	s7 =	sld [smem:$0x3F91]  }
0x1a: {  	s8 =	sadd.s32 $0xFFFFE003, lr  }
0x1b: {  	s9 =	sadd.s32 $0xFFFFFEF7, lr;
	s5 =	simm.s32 $0xFFFFFFFF;
	p2 =	slt.u32 s8, $0xFFFFF086  }
0x1c: {  	p1 =	slt.u32 s9, $0xF7A;
	s5 =	simm.s32 @!p2 $0x0  }
0x1d: {  	s5 =	simm.s32 @p1 $0x1;
	p0 =	seq.s32 s7, s2  }
0x1e: {  	s7 =	smul.u32 @!p0 $0xF7A, s2;
	p2 =	seq.s32 @!p0 s5, $0x0  }
0x1f: {  	s9 =	smul.u32 $0xF7A, s1;
	s8 =	simm.s32 @!p0 $0x1BF5;
	p2 =	por !p2, p0  }
0x20: {  	[sflag:s8] =	ssyncset.s32 @!p0 $0xFFFFF086;
	s6 =	sadd.s32 @!p0 s3, s7;
	s7 =	simm.s32 @!p0 $0x108  }
0x21: {  	s3 =	sadd.s32 s3, s9;
	s6 =	sadd.s32 @!p0 $0x88, s6;
	s7 =	simm.s32 @p2 $0x1082  }
0x22: {  	[simem:s7], [sflag:s8] =	dma.local @!p0 [hbm:s6], $0xF7A  }
0x23: {  	s9 =	sor.u32 $0xD0000000, s2;
	s6 =	simm.s32 $0x108;
	_ =	swait.ge @!p0 [sflag:s8], $0x0  }
0x24: {  	s3 =	sadd.s32 $0x88, s3;
	s6 =	simm.s32 @!p1 $0x1082;
	[sflag:s4] =	ssyncset.s32 $0xFFFFF086  }
0x25: {  	[simem:s6], [sflag:s4] =	dma.local [hbm:s3], $0xF7A  }
0x26: {  	[smem:$0x3F91] =	sst s1;
	(tag) =	ssettag s2;
	_ =	strace s9  }
0x27: {  	s1 =	sld [smem:$0x3FA1]  }
0x28: {  	s2 =	sld [smem:$0x3FA2]  }
0x29: {  	s4 =	sld [smem:$0x3FA4]  }
0x2a: {  	p0 =	seq.s32 s5, $0x0;
	s5 =	sld [smem:$0x3FA5]  }
0x2b: {  	s6 =	sld [smem:$0x3FA6]  }
0x2c: {  	s7 =	sld [smem:$0x3FA7]  }
0x2d: {  	s3 =	simm.s32 $0x108;
	s8 =	sld [smem:$0x3FA8]  }
0x2e: {  	s3 =	simm.s32 @!p0 $0x1082;
	s9 =	sld [smem:$0x3FA9]  }
0x2f: {  	lr =	sadd.s32 s0, s3;
	s0 =	sld [smem:$0x3FA0]  }
0x30: {  	s3 =	sld [smem:$0x3FA3]  }
0x31: {  	[smem:$0x3FAC] =	sst s10  }
0x32: {  	s10 =	sld [smem:$0x3FAA];
	_ =	sdelay $0x3  }
0x33: {  	p0 =	seq.s32 s10, $0x1;
	s10 =	sld [smem:$0x3FAC];
	_ =	sdelay $0x3  }
0x34: {  	[smem:$0x3FAC] =	sst s10  }
0x35: {  	s10 =	sld [smem:$0x3FAB];
	_ =	sdelay $0x3  }
0x36: {  	p1 =	seq.s32 s10, $0x1;
	s10 =	sld [smem:$0x3FAC];
	_ =	sdelay $0x3  }
0x37: {  	[smem:$0x3FAC] =	sst s10  }
0x38: {  	s10 =	sld [smem:$0x3FAD]  }
0x39: {  	_ = 	snop;
	(pc) =	sbr.ind lr, $3  }
0x3a: {  	_ = 	snop  }
0x3b: {  	_ = 	snop  }
0x3c: {  	p2 =	seq.s32 s10, $0x1;
	s10 =	sld [smem:$0x3FAC]  }
0x3d: {  	_ =	shalt  }
0x3e: {  	_ =	shalt  }
0x3f: {  	_ =	shalt  }
0x40: {  	_ =	shalt  }
0x41: {  	_ =	shalt  }
0x42: {  	_ =	shalt  }
0x43: {  	_ =	shalt  }
0x44: {  	_ =	shalt  }
0x45: {  	_ =	shalt  }
0x46: {  	_ =	shalt  }
0x47: {  	_ =	shalt  }
0x48: {  	_ =	shalt  }
0x49: {  	_ =	shalt  }
0x4a: {  	_ =	shalt  }
0x4b: {  	_ =	shalt  }
0x4c: {  	_ =	shalt  }
0x4d: {  	_ =	shalt  }
0x4e: {  	_ =	shalt  }
0x4f: {  	_ =	shalt  }
0x50: {  	_ =	shalt  }
0x51: {  	_ =	shalt  }
0x52: {  	_ =	shalt  }
0x53: {  	_ =	shalt  }
0x54: {  	_ =	shalt  }
0x55: {  	_ =	shalt  }
0x56: {  	_ =	shalt  }
0x57: {  	_ =	shalt  }
0x58: {  	_ =	shalt  }
0x59: {  	_ =	shalt  }
0x5a: {  	_ =	shalt  }
0x5b: {  	_ =	shalt  }
0x5c: {  	_ =	shalt  }
0x5d: {  	_ =	shalt  }
0x5e: {  	_ =	shalt  }
0x5f: {  	_ =	shalt  }
0x60: {  	_ =	shalt  }
0x61: {  	_ =	shalt  }
0x62: {  	_ =	shalt  }
0x63: {  	_ =	shalt  }
0x64: {  	_ =	shalt  }
0x65: {  	_ =	shalt  }
0x66: {  	_ =	shalt  }
0x67: {  	_ =	shalt  }
0x68: {  	_ =	shalt  }
0x69: {  	_ =	shalt  }
0x6a: {  	_ =	shalt  }
0x6b: {  	_ =	shalt  }
0x6c: {  	_ =	shalt  }
0x6d: {  	_ =	shalt  }
0x6e: {  	_ =	shalt  }
0x6f: {  	_ =	shalt  }
0x70: {  	_ =	shalt  }
0x71: {  	_ =	shalt  }
0x72: {  	_ =	shalt  }
0x73: {  	_ =	shalt  }
0x74: {  	_ =	shalt  }
0x75: {  	_ =	shalt  }
0x76: {  	_ =	shalt  }
0x77: {  	_ =	shalt  }
0x78: {  	_ =	shalt  }
0x79: {  	_ =	shalt  }
0x7a: {  	_ =	shalt  }
0x7b: {  	_ =	shalt  }
0x7c: {  	_ =	shalt  }
0x7d: {  	_ =	shalt  }
0x7e: {  	_ =	shalt  }
0x7f: {  	_ =	shalt  }
0x80: {  	_ =	shalt  }
0x81: {  	_ =	shalt  }
0x82: {  	_ =	shalt  }
0x83: {  	_ =	shalt  }
0x84: {  	_ =	shalt  }
0x85: {  	_ =	shalt  }
0x86: {  	_ =	shalt  }
0x87: {  	_ =	shalt  }
.Lfunc_end0:
.L_simem_size_0:
called_computation_lowered:
.L_overlay_start_0:
0x88: {  	s2 =	sld [smem:$0x3FD9]  }
0x89: {  	s3 =	sld [smem:$0x3FFE];
	_ =	sdelay $0x1  }
0x8a: {  	s1 =	srdreg.scid  }
0x8b: {  	s0 =	sand.u32 $0x1, s1  }
0x8c: {  	s17 =	sshll.u32 s0, $0xA;
	s2 =	sadd.s32 s3, s2  }
0x8d: {  	s2 =	sadd.s32 s2, s17  }
0x8e: {  	[smem:$0x3FB8] =	sst s2  }
0x8f: {  	_ = 	snop  }
0x90: {  	s2 =	sld [smem:$0x3FC8];
	(tm) =	ssettm $0x1  }
0x91: {  	s18 =	sld [smem:$0x3FFB];
	_ =	sdelay $0x3  }
0x92: {  	_ =	strace s18  }
0x93: {  	s3 =	sld [smem:$0x3FFC];
	_ =	sdelay $0x3  }
0x94: {  	_ =	strace s3  }
0x95: {  	s3 =	sld [smem:$0x3FFD];
	_ =	sdelay $0x3  }
0x96: {  	_ =	strace s3  }
0x97: {  	_ =	strace $0x8FFFFFFF  }
0x98: {  	s19 =	sld [smem:$0x3FDB];
	_ =	sdelay $0x1  }
0x99: {  	s4 =	simm.s32 $_scs_section_size  }
0x9a: {  	s5 =	simm.s32 $_size__tile_overlayer_lowered;
	s6 =	simm.s32 $_tile_overlayer_lowered  }
0x9b: {  	s22 =	simm.s32 $0x1BFF;
	s21 =	sshll.u32 s6, $0x1;
	s3 =	sadd.s32 s4, s19  }
0x9c: {  	s7 =	simm.s32 $0x0;
	s20 =	sshll.u32 s5, $0x1;
	s5 =	sadd.s32 s21, s3  }
0x9d: {  	[timem:s7], [sflag:s22] =	dma.local [hbm:s5], s20  }
0x9e: {  	_ =	swait.ge [sflag:s22], s20  }
0x9f: {  	s4 =	ssub.s32 $0x0, s20;
	[sflag:s22] =	ssyncset.done $0x0  }
0xa0: {  	[sflag:s22] =	ssyncadd.s32 s4;
	_ =	sdelay $0x1  }
0xa1: {  	s23 =	simm.s32 $0x1B8B  }
0xa2: {  	_ =	swait.ge [sflag:s23], $0x1  }
0xa3: {  	[sflag:s23] =	ssyncset.done $0x0  }
0xa4: {  	s25 =	simm.s32 $0x1B8E;
	s24 =	sld [smem:$0x3FFE];
	[sflag:s23] =	ssyncadd.s32 $0xFFFFFFFF  }
0xa5: {  	s26 =	simm.s32 $execute0_lowered;
	[smem:$0x3FD2] =	sst s25  }
0xa6: {  	s5 =	sshll.u32 s26, $0x1;
	_ =	strace $0x80000046;
	[dreg:$0x1] =	wrdreg $0xFFFFFFFF  }
0xa7: {  	s28 =	simm.s32 $_size_execute0_lowered;
	s3 =	sadd.s32 s3, s5;
	[dreg:$0x0] =	wrdreg $0x0  }
0xa8: {  	s5 =	sshll.u32 s28, $0x1;
	[dreg:$0x2] =	wrdreg s3  }
0xa9: {  	[dreg:$0x3] =	wrdreg s5  }
0xaa: {  	[dreg:$0x4] =	wrdreg $0xC0  }
0xab: {  	_ =	task [dreg:s7], $0x5FFFF  }
0xac: {  	[dreg:$0x1] =	wrdreg $0xFFFFFFFF  }
0xad: {  	[dreg:$0x0] =	wrdreg $0x60  }
0xae: {  	[dreg:$0x2] =	wrdreg s2  }
0xaf: {  	[dreg:$0x3] =	wrdreg s24  }
0xb0: {  	[dreg:$0x4] =	wrdreg $0x2B000  }
0xb1: {  	[dreg:$0x5] =	wrdreg $0x9  }
0xb2: {  	_ =	task.clear_ibuf [dreg:s7], $0x6FFFF;
	_ =	strace $0x90000046  }
0xb3: {  	s29 =	simm.s32 $0x9;
	_ =	strace $0x80000048  }
0xb4: {  	_ =	swait.ge [sflag:s29], $0x1  }
0xb5: {  	[sflag:s29] =	ssyncadd.s32 $0xFFFFFFFF  }
0xb6: {  	_ =	strace $0x90000048  }
0xb7: {  	_ =	sfence  }
0xb8: {  	s30 =	sld [smem:$0x0];
	_ =	sdelay $0x2  }
0xb9: {  	s31 =	sshll.u32 s1, $0xD;
	s1 =	sshrl.u32 s1, $0x2  }
0xba: {  	s3 =	sand.u32 $0x4000, s31;
	s1 =	sadd.s32 s1, s30  }
0xbb: {  	s0 =	sor.u32 s3, s0;
	s1 =	sshll.u32 s1, $0x11  }
0xbc: {  	s0 =	sor.u32 s1, s0  }
0xbd: {  	s0 =	sadd.s32 $0x8F2B, s0  }
0xbe: {  	[sflag:s0] =	ssyncadd.remote.s32 $0x1  }
0xbf: {  	_ =	sfence.sel $0xFFFF  }
0xc0: {  	[dreg:$0x0] =	wrdreg $0xFFFFFFFF;
	(pc) =	sbr.abs _section_cstart, $3  }
0xc1: {  	[dreg:$0x1] =	wrdreg $0xFFFFFFFF  }
0xc2: {  	_ =	task.clear_ibuf [dreg:s7], $0x2FFFF;
	_ =	strace $0x9FFFFFFF  }
0xc3: {  	(tm) =	ssettm $0x7FFFFFFF  }
tec
execute0_lowered:
.L_overlay_start_1:
0x0: {  	(tag) =	ssettag $0x1  }
0x1: {  	s4 =	rddreg [dreg:$0x0]  }
0x2: {  	s5 =	rddreg [dreg:$0x1]  }
0x3: {  	s2 =	rddreg [dreg:$0x2]  }
0x4: {  	s3 =	srdreg.scid;
	s1 =	stileid.u32  }
0x5: {  	s0 =	rddreg [dreg:$0x3];
	s11 =	simm.s32 $0x80;
	s12 =	simm.s32 $0x100  }
0x6: {  	s13 =	simm.s32 $0x2800;
	s16 =	simm.s32 $0x20;
	s17 =	simm.s32 $0x10  }
0x7: {  	s18 =	simm.s32 $0x0;
	s6 =	sand.u32 $0x1, s3;
	s8 =	smul.u32 $0x500, s1  }
0x8: {  	s7 =	sshll.u32 s1, $0x1;
	s3 =	simm.s32 $0x0;
	s26 =	smul.u32 $0xA00, s1  }
0x9: {  	p0 =	sgt.u32 s1, $0x1;
	s14 =	sshll.u32 s1, $0x6;
	s7 =	sor.u32 s6, s7  }
0xa: {  	[smem:$0x7FF] =	sst s3;
	s9 =	sshll.u32 s6, $0x7;
	s28 =	ssub.s32 $0x2, s6  }
0xb: {  	s14 =	sor.u32 $0x1C01, s14;
	s10 =	smul.u32 $0x4E, s7;
	_ =	strace $0x80000047  }
0xc: {  	s8 =	sor.u32 s9, s8;
	s7 =	smin.u32 s7, $0x4;
	s30 =	sshrl.u32 s28, $0x1  }
0xd: {  	s9 =	sshrl.u32 s26, $0x2;
	s8 =	sshrl.u32 s8, $0x3;
	s31 =	ssub.s32 s28, s30  }
0xe: {  	s7 =	sadd.s32 s7, s10;
	s8 =	sadd.s32 s8, s5;
	s10 =	simm.s32 $0x1  }
0xf: {  	s29 =	sshll.u32 s7, $0x5;
	s7 =	sadd.s32 $0x3400, s8;
	s8 =	smax.u32 s31, $0x1  }
0x10: {  	s6 =	sadd.s32 s29, s4;
	s4 =	sadd.s32 s9, s2;
	s9 =	simm.s32 $0x2880  }
0x11: {  	v0 =	vimm.f32 $1.000000000e+00;
	v1 =	vimm.f32 $0.0e+00;
	s5 =	sadd.s32 $0x10, s6;
	s6 =	sadd.s32 $0x9D0, s6;
	s15 =	sshrl.u32 s4, $0x3  }
.LBB2_1:
0x12: {  	[tilespmem:$0x2800] =	vst v0  }
0x13: {  	[tilespmem:$0x2810] =	vst v0  }
0x14: {  	[tilespmem:$0x2820] =	vst v0  }
0x15: {  	[tilespmem:$0x2830] =	vst v0  }
0x16: {  	[tilespmem:$0x2840] =	vst v0  }
0x17: {  	[tilespmem:$0x2850] =	vst v0  }
0x18: {  	[tilespmem:$0x2860] =	vst v0  }
0x19: {  	[tilespmem:$0x2870] =	vst v0  }
0x1a: {  	[tilespmem:$0x2880] =	vst v1  }
0x1b: {  	[tilespmem:$0x2890] =	vst v1  }
0x1c: {  	[tilespmem:$0x28A0] =	vst v1  }
0x1d: {  	[tilespmem:$0x28B0] =	vst v1  }
0x1e: {  	[tilespmem:$0x28C0] =	vst v1  }
0x1f: {  	[tilespmem:$0x28D0] =	vst v1  }
0x20: {  	[tilespmem:$0x28E0] =	vst v1  }
0x21: {  	[tilespmem:$0x28F0] =	vst v1  }
0x22: {  	[tilespmem:$0x2900] =	vst v1  }
0x23: {  	[tilespmem:$0x2910] =	vst v1  }
0x24: {  	[tilespmem:$0x2920] =	vst v1  }
0x25: {  	[tilespmem:$0x2930] =	vst v1  }
0x26: {  	[tilespmem:$0x2940] =	vst v1  }
0x27: {  	[tilespmem:$0x2950] =	vst v1  }
0x28: {  	[tilespmem:$0x2960] =	vst v1  }
0x29: {  	[tilespmem:$0x2970] =	vst v1  }
0x2a: {  	[tilespmem:$0x2980] =	vst v1  }
0x2b: {  	[tilespmem:$0x2990] =	vst v1  }
0x2c: {  	[tilespmem:$0x29A0] =	vst v1  }
0x2d: {  	[tilespmem:$0x29B0] =	vst v1  }
0x2e: {  	[tilespmem:$0x29C0] =	vst v1  }
0x2f: {  	[tilespmem:$0x29D0] =	vst v1  }
0x30: {  	[tilespmem:$0x29E0] =	vst v1  }
0x31: {  	[tilespmem:$0x29F0] =	vst v1  }
0x32: {  	[tilespmem:$0x2A00] =	vst v1  }
0x33: {  	[tilespmem:$0x2A10] =	vst v1  }
0x34: {  	[tilespmem:$0x2A20] =	vst v1  }
0x35: {  	[tilespmem:$0x2A30] =	vst v1  }
0x36: {  	[tilespmem:$0x2A40] =	vst v1  }
0x37: {  	[tilespmem:$0x2A50] =	vst v1  }
0x38: {  	[tilespmem:$0x2A60] =	vst v1  }
0x39: {  	[tilespmem:$0x2A70] =	vst v1  }
0x3a: {  	[tilespmem:$0x2A80] =	vst v1  }
0x3b: {  	[tilespmem:$0x2A90] =	vst v1  }
0x3c: {  	[tilespmem:$0x2AA0] =	vst v1  }
0x3d: {  	[tilespmem:$0x2AB0] =	vst v1  }
0x3e: {  	[tilespmem:$0x2AC0] =	vst v1  }
0x3f: {  	[tilespmem:$0x2AD0] =	vst v1  }
0x40: {  	[tilespmem:$0x2AE0] =	vst v1  }
0x41: {  	[tilespmem:$0x2AF0] =	vst v1  }
0x42: {  	[spmem:s4] =	stream.linear.scatter [tilespmem:s9], [sflag:$0x1], $0x280, $0x38;
	[tilespmem:$0x2D80] =	vst v63  }
0x43: {  	_ =	swait.ge [sflag:s10], $0x280  }
0x44: {  	[sflag:s10] =	ssyncset.done $0x0  }
0x45: {  	[sflag:s10] =	ssyncadd.s32 $0xFFFFFD80  }
0x46: {  	[tilespmem:s3], [sflag:$0x1] =	stream.strided.gather [hbm4b:s5+s11], $0x2700, s12, s11, $0x38;
	[tilespmem:$0x2D80] =	vst v63  }
0x47: {  	_ =	swait.ge [sflag:s10], $0x2700  }
0x48: {  	[sflag:s10] =	ssyncset.done $0x0  }
0x49: {  	s19 =	simm.s32 @!p0 $0x0;
	s20 =	simm.s32 @!p0 $0x2700;
	[sflag:s10] =	ssyncadd.s32 $0xFFFFD900  }
0x4a: {  	[tilespmem:s20], [sflag:$0x1] =	stream.linear.gather @!p0 [hbm4b:s6+s19], $0x80, $0x38;
	[tilespmem:$0x2D80] =	vst v63  }
0x4b: {  	s19 =	simm.s32 @!p0 $0x1  }
0x4c: {  	_ =	swait.ge @!p0 [sflag:s19], $0x80  }
0x4d: {  	[sflag:s19] =	ssyncset.done @!p0 $0x0  }
0x4e: {  	[sflag:s19] =	ssyncadd.s32 @!p0 $0xFFFFFF80  }
0x4f: {  	s31 =	simm.s32 $0x0;
	[bflag:$0x0] =	sbarrier.arrive $0xFFFF  }
0x50: {  	[spmem:s2] =	stream.indirect.scatter.add.f32 [tilespmem:s13], [sflag:$0x1], $0x1, s31, s11, $0xb8;
	[tilespmem:$0x2D80] =	vst v63  }
0x51: {  	_ =	swait.ge [sflag:s10], $0x80  }
0x52: {  	s19 =	simm.s32 $0x200;
	[sflag:s10] =	ssyncset.done $0x0  }
.LBB2_2:
0x53: {  	s20 =	sshra.s32 s19, $0x2;
	[sflag:s10] =	ssyncadd.s32 $0xFFFFFF80;
	p1 =	sne.s32 s19, $0x9A00  }
0x54: {  	[spmem:s2] =	stream.indirect.scatter.add.f32 [tilespmem:s13], [sflag:$0x1], $0x1, s20, s11, $0xb8;
	[tilespmem:$0x2D80] =	vst v63  }
.Ltmp0:
0x55: {  	_ = 	snop;
	(pc) =	sbr.rel @p1 .LBB2_2-.Ltmp0, $4  }
0x56: {  	_ = 	snop  }
0x57: {  	s19 =	sadd.s32 $0x200, s19  }
0x58: {  	_ =	swait.ge [sflag:s10], $0x80  }
0x59: {  	[sflag:s10] =	ssyncset.done $0x0  }
0x5a: {  	[sflag:s10] =	ssyncadd.s32 $0xFFFFFF80  }
0x5b: {  	s19 =	simm.s32 @!p0 $0x80;
	s20 =	simm.s32 @!p0 $0x2700;
	s21 =	simm.s32 @!p0 $0x2800  }
0x5c: {  	[spmem:s2] =	stream.indirect.scatter.add.f32 @!p0 [tilespmem:s21], [sflag:$0x1], $0x1, s20, s19, $0xb8;
	[tilespmem:$0x2D80] =	vst v63  }
0x5d: {  	s19 =	simm.s32 @!p0 $0x1  }
0x5e: {  	_ =	swait.ge @!p0 [sflag:s19], $0x80  }
0x5f: {  	s18 =	sadd.s32 $0x1, s18;
	[sflag:s19] =	ssyncset.done @!p0 $0x0  }
0x60: {  	p1 =	sne.s32 s18, s8;
	[sflag:s19] =	ssyncadd.s32 @!p0 $0xFFFFFF80  }
.Ltmp1:
0x61: {  	[bflag:$0x0] =	sbarrier.arrive $0xFFFF;
	(pc) =	sbr.rel @p1 .LBB2_1-.Ltmp1, $4  }
0x62: {  	[hbm:s7@s16], [sflag:s14] =	dma.strided [spmem:s15@s17], $0x50, s10, $0x10   }
0x63: {  	_ =	swait.ge [sflag:s10], $0x50  }
0x64: {  	[sflag:s10] =	ssyncset.done $0x0  }
0x65: {  	[sflag:s10] =	ssyncadd.s32 $0xFFFFFFB0  }
0x66: {  	_ =	sfence.sel $0x180000  }
0x67: {  	[bflag:$0x0] =	sbarrier.arrive $0xFFFF  }
0x68: {  	p0 =	sne.s32 s1, $0x0;
	_ =	strace $0x90000047  }
0x69: {  	s0 =	sadd.s32 @!p0 $0x100000, s0;
	[bflag:$0x2] =	sbarrier.arrive $0xFFFF  }
0x6a: {  	[sflag:s0] =	ssyncadd.tile.s32 @!p0 $0x1;
	_ =	shalt  }
.Lfunc_end2:
_tile_overlayer_lowered:
.L_overlay_start_2:
0x6b: {  	(tag) =	ssettag $0x2  }
0x6c: {  	s0 =	rddreg [dreg:$0x0];
	s2 =	stileid.u32  }
0x6d: {  	s1 =	rddreg [dreg:$0x1];
	p0 =	sne.s32 s2, $0x0  }
0x6e: {  	s3 =	rddreg [dreg:$0x2];
	[bflag:$0x3] =	sbarrier.arrive $0xFFFF;
	s2 =	simm.s32 @!p0 $0x1C01  }
0x6f: {  	[timem:s3], [sflag:s2] =	dma.local @!p0 [hbm:s0], s1  }
0x70: {  	s0 =	simm.s32 @!p0 $0x1  }
0x71: {  	_ =	swait.ge @!p0 [sflag:s0], s1  }
0x72: {  	s1 =	ssub.s32 @!p0 $0x0, s1;
	[sflag:s0] =	ssyncset.done @!p0 $0x0  }
0x73: {  	[sflag:s0] =	ssyncadd.s32 @!p0 s1  }
0x74: {  	[bflag:$0x3] =	sbarrier.arrive $0xFFFF  }
0x75: {  	_ =	shalt  }

</sc_bundles>
